<compile_context>
chip_gen: v7x
topology: tpu7x:2x2x1
jax: 0.10.2.dev20260603
libtpu: 0.0.44.dev20260713+nightly
codegen_flags: <defaults>
</compile_context>

<pallas_src>
import functools

import jax
import jax.numpy as jnp
from jax import lax
from jax.experimental import pallas as pl
from jax.experimental.pallas import tpu as pltpu
from jax.experimental.pallas import tpu_sc as plsc

N_NODES = 10000
NPAD = 10240
D = 128
NC, NS = 2, 16
CHUNK = 128
ROWS_PER_TILE = NPAD // NS
EPAD = 327680
EROWS = EPAD // CHUNK
DEG_CH_PER_T = EROWS // NS
AGG_CH_PER_W = EROWS // (NC * NS)
AGG_PH = 2
AGG_CH_PER_PH = AGG_CH_PER_W // AGG_PH
DUMMY = N_NODES

_sc_mesh = plsc.VectorSubcoreMesh(core_axis_name="c", subcore_axis_name="s")


@functools.partial(
    pl.kernel,
    out_type=jax.ShapeDtypeStruct((NC, NPAD, D), jnp.float32),
    mesh=_sc_mesh,
    scratch_types=[
        pltpu.VMEM((DEG_CH_PER_T, CHUNK), jnp.int32),
        pltpu.VMEM((CHUNK, D), jnp.float32),
        pltpu.VMEM_SHARED((NPAD, D), jnp.float32),
        pltpu.SemaphoreType.DMA,
    ],
)
def _degree_kernel(src_hbm, dst_hbm, ones_hbm, zeros_hbm, out_hbm,
                   idx_v, ones_v, deg_sh, sd):
    c = lax.axis_index("c")
    s = lax.axis_index("s")
    r0 = s * ROWS_PER_TILE
    pltpu.sync_copy(zeros_hbm.at[pl.ds(r0, ROWS_PER_TILE)],
                    deg_sh.at[pl.ds(r0, ROWS_PER_TILE)])
    pltpu.sync_copy(ones_hbm, ones_v)

    e0 = s * DEG_CH_PER_T

    @pl.when(c == 0)
    def _():
        pltpu.sync_copy(src_hbm.at[pl.ds(e0, DEG_CH_PER_T)], idx_v)

    @pl.when(c == 1)
    def _():
        pltpu.sync_copy(dst_hbm.at[pl.ds(e0, DEG_CH_PER_T)], idx_v)

    plsc.subcore_barrier()

    def body(g, carry):
        j0 = 8 * g
        for t in range(8):
            pltpu.async_copy(ones_v, deg_sh.at[idx_v.at[j0 + t]], sd,
                             add=True)
        for t in range(8):
            pltpu.make_async_copy(ones_v, deg_sh.at[idx_v.at[j0 + t]],
                                  sd).wait()
        return carry

    lax.fori_loop(0, DEG_CH_PER_T // 8, body, 0)
    plsc.subcore_barrier()

    @pl.when(c == 0)
    def _():
        pltpu.sync_copy(deg_sh.at[pl.ds(r0, ROWS_PER_TILE)],
                        out_hbm.at[0, pl.ds(r0, ROWS_PER_TILE)])

    @pl.when(c == 1)
    def _():
        pltpu.sync_copy(deg_sh.at[pl.ds(r0, ROWS_PER_TILE)],
                        out_hbm.at[1, pl.ds(r0, ROWS_PER_TILE)])


@functools.partial(
    pl.kernel,
    out_type=jax.ShapeDtypeStruct((NC, NPAD, D), jnp.float32),
    mesh=_sc_mesh,
    scratch_types=[
        pltpu.VMEM((AGG_CH_PER_PH, CHUNK), jnp.int32),
        pltpu.VMEM((AGG_CH_PER_PH, CHUNK), jnp.int32),
        pltpu.VMEM((CHUNK, D), jnp.float32),
        pltpu.VMEM((CHUNK, D), jnp.float32),
        pltpu.VMEM_SHARED((NPAD, D), jnp.float32),
        pltpu.SemaphoreType.DMA,
        pltpu.SemaphoreType.DMA,
    ],
)
def _agg_kernel(h_hbm, src_hbm, dst_hbm, zeros_hbm, out_hbm,
                sidx, didx, g0, g1, agg_sh, sg0, sg1):
    c = lax.axis_index("c")
    s = lax.axis_index("s")
    r0 = s * ROWS_PER_TILE
    pltpu.sync_copy(zeros_hbm.at[pl.ds(r0, ROWS_PER_TILE)],
                    agg_sh.at[pl.ds(r0, ROWS_PER_TILE)])
    plsc.subcore_barrier()

    for phase in range(AGG_PH):
        e0 = (c * NS + s) * AGG_CH_PER_W + phase * AGG_CH_PER_PH
        pltpu.sync_copy(src_hbm.at[pl.ds(e0, AGG_CH_PER_PH)], sidx)
        pltpu.sync_copy(dst_hbm.at[pl.ds(e0, AGG_CH_PER_PH)], didx)
        pltpu.async_copy(h_hbm.at[sidx.at[0]], g0, sg0)

        def body(i, carry):
            j0 = 2 * i

            pltpu.async_copy(h_hbm.at[sidx.at[j0 + 1]], g1, sg1)

            pltpu.make_async_copy(h_hbm.at[sidx.at[j0]], g0, sg0).wait()
            pltpu.sync_copy(g0, agg_sh.at[didx.at[j0]], add=True)

            @pl.when(j0 + 2 < AGG_CH_PER_PH)
            def _():
                pltpu.async_copy(h_hbm.at[sidx.at[j0 + 2]], g0, sg0)

            pltpu.make_async_copy(h_hbm.at[sidx.at[j0 + 1]], g1, sg1).wait()
            pltpu.sync_copy(g1, agg_sh.at[didx.at[j0 + 1]], add=True)

            return carry

        lax.fori_loop(0, AGG_CH_PER_PH // 2, body, 0)
    plsc.subcore_barrier()

    @pl.when(c == 0)
    def _():
        pltpu.sync_copy(agg_sh.at[pl.ds(r0, ROWS_PER_TILE)],
                        out_hbm.at[0, pl.ds(r0, ROWS_PER_TILE)])

    @pl.when(c == 1)
    def _():
        pltpu.sync_copy(agg_sh.at[pl.ds(r0, ROWS_PER_TILE)],
                        out_hbm.at[1, pl.ds(r0, ROWS_PER_TILE)])


BLK = 512
GRID = NPAD // BLK

_f32 = jnp.float32


def _norm_col(deg_ref):
    d = deg_ref[...][:, :1]
    return lax.rsqrt(jnp.maximum(d, 1.0))


def _t0_body(feat_ref, dego_ref, w_ref, o_ref):
    x = feat_ref[...] * _norm_col(dego_ref)
    o_ref[...] = jnp.dot(x, w_ref[...], preferred_element_type=_f32)


_t0 = pl.pallas_call(
    _t0_body,
    grid=(GRID,),
    in_specs=[
        pl.BlockSpec((BLK, D), lambda i: (i, 0)),
        pl.BlockSpec((BLK, D), lambda i: (i, 0)),
        pl.BlockSpec((D, D), lambda i: (0, 0)),
    ],
    out_specs=pl.BlockSpec((BLK, D), lambda i: (i, 0)),
    out_shape=jax.ShapeDtypeStruct((NPAD, D), _f32),
)


def _tmid_body(a0_ref, a1_ref, degi_ref, dego_ref, b_ref, wn_ref, wc_ref,
               acc_ref, h_ref, out_ref):
    agg = (a0_ref[...] + a1_ref[...]) * _norm_col(degi_ref)
    x = jnp.maximum(agg + b_ref[...], 0.0)
    h_ref[...] = jnp.dot(x * _norm_col(dego_ref), wn_ref[...],
                         preferred_element_type=_f32)
    out_ref[...] = acc_ref[...] + jnp.dot(x, wc_ref[...],
                                          preferred_element_type=_f32)


_tmid = pl.pallas_call(
    _tmid_body,
    grid=(GRID,),
    in_specs=[
        pl.BlockSpec((BLK, D), lambda i: (i, 0)),
        pl.BlockSpec((BLK, D), lambda i: (i, 0)),
        pl.BlockSpec((BLK, D), lambda i: (i, 0)),
        pl.BlockSpec((BLK, D), lambda i: (i, 0)),
        pl.BlockSpec((1, D), lambda i: (0, 0)),
        pl.BlockSpec((D, D), lambda i: (0, 0)),
        pl.BlockSpec((D, D), lambda i: (0, 0)),
        pl.BlockSpec((BLK, D), lambda i: (i, 0)),
    ],
    out_specs=(
        pl.BlockSpec((BLK, D), lambda i: (i, 0)),
        pl.BlockSpec((BLK, D), lambda i: (i, 0)),
    ),
    out_shape=(
        jax.ShapeDtypeStruct((NPAD, D), _f32),
        jax.ShapeDtypeStruct((NPAD, D), _f32),
    ),
)


def _tfin_body(a0_ref, a1_ref, degi_ref, b_ref, acc_ref, wc_ref, bc_ref,
               out_ref):
    agg = (a0_ref[...] + a1_ref[...]) * _norm_col(degi_ref)
    x = jnp.maximum(agg + b_ref[...], 0.0)
    out_ref[...] = (acc_ref[...] + bc_ref[...]
                    + jnp.dot(x, wc_ref[...], preferred_element_type=_f32))


_tfin = pl.pallas_call(
    _tfin_body,
    grid=(GRID,),
    in_specs=[
        pl.BlockSpec((BLK, D), lambda i: (i, 0)),
        pl.BlockSpec((BLK, D), lambda i: (i, 0)),
        pl.BlockSpec((BLK, D), lambda i: (i, 0)),
        pl.BlockSpec((1, D), lambda i: (0, 0)),
        pl.BlockSpec((BLK, D), lambda i: (i, 0)),
        pl.BlockSpec((D, D), lambda i: (0, 0)),
        pl.BlockSpec((1, D), lambda i: (0, 0)),
    ],
    out_specs=pl.BlockSpec((BLK, D), lambda i: (i, 0)),
    out_shape=jax.ShapeDtypeStruct((NPAD, D), _f32),
)


def kernel(graph, feat, W0, b0, W1, b1, W2, b2, Wc, bc):
    n_classes = Wc.shape[1]
    src = graph[0].astype(jnp.int32)
    dst = graph[1].astype(jnp.int32)
    ne = src.shape[0]
    src_p = jnp.full((EPAD,), DUMMY, jnp.int32).at[:ne].set(src).reshape(EROWS, CHUNK)
    dst_p = jnp.full((EPAD,), DUMMY, jnp.int32).at[:ne].set(dst).reshape(EROWS, CHUNK)
    feat_p = jnp.pad(feat, ((0, NPAD - N_NODES), (0, 0)))
    zeros_d = jnp.zeros((NPAD, D), _f32)
    ones_d = jnp.ones((CHUNK, D), _f32)
    Wcp = jnp.zeros((3 * D, D), _f32).at[:, :n_classes].set(Wc)
    bcp = jnp.zeros((1, D), _f32).at[0, :n_classes].set(bc)

    degs = _degree_kernel(src_p, dst_p, ones_d, zeros_d)
    dego = degs[0]
    degi = degs[1]

    h = _t0(feat_p, dego, W0)
    parts = _agg_kernel(h, src_p, dst_p, zeros_d)
    h, acc = _tmid(parts[0], parts[1], degi, dego, b0.reshape(1, D), W1,
                   Wcp[0:D], zeros_d)
    parts = _agg_kernel(h, src_p, dst_p, zeros_d)
    h, acc = _tmid(parts[0], parts[1], degi, dego, b1.reshape(1, D), W2,
                   Wcp[D:2 * D], acc)
    parts = _agg_kernel(h, src_p, dst_p, zeros_d)
    out = _tfin(parts[0], parts[1], degi, b2.reshape(1, D), acc,
                Wcp[2 * D:3 * D], bcp)
    return out[:N_NODES, :n_classes]

# --- scband reference (transcript-rebuilt; emitter-appended) ---
"""Pipeline reference for scband-jknet-31576599560557 (READ-ONLY COPY).

The authoritative reference and input builder live on the scoring server;
editing this copy changes nothing except your own understanding.
"""

import jax, jax.numpy as jnp
import numpy as np

N_NODES = 10000
N_EDGES = 320000
IN_FEATS = 128
N_HIDDEN = 128
N_CLASSES = 40
N_LAYERS = 3


def setup_inputs(seed: int = 0) -> dict:
    key = jax.random.key(seed)
    ks = jax.random.split(key, 12)
    graph = jax.random.randint(ks[0], (2, N_EDGES), 0, N_NODES, dtype=jnp.int64)
    feat = jax.random.normal(ks[1], (N_NODES, IN_FEATS), dtype=jnp.float32)
    # GraphConv weights (Glorot-ish scaling)
    W0 = jax.random.normal(ks[2], (IN_FEATS, N_HIDDEN), dtype=jnp.float32) * (1.0 / np.sqrt(IN_FEATS))
    b0 = jnp.zeros((N_HIDDEN,), dtype=jnp.float32)
    W1 = jax.random.normal(ks[3], (N_HIDDEN, N_HIDDEN), dtype=jnp.float32) * (1.0 / np.sqrt(N_HIDDEN))
    b1 = jnp.zeros((N_HIDDEN,), dtype=jnp.float32)
    W2 = jax.random.normal(ks[4], (N_HIDDEN, N_HIDDEN), dtype=jnp.float32) * (1.0 / np.sqrt(N_HIDDEN))
    b2 = jnp.zeros((N_HIDDEN,), dtype=jnp.float32)
    Wc = jax.random.normal(ks[5], (N_LAYERS * N_HIDDEN, N_CLASSES), dtype=jnp.float32) * (1.0 / np.sqrt(N_LAYERS * N_HIDDEN))
    bc = jnp.zeros((N_CLASSES,), dtype=jnp.float32)
    return {"graph": graph, "feat": feat, "W0": W0, "b0": b0, "W1": W1, "b1": b1, "W2": W2, "b2": b2, "Wc": Wc, "bc": bc}


def _graph_conv(x, src, dst, W, b, n_nodes):
    # DGL GraphConv with norm='both': D_out^{-1/2} applied on src features,
    # sum aggregation over edges, D_in^{-1/2} applied on dst, then bias.
    ones = jnp.ones((src.shape[0],), dtype=x.dtype)
    deg_out = jnp.zeros((n_nodes,), dtype=x.dtype).at[src].add(ones)
    deg_in = jnp.zeros((n_nodes,), dtype=x.dtype).at[dst].add(ones)
    norm_src = jnp.power(jnp.clip(deg_out, 1.0, None), -0.5)
    norm_dst = jnp.power(jnp.clip(deg_in, 1.0, None), -0.5)
    h = x * norm_src[:, None]
    h = h @ W
    msg = h[src]  # gather
    agg = jnp.zeros((n_nodes, h.shape[1]), dtype=x.dtype).at[dst].add(msg)  # scatter-add
    return agg * norm_dst[:, None] + b


def reference(graph, feat, W0, b0, W1, b1, W2, b2, Wc, bc):
    src = graph[0]
    dst = graph[1]
    n_nodes = feat.shape[0]
    layer_outputs = []
    x = feat
    for (W, b) in ((W0, b0), (W1, b1), (W2, b2)):
        x = _graph_conv(x, src, dst, W, b, n_nodes)
        x = jax.nn.relu(x)
        # dropout rate is 0.0 -> identity
        layer_outputs.append(x)
    h_aggr = jnp.concatenate(layer_outputs, axis=1)  # aggr='concat'
    return h_aggr @ Wc + bc

if __name__ == "__main__":
    import jax
    _d = setup_inputs()
    print(jax.jit(kernel)(*tuple(_d.values())))

</pallas_src>

<mosaic_0001>
#map = affine_map<(d0, d1) -> (0, 0)>
#map1 = affine_map<(d0, d1) -> (0, 0, 0)>
module attributes {stable_mosaic.version = 14 : i64} {
  func.func @_agg_kernel(%arg0: i32, %arg1: i32, %arg2: memref<10240x128xf32, #tpu.memory_space<hbm>>, %arg3: memref<2560x128xi32, #tpu.memory_space<hbm>>, %arg4: memref<2560x128xi32, #tpu.memory_space<hbm>>, %arg5: memref<10240x128xf32, #tpu.memory_space<hbm>>, %arg6: memref<2x10240x128xf32, #tpu.memory_space<hbm>>, %arg7: memref<40x128xi32, #tpu.memory_space<vmem>>, %arg8: memref<40x128xi32, #tpu.memory_space<vmem>>, %arg9: memref<128x128xf32, #tpu.memory_space<vmem>>, %arg10: memref<128x128xf32, #tpu.memory_space<vmem>>, %arg11: memref<10240x128xf32, #tpu.memory_space<vmem_shared>>, %arg12: memref<!tpu.dma_semaphore, #tpu.memory_space<semaphore_mem>>, %arg13: memref<!tpu.dma_semaphore, #tpu.memory_space<semaphore_mem>>) attributes {dimension_semantics = [#tpu.dimension_semantics<core_parallel>, #tpu.dimension_semantics<subcore_parallel>], iteration_bounds = array<i64: 2, 16>, scalar_prefetch = 0 : i64, scratch_operands = 7 : i64, tpu.core_type = #tpu.core_type<sc_vector_subcore>, window_params = [{transform_indices = #map}, {transform_indices = #map}, {transform_indices = #map}, {transform_indices = #map}, {transform_indices = #map1}]} {
    %mul3A = arith.constant 640 : i32
    %mul3A_0 = arith.muli %arg1, %mul3A : i32
    "tpu.region"() ({
      %run_scoped3A = tpu.sem_alloc : memref<!tpu.dma_semaphore, #tpu.memory_space<semaphore_mem>>
      %dma_start3A_46 = arith.constant 0 : i32
      %dma_start3A_47 = tpu.memref_slice %arg11[%mul3A_0, %dma_start3A_46] : memref<10240x128xf32, #tpu.memory_space<vmem_shared>> -> memref<640x128xf32, #tpu.memory_space<vmem_shared>>
      %dma_start3A_48 = arith.constant 0 : i32
      %dma_start3A_49 = tpu.memref_slice %arg5[%mul3A_0, %dma_start3A_48] : memref<10240x128xf32, #tpu.memory_space<hbm>> -> memref<640x128xf32, #tpu.memory_space<hbm>>
      tpu.enqueue_dma source(%dma_start3A_49 : memref<640x128xf32, #tpu.memory_space<hbm>>) target(%dma_start3A_47 : memref<640x128xf32, #tpu.memory_space<vmem_shared>>) target_semaphore(%run_scoped3A : memref<!tpu.dma_semaphore, #tpu.memory_space<semaphore_mem>>)
      %dma_wait3A = arith.constant 0 : i32
      %dma_wait3A_50 = tpu.memref_slice %arg11[%mul3A_0, %dma_wait3A] : memref<10240x128xf32, #tpu.memory_space<vmem_shared>> -> memref<640x128xf32, #tpu.memory_space<vmem_shared>>
      %dma_wait3A_51 = arith.constant 0 : i32
      %dma_wait3A_52 = tpu.memref_slice %arg5[%mul3A_0, %dma_wait3A_51] : memref<10240x128xf32, #tpu.memory_space<hbm>> -> memref<640x128xf32, #tpu.memory_space<hbm>>
      tpu.wait_dma2 semaphore(%run_scoped3A : memref<!tpu.dma_semaphore, #tpu.memory_space<semaphore_mem>>) src(%dma_wait3A_52 : memref<640x128xf32, #tpu.memory_space<hbm>>) dst(%dma_wait3A_50 : memref<640x128xf32, #tpu.memory_space<vmem_shared>>)
      tpu.yield
    }) : () -> ()
    %barrier3A = arith.constant 0 : index
    tpu.barrier barrier_id(%barrier3A)
    %mul3A_1 = arith.constant 16 : i32
    %mul3A_2 = arith.muli %arg0, %mul3A_1 : i32
    %add3A = arith.addi %mul3A_2, %arg1 : i32
    %mul3A_3 = arith.constant 80 : i32
    %mul3A_4 = arith.muli %add3A, %mul3A_3 : i32
    %add3A_5 = arith.constant 0 : i32
    %add3A_6 = arith.addi %mul3A_4, %add3A_5 : i32
    "tpu.region"() ({
      %run_scoped3A = tpu.sem_alloc : memref<!tpu.dma_semaphore, #tpu.memory_space<semaphore_mem>>
      %dma_start3A_46 = arith.constant 0 : i32
      %dma_start3A_47 = tpu.memref_slice %arg3[%add3A_6, %dma_start3A_46] : memref<2560x128xi32, #tpu.memory_space<hbm>> -> memref<40x128xi32, #tpu.memory_space<hbm>>
      %dma_start3A_48 = arith.constant 0 : i32
      %dma_start3A_49 = tpu.memref_slice %arg3[%add3A_6, %dma_start3A_48] : memref<2560x128xi32, #tpu.memory_space<hbm>> -> memref<40x128xi32, #tpu.memory_space<hbm>>
      tpu.enqueue_dma source(%dma_start3A_49 : memref<40x128xi32, #tpu.memory_space<hbm>>) target(%arg7 : memref<40x128xi32, #tpu.memory_space<vmem>>) target_semaphore(%run_scoped3A : memref<!tpu.dma_semaphore, #tpu.memory_space<semaphore_mem>>)
      %dma_wait3A = arith.constant 0 : i32
      %dma_wait3A_50 = tpu.memref_slice %arg3[%add3A_6, %dma_wait3A] : memref<2560x128xi32, #tpu.memory_space<hbm>> -> memref<40x128xi32, #tpu.memory_space<hbm>>
      %dma_wait3A_51 = arith.constant 0 : i32
      %dma_wait3A_52 = tpu.memref_slice %arg3[%add3A_6, %dma_wait3A_51] : memref<2560x128xi32, #tpu.memory_space<hbm>> -> memref<40x128xi32, #tpu.memory_space<hbm>>
      tpu.wait_dma2 semaphore(%run_scoped3A : memref<!tpu.dma_semaphore, #tpu.memory_space<semaphore_mem>>) src(%dma_wait3A_52 : memref<40x128xi32, #tpu.memory_space<hbm>>) dst(%arg7 : memref<40x128xi32, #tpu.memory_space<vmem>>)
      tpu.yield
    }) : () -> ()
    "tpu.region"() ({
      %run_scoped3A = tpu.sem_alloc : memref<!tpu.dma_semaphore, #tpu.memory_space<semaphore_mem>>
      %dma_start3A_46 = arith.constant 0 : i32
      %dma_start3A_47 = tpu.memref_slice %arg4[%add3A_6, %dma_start3A_46] : memref<2560x128xi32, #tpu.memory_space<hbm>> -> memref<40x128xi32, #tpu.memory_space<hbm>>
      %dma_start3A_48 = arith.constant 0 : i32
      %dma_start3A_49 = tpu.memref_slice %arg4[%add3A_6, %dma_start3A_48] : memref<2560x128xi32, #tpu.memory_space<hbm>> -> memref<40x128xi32, #tpu.memory_space<hbm>>
      tpu.enqueue_dma source(%dma_start3A_49 : memref<40x128xi32, #tpu.memory_space<hbm>>) target(%arg8 : memref<40x128xi32, #tpu.memory_space<vmem>>) target_semaphore(%run_scoped3A : memref<!tpu.dma_semaphore, #tpu.memory_space<semaphore_mem>>)
      %dma_wait3A = arith.constant 0 : i32
      %dma_wait3A_50 = tpu.memref_slice %arg4[%add3A_6, %dma_wait3A] : memref<2560x128xi32, #tpu.memory_space<hbm>> -> memref<40x128xi32, #tpu.memory_space<hbm>>
      %dma_wait3A_51 = arith.constant 0 : i32
      %dma_wait3A_52 = tpu.memref_slice %arg4[%add3A_6, %dma_wait3A_51] : memref<2560x128xi32, #tpu.memory_space<hbm>> -> memref<40x128xi32, #tpu.memory_space<hbm>>
      tpu.wait_dma2 semaphore(%run_scoped3A : memref<!tpu.dma_semaphore, #tpu.memory_space<semaphore_mem>>) src(%dma_wait3A_52 : memref<40x128xi32, #tpu.memory_space<hbm>>) dst(%arg8 : memref<40x128xi32, #tpu.memory_space<vmem>>)
      tpu.yield
    }) : () -> ()
    %dma_start3A = arith.constant 0 : i32
    %dma_start3A_7 = arith.constant 0 : i32
    %dma_start3A_8 = tpu.memref_slice %arg7[%dma_start3A, %dma_start3A_7] : memref<40x128xi32, #tpu.memory_space<vmem>> -> memref<1x128xi32, #tpu.memory_space<vmem>>
    %dma_start3A_9 = tpu.memref_squeeze %dma_start3A_8 : memref<1x128xi32, #tpu.memory_space<vmem>> -> memref<128xi32, #tpu.memory_space<vmem>>
    %dma_start3A_10 = arith.constant 0 : i32
    %dma_start3A_11 = arith.constant 0 : i32
    %dma_start3A_12 = tpu.memref_slice %arg2[%dma_start3A_10, %dma_start3A_11] : memref<10240x128xf32, #tpu.memory_space<hbm>> -> memref<10240x128xf32, #tpu.memory_space<hbm>>
    tpu.enqueue_indirect_dma source(%dma_start3A_12 : memref<10240x128xf32, #tpu.memory_space<hbm>>) target(%arg9 : memref<128x128xf32, #tpu.memory_space<vmem>>) offsets(%dma_start3A_9 : memref<128xi32, #tpu.memory_space<vmem>>) semaphore(%arg12 : memref<!tpu.dma_semaphore, #tpu.memory_space<semaphore_mem>>)
    %scan3A = arith.constant 0 : i32
    %scan3A_13 = arith.constant 0 : i32
    %scan3A_14 = arith.constant 20 : i32
    %scan3A_15 = arith.addi %scan3A_13, %scan3A_14 : i32
    %scan3A_16 = arith.constant 1 : i32
    scf.for %scan3A_46 = %scan3A_13 to %scan3A_15 step %scan3A_16  : i32 {
      %mul3A_47 = arith.constant 2 : i32
      %mul3A_48 = arith.muli %mul3A_47, %scan3A_46 : i32
      %add3A_49 = arith.constant 1 : i32
      %add3A_50 = arith.addi %mul3A_48, %add3A_49 : i32
      %dma_start3A_51 = arith.constant 0 : i32
      %dma_start3A_52 = tpu.memref_slice %arg7[%add3A_50, %dma_start3A_51] : memref<40x128xi32, #tpu.memory_space<vmem>> -> memref<1x128xi32, #tpu.memory_space<vmem>>
      %dma_start3A_53 = tpu.memref_squeeze %dma_start3A_52 : memref<1x128xi32, #tpu.memory_space<vmem>> -> memref<128xi32, #tpu.memory_space<vmem>>
      %dma_start3A_54 = arith.constant 0 : i32
      %dma_start3A_55 = arith.constant 0 : i32
      %dma_start3A_56 = tpu.memref_slice %arg2[%dma_start3A_54, %dma_start3A_55] : memref<10240x128xf32, #tpu.memory_space<hbm>> -> memref<10240x128xf32, #tpu.memory_space<hbm>>
      tpu.enqueue_indirect_dma source(%dma_start3A_56 : memref<10240x128xf32, #tpu.memory_space<hbm>>) target(%arg10 : memref<128x128xf32, #tpu.memory_space<vmem>>) offsets(%dma_start3A_53 : memref<128xi32, #tpu.memory_space<vmem>>) semaphore(%arg13 : memref<!tpu.dma_semaphore, #tpu.memory_space<semaphore_mem>>)
      %dma_wait3A = arith.constant 0 : i32
      %dma_wait3A_57 = tpu.memref_slice %arg7[%mul3A_48, %dma_wait3A] : memref<40x128xi32, #tpu.memory_space<vmem>> -> memref<1x128xi32, #tpu.memory_space<vmem>>
      %dma_wait3A_58 = tpu.memref_squeeze %dma_wait3A_57 : memref<1x128xi32, #tpu.memory_space<vmem>> -> memref<128xi32, #tpu.memory_space<vmem>>
      %dma_wait3A_59 = arith.constant 0 : i32
      %dma_wait3A_60 = arith.constant 0 : i32
      %dma_wait3A_61 = tpu.memref_slice %arg2[%dma_wait3A_59, %dma_wait3A_60] : memref<10240x128xf32, #tpu.memory_space<hbm>> -> memref<10240x128xf32, #tpu.memory_space<hbm>>
      tpu.wait_indirect_dma semaphore(%arg12 : memref<!tpu.dma_semaphore, #tpu.memory_space<semaphore_mem>>) src(%dma_wait3A_61 : memref<10240x128xf32, #tpu.memory_space<hbm>>) dst(%arg9 : memref<128x128xf32, #tpu.memory_space<vmem>>)
      "tpu.region"() ({
        %run_scoped3A = tpu.sem_alloc : memref<!tpu.dma_semaphore, #tpu.memory_space<semaphore_mem>>
        %dma_start3A_78 = arith.constant 0 : i32
        %dma_start3A_79 = tpu.memref_slice %arg8[%mul3A_48, %dma_start3A_78] : memref<40x128xi32, #tpu.memory_space<vmem>> -> memref<1x128xi32, #tpu.memory_space<vmem>>
        %dma_start3A_80 = tpu.memref_squeeze %dma_start3A_79 : memref<1x128xi32, #tpu.memory_space<vmem>> -> memref<128xi32, #tpu.memory_space<vmem>>
        %dma_start3A_81 = arith.constant 0 : i32
        %dma_start3A_82 = arith.constant 0 : i32
        %dma_start3A_83 = tpu.memref_slice %arg11[%dma_start3A_81, %dma_start3A_82] : memref<10240x128xf32, #tpu.memory_space<vmem_shared>> -> memref<10240x128xf32, #tpu.memory_space<vmem_shared>>
        tpu.enqueue_indirect_dma source(%arg9 : memref<128x128xf32, #tpu.memory_space<vmem>>) target(%dma_start3A_83 : memref<10240x128xf32, #tpu.memory_space<vmem_shared>>) offsets(%dma_start3A_80 : memref<128xi32, #tpu.memory_space<vmem>>) semaphore(%run_scoped3A : memref<!tpu.dma_semaphore, #tpu.memory_space<semaphore_mem>>) {add = true}
        %dma_wait3A_84 = arith.constant 0 : i32
        %dma_wait3A_85 = tpu.memref_slice %arg8[%mul3A_48, %dma_wait3A_84] : memref<40x128xi32, #tpu.memory_space<vmem>> -> memref<1x128xi32, #tpu.memory_space<vmem>>
        %dma_wait3A_86 = tpu.memref_squeeze %dma_wait3A_85 : memref<1x128xi32, #tpu.memory_space<vmem>> -> memref<128xi32, #tpu.memory_space<vmem>>
        %dma_wait3A_87 = arith.constant 0 : i32
        %dma_wait3A_88 = arith.constant 0 : i32
        %dma_wait3A_89 = tpu.memref_slice %arg11[%dma_wait3A_87, %dma_wait3A_88] : memref<10240x128xf32, #tpu.memory_space<vmem_shared>> -> memref<10240x128xf32, #tpu.memory_space<vmem_shared>>
        tpu.wait_indirect_dma semaphore(%run_scoped3A : memref<!tpu.dma_semaphore, #tpu.memory_space<semaphore_mem>>) src(%arg9 : memref<128x128xf32, #tpu.memory_space<vmem>>) dst(%dma_wait3A_89 : memref<10240x128xf32, #tpu.memory_space<vmem_shared>>)
        tpu.yield
      }) : () -> ()
      %add3A_62 = arith.constant 2 : i32
      %add3A_63 = arith.addi %mul3A_48, %add3A_62 : i32
      %lt3A = arith.constant 40 : i32
      %lt3A_64 = arith.cmpi slt, %add3A_63, %lt3A : i32
      %convert_element_type3A_65 = arith.extui %lt3A_64 : i1 to i32
      %cond3A_66 = arith.constant 0 : i32
      %cond3A_67 = arith.cmpi ne, %convert_element_type3A_65, %cond3A_66 : i32
      scf.if %cond3A_67 {
        %add3A_78 = arith.constant 2 : i32
        %add3A_79 = arith.addi %mul3A_48, %add3A_78 : i32
        %dma_start3A_80 = arith.constant 0 : i32
        %dma_start3A_81 = tpu.memref_slice %arg7[%add3A_79, %dma_start3A_80] : memref<40x128xi32, #tpu.memory_space<vmem>> -> memref<1x128xi32, #tpu.memory_space<vmem>>
        %dma_start3A_82 = tpu.memref_squeeze %dma_start3A_81 : memref<1x128xi32, #tpu.memory_space<vmem>> -> memref<128xi32, #tpu.memory_space<vmem>>
        %dma_start3A_83 = arith.constant 0 : i32
        %dma_start3A_84 = arith.constant 0 : i32
        %dma_start3A_85 = tpu.memref_slice %arg2[%dma_start3A_83, %dma_start3A_84] : memref<10240x128xf32, #tpu.memory_space<hbm>> -> memref<10240x128xf32, #tpu.memory_space<hbm>>
        tpu.enqueue_indirect_dma source(%dma_start3A_85 : memref<10240x128xf32, #tpu.memory_space<hbm>>) target(%arg9 : memref<128x128xf32, #tpu.memory_space<vmem>>) offsets(%dma_start3A_82 : memref<128xi32, #tpu.memory_space<vmem>>) semaphore(%arg12 : memref<!tpu.dma_semaphore, #tpu.memory_space<semaphore_mem>>)
      } else {
      }
      %add3A_68 = arith.constant 1 : i32
      %add3A_69 = arith.addi %mul3A_48, %add3A_68 : i32
      %dma_wait3A_70 = arith.constant 0 : i32
      %dma_wait3A_71 = tpu.memref_slice %arg7[%add3A_69, %dma_wait3A_70] : memref<40x128xi32, #tpu.memory_space<vmem>> -> memref<1x128xi32, #tpu.memory_space<vmem>>
      %dma_wait3A_72 = tpu.memref_squeeze %dma_wait3A_71 : memref<1x128xi32, #tpu.memory_space<vmem>> -> memref<128xi32, #tpu.memory_space<vmem>>
      %dma_wait3A_73 = arith.constant 0 : i32
      %dma_wait3A_74 = arith.constant 0 : i32
      %dma_wait3A_75 = tpu.memref_slice %arg2[%dma_wait3A_73, %dma_wait3A_74] : memref<10240x128xf32, #tpu.memory_space<hbm>> -> memref<10240x128xf32, #tpu.memory_space<hbm>>
      tpu.wait_indirect_dma semaphore(%arg13 : memref<!tpu.dma_semaphore, #tpu.memory_space<semaphore_mem>>) src(%dma_wait3A_75 : memref<10240x128xf32, #tpu.memory_space<hbm>>) dst(%arg10 : memref<128x128xf32, #tpu.memory_space<vmem>>)
      %add3A_76 = arith.constant 1 : i32
      %add3A_77 = arith.addi %mul3A_48, %add3A_76 : i32
      "tpu.region"() ({
        %run_scoped3A = tpu.sem_alloc : memref<!tpu.dma_semaphore, #tpu.memory_space<semaphore_mem>>
        %dma_start3A_78 = arith.constant 0 : i32
        %dma_start3A_79 = tpu.memref_slice %arg8[%add3A_77, %dma_start3A_78] : memref<40x128xi32, #tpu.memory_space<vmem>> -> memref<1x128xi32, #tpu.memory_space<vmem>>
        %dma_start3A_80 = tpu.memref_squeeze %dma_start3A_79 : memref<1x128xi32, #tpu.memory_space<vmem>> -> memref<128xi32, #tpu.memory_space<vmem>>
        %dma_start3A_81 = arith.constant 0 : i32
        %dma_start3A_82 = arith.constant 0 : i32
        %dma_start3A_83 = tpu.memref_slice %arg11[%dma_start3A_81, %dma_start3A_82] : memref<10240x128xf32, #tpu.memory_space<vmem_shared>> -> memref<10240x128xf32, #tpu.memory_space<vmem_shared>>
        tpu.enqueue_indirect_dma source(%arg10 : memref<128x128xf32, #tpu.memory_space<vmem>>) target(%dma_start3A_83 : memref<10240x128xf32, #tpu.memory_space<vmem_shared>>) offsets(%dma_start3A_80 : memref<128xi32, #tpu.memory_space<vmem>>) semaphore(%run_scoped3A : memref<!tpu.dma_semaphore, #tpu.memory_space<semaphore_mem>>) {add = true}
        %dma_wait3A_84 = arith.constant 0 : i32
        %dma_wait3A_85 = tpu.memref_slice %arg8[%add3A_77, %dma_wait3A_84] : memref<40x128xi32, #tpu.memory_space<vmem>> -> memref<1x128xi32, #tpu.memory_space<vmem>>
        %dma_wait3A_86 = tpu.memref_squeeze %dma_wait3A_85 : memref<1x128xi32, #tpu.memory_space<vmem>> -> memref<128xi32, #tpu.memory_space<vmem>>
        %dma_wait3A_87 = arith.constant 0 : i32
        %dma_wait3A_88 = arith.constant 0 : i32
        %dma_wait3A_89 = tpu.memref_slice %arg11[%dma_wait3A_87, %dma_wait3A_88] : memref<10240x128xf32, #tpu.memory_space<vmem_shared>> -> memref<10240x128xf32, #tpu.memory_space<vmem_shared>>
        tpu.wait_indirect_dma semaphore(%run_scoped3A : memref<!tpu.dma_semaphore, #tpu.memory_space<semaphore_mem>>) src(%arg10 : memref<128x128xf32, #tpu.memory_space<vmem>>) dst(%dma_wait3A_89 : memref<10240x128xf32, #tpu.memory_space<vmem_shared>>)
        tpu.yield
      }) : () -> ()
    }
    %scan3A_17 = arith.constant 20 : i32
    %mul3A_18 = arith.constant 16 : i32
    %mul3A_19 = arith.muli %arg0, %mul3A_18 : i32
    %add3A_20 = arith.addi %mul3A_19, %arg1 : i32
    %mul3A_21 = arith.constant 80 : i32
    %mul3A_22 = arith.muli %add3A_20, %mul3A_21 : i32
    %add3A_23 = arith.constant 40 : i32
    %add3A_24 = arith.addi %mul3A_22, %add3A_23 : i32
    "tpu.region"() ({
      %run_scoped3A = tpu.sem_alloc : memref<!tpu.dma_semaphore, #tpu.memory_space<semaphore_mem>>
      %dma_start3A_46 = arith.constant 0 : i32
      %dma_start3A_47 = tpu.memref_slice %arg3[%add3A_24, %dma_start3A_46] : memref<2560x128xi32, #tpu.memory_space<hbm>> -> memref<40x128xi32, #tpu.memory_space<hbm>>
      %dma_start3A_48 = arith.constant 0 : i32
      %dma_start3A_49 = tpu.memref_slice %arg3[%add3A_24, %dma_start3A_48] : memref<2560x128xi32, #tpu.memory_space<hbm>> -> memref<40x128xi32, #tpu.memory_space<hbm>>
      tpu.enqueue_dma source(%dma_start3A_49 : memref<40x128xi32, #tpu.memory_space<hbm>>) target(%arg7 : memref<40x128xi32, #tpu.memory_space<vmem>>) target_semaphore(%run_scoped3A : memref<!tpu.dma_semaphore, #tpu.memory_space<semaphore_mem>>)
      %dma_wait3A = arith.constant 0 : i32
      %dma_wait3A_50 = tpu.memref_slice %arg3[%add3A_24, %dma_wait3A] : memref<2560x128xi32, #tpu.memory_space<hbm>> -> memref<40x128xi32, #tpu.memory_space<hbm>>
      %dma_wait3A_51 = arith.constant 0 : i32
      %dma_wait3A_52 = tpu.memref_slice %arg3[%add3A_24, %dma_wait3A_51] : memref<2560x128xi32, #tpu.memory_space<hbm>> -> memref<40x128xi32, #tpu.memory_space<hbm>>
      tpu.wait_dma2 semaphore(%run_scoped3A : memref<!tpu.dma_semaphore, #tpu.memory_space<semaphore_mem>>) src(%dma_wait3A_52 : memref<40x128xi32, #tpu.memory_space<hbm>>) dst(%arg7 : memref<40x128xi32, #tpu.memory_space<vmem>>)
      tpu.yield
    }) : () -> ()
    "tpu.region"() ({
      %run_scoped3A = tpu.sem_alloc : memref<!tpu.dma_semaphore, #tpu.memory_space<semaphore_mem>>
      %dma_start3A_46 = arith.constant 0 : i32
      %dma_start3A_47 = tpu.memref_slice %arg4[%add3A_24, %dma_start3A_46] : memref<2560x128xi32, #tpu.memory_space<hbm>> -> memref<40x128xi32, #tpu.memory_space<hbm>>
      %dma_start3A_48 = arith.constant 0 : i32
      %dma_start3A_49 = tpu.memref_slice %arg4[%add3A_24, %dma_start3A_48] : memref<2560x128xi32, #tpu.memory_space<hbm>> -> memref<40x128xi32, #tpu.memory_space<hbm>>
      tpu.enqueue_dma source(%dma_start3A_49 : memref<40x128xi32, #tpu.memory_space<hbm>>) target(%arg8 : memref<40x128xi32, #tpu.memory_space<vmem>>) target_semaphore(%run_scoped3A : memref<!tpu.dma_semaphore, #tpu.memory_space<semaphore_mem>>)
      %dma_wait3A = arith.constant 0 : i32
      %dma_wait3A_50 = tpu.memref_slice %arg4[%add3A_24, %dma_wait3A] : memref<2560x128xi32, #tpu.memory_space<hbm>> -> memref<40x128xi32, #tpu.memory_space<hbm>>
      %dma_wait3A_51 = arith.constant 0 : i32
      %dma_wait3A_52 = tpu.memref_slice %arg4[%add3A_24, %dma_wait3A_51] : memref<2560x128xi32, #tpu.memory_space<hbm>> -> memref<40x128xi32, #tpu.memory_space<hbm>>
      tpu.wait_dma2 semaphore(%run_scoped3A : memref<!tpu.dma_semaphore, #tpu.memory_space<semaphore_mem>>) src(%dma_wait3A_52 : memref<40x128xi32, #tpu.memory_space<hbm>>) dst(%arg8 : memref<40x128xi32, #tpu.memory_space<vmem>>)
      tpu.yield
    }) : () -> ()
    %dma_start3A_25 = arith.constant 0 : i32
    %dma_start3A_26 = arith.constant 0 : i32
    %dma_start3A_27 = tpu.memref_slice %arg7[%dma_start3A_25, %dma_start3A_26] : memref<40x128xi32, #tpu.memory_space<vmem>> -> memref<1x128xi32, #tpu.memory_space<vmem>>
    %dma_start3A_28 = tpu.memref_squeeze %dma_start3A_27 : memref<1x128xi32, #tpu.memory_space<vmem>> -> memref<128xi32, #tpu.memory_space<vmem>>
    %dma_start3A_29 = arith.constant 0 : i32
    %dma_start3A_30 = arith.constant 0 : i32
    %dma_start3A_31 = tpu.memref_slice %arg2[%dma_start3A_29, %dma_start3A_30] : memref<10240x128xf32, #tpu.memory_space<hbm>> -> memref<10240x128xf32, #tpu.memory_space<hbm>>
    tpu.enqueue_indirect_dma source(%dma_start3A_31 : memref<10240x128xf32, #tpu.memory_space<hbm>>) target(%arg9 : memref<128x128xf32, #tpu.memory_space<vmem>>) offsets(%dma_start3A_28 : memref<128xi32, #tpu.memory_space<vmem>>) semaphore(%arg12 : memref<!tpu.dma_semaphore, #tpu.memory_space<semaphore_mem>>)
    %scan3A_32 = arith.constant 0 : i32
    %scan3A_33 = arith.constant 0 : i32
    %scan3A_34 = arith.constant 20 : i32
    %scan3A_35 = arith.addi %scan3A_33, %scan3A_34 : i32
    %scan3A_36 = arith.constant 1 : i32
    scf.for %scan3A_46 = %scan3A_33 to %scan3A_35 step %scan3A_36  : i32 {
      %mul3A_47 = arith.constant 2 : i32
      %mul3A_48 = arith.muli %mul3A_47, %scan3A_46 : i32
      %add3A_49 = arith.constant 1 : i32
      %add3A_50 = arith.addi %mul3A_48, %add3A_49 : i32
      %dma_start3A_51 = arith.constant 0 : i32
      %dma_start3A_52 = tpu.memref_slice %arg7[%add3A_50, %dma_start3A_51] : memref<40x128xi32, #tpu.memory_space<vmem>> -> memref<1x128xi32, #tpu.memory_space<vmem>>
      %dma_start3A_53 = tpu.memref_squeeze %dma_start3A_52 : memref<1x128xi32, #tpu.memory_space<vmem>> -> memref<128xi32, #tpu.memory_space<vmem>>
      %dma_start3A_54 = arith.constant 0 : i32
      %dma_start3A_55 = arith.constant 0 : i32
      %dma_start3A_56 = tpu.memref_slice %arg2[%dma_start3A_54, %dma_start3A_55] : memref<10240x128xf32, #tpu.memory_space<hbm>> -> memref<10240x128xf32, #tpu.memory_space<hbm>>
      tpu.enqueue_indirect_dma source(%dma_start3A_56 : memref<10240x128xf32, #tpu.memory_space<hbm>>) target(%arg10 : memref<128x128xf32, #tpu.memory_space<vmem>>) offsets(%dma_start3A_53 : memref<128xi32, #tpu.memory_space<vmem>>) semaphore(%arg13 : memref<!tpu.dma_semaphore, #tpu.memory_space<semaphore_mem>>)
      %dma_wait3A = arith.constant 0 : i32
      %dma_wait3A_57 = tpu.memref_slice %arg7[%mul3A_48, %dma_wait3A] : memref<40x128xi32, #tpu.memory_space<vmem>> -> memref<1x128xi32, #tpu.memory_space<vmem>>
      %dma_wait3A_58 = tpu.memref_squeeze %dma_wait3A_57 : memref<1x128xi32, #tpu.memory_space<vmem>> -> memref<128xi32, #tpu.memory_space<vmem>>
      %dma_wait3A_59 = arith.constant 0 : i32
      %dma_wait3A_60 = arith.constant 0 : i32
      %dma_wait3A_61 = tpu.memref_slice %arg2[%dma_wait3A_59, %dma_wait3A_60] : memref<10240x128xf32, #tpu.memory_space<hbm>> -> memref<10240x128xf32, #tpu.memory_space<hbm>>
      tpu.wait_indirect_dma semaphore(%arg12 : memref<!tpu.dma_semaphore, #tpu.memory_space<semaphore_mem>>) src(%dma_wait3A_61 : memref<10240x128xf32, #tpu.memory_space<hbm>>) dst(%arg9 : memref<128x128xf32, #tpu.memory_space<vmem>>)
      "tpu.region"() ({
        %run_scoped3A = tpu.sem_alloc : memref<!tpu.dma_semaphore, #tpu.memory_space<semaphore_mem>>
        %dma_start3A_78 = arith.constant 0 : i32
        %dma_start3A_79 = tpu.memref_slice %arg8[%mul3A_48, %dma_start3A_78] : memref<40x128xi32, #tpu.memory_space<vmem>> -> memref<1x128xi32, #tpu.memory_space<vmem>>
        %dma_start3A_80 = tpu.memref_squeeze %dma_start3A_79 : memref<1x128xi32, #tpu.memory_space<vmem>> -> memref<128xi32, #tpu.memory_space<vmem>>
        %dma_start3A_81 = arith.constant 0 : i32
        %dma_start3A_82 = arith.constant 0 : i32
        %dma_start3A_83 = tpu.memref_slice %arg11[%dma_start3A_81, %dma_start3A_82] : memref<10240x128xf32, #tpu.memory_space<vmem_shared>> -> memref<10240x128xf32, #tpu.memory_space<vmem_shared>>
        tpu.enqueue_indirect_dma source(%arg9 : memref<128x128xf32, #tpu.memory_space<vmem>>) target(%dma_start3A_83 : memref<10240x128xf32, #tpu.memory_space<vmem_shared>>) offsets(%dma_start3A_80 : memref<128xi32, #tpu.memory_space<vmem>>) semaphore(%run_scoped3A : memref<!tpu.dma_semaphore, #tpu.memory_space<semaphore_mem>>) {add = true}
        %dma_wait3A_84 = arith.constant 0 : i32
        %dma_wait3A_85 = tpu.memref_slice %arg8[%mul3A_48, %dma_wait3A_84] : memref<40x128xi32, #tpu.memory_space<vmem>> -> memref<1x128xi32, #tpu.memory_space<vmem>>
        %dma_wait3A_86 = tpu.memref_squeeze %dma_wait3A_85 : memref<1x128xi32, #tpu.memory_space<vmem>> -> memref<128xi32, #tpu.memory_space<vmem>>
        %dma_wait3A_87 = arith.constant 0 : i32
        %dma_wait3A_88 = arith.constant 0 : i32
        %dma_wait3A_89 = tpu.memref_slice %arg11[%dma_wait3A_87, %dma_wait3A_88] : memref<10240x128xf32, #tpu.memory_space<vmem_shared>> -> memref<10240x128xf32, #tpu.memory_space<vmem_shared>>
        tpu.wait_indirect_dma semaphore(%run_scoped3A : memref<!tpu.dma_semaphore, #tpu.memory_space<semaphore_mem>>) src(%arg9 : memref<128x128xf32, #tpu.memory_space<vmem>>) dst(%dma_wait3A_89 : memref<10240x128xf32, #tpu.memory_space<vmem_shared>>)
        tpu.yield
      }) : () -> ()
      %add3A_62 = arith.constant 2 : i32
      %add3A_63 = arith.addi %mul3A_48, %add3A_62 : i32
      %lt3A = arith.constant 40 : i32
      %lt3A_64 = arith.cmpi slt, %add3A_63, %lt3A : i32
      %convert_element_type3A_65 = arith.extui %lt3A_64 : i1 to i32
      %cond3A_66 = arith.constant 0 : i32
      %cond3A_67 = arith.cmpi ne, %convert_element_type3A_65, %cond3A_66 : i32
      scf.if %cond3A_67 {
        %add3A_78 = arith.constant 2 : i32
        %add3A_79 = arith.addi %mul3A_48, %add3A_78 : i32
        %dma_start3A_80 = arith.constant 0 : i32
        %dma_start3A_81 = tpu.memref_slice %arg7[%add3A_79, %dma_start3A_80] : memref<40x128xi32, #tpu.memory_space<vmem>> -> memref<1x128xi32, #tpu.memory_space<vmem>>
        %dma_start3A_82 = tpu.memref_squeeze %dma_start3A_81 : memref<1x128xi32, #tpu.memory_space<vmem>> -> memref<128xi32, #tpu.memory_space<vmem>>
        %dma_start3A_83 = arith.constant 0 : i32
        %dma_start3A_84 = arith.constant 0 : i32
        %dma_start3A_85 = tpu.memref_slice %arg2[%dma_start3A_83, %dma_start3A_84] : memref<10240x128xf32, #tpu.memory_space<hbm>> -> memref<10240x128xf32, #tpu.memory_space<hbm>>
        tpu.enqueue_indirect_dma source(%dma_start3A_85 : memref<10240x128xf32, #tpu.memory_space<hbm>>) target(%arg9 : memref<128x128xf32, #tpu.memory_space<vmem>>) offsets(%dma_start3A_82 : memref<128xi32, #tpu.memory_space<vmem>>) semaphore(%arg12 : memref<!tpu.dma_semaphore, #tpu.memory_space<semaphore_mem>>)
      } else {
      }
      %add3A_68 = arith.constant 1 : i32
      %add3A_69 = arith.addi %mul3A_48, %add3A_68 : i32
      %dma_wait3A_70 = arith.constant 0 : i32
      %dma_wait3A_71 = tpu.memref_slice %arg7[%add3A_69, %dma_wait3A_70] : memref<40x128xi32, #tpu.memory_space<vmem>> -> memref<1x128xi32, #tpu.memory_space<vmem>>
      %dma_wait3A_72 = tpu.memref_squeeze %dma_wait3A_71 : memref<1x128xi32, #tpu.memory_space<vmem>> -> memref<128xi32, #tpu.memory_space<vmem>>
      %dma_wait3A_73 = arith.constant 0 : i32
      %dma_wait3A_74 = arith.constant 0 : i32
      %dma_wait3A_75 = tpu.memref_slice %arg2[%dma_wait3A_73, %dma_wait3A_74] : memref<10240x128xf32, #tpu.memory_space<hbm>> -> memref<10240x128xf32, #tpu.memory_space<hbm>>
      tpu.wait_indirect_dma semaphore(%arg13 : memref<!tpu.dma_semaphore, #tpu.memory_space<semaphore_mem>>) src(%dma_wait3A_75 : memref<10240x128xf32, #tpu.memory_space<hbm>>) dst(%arg10 : memref<128x128xf32, #tpu.memory_space<vmem>>)
      %add3A_76 = arith.constant 1 : i32
      %add3A_77 = arith.addi %mul3A_48, %add3A_76 : i32
      "tpu.region"() ({
        %run_scoped3A = tpu.sem_alloc : memref<!tpu.dma_semaphore, #tpu.memory_space<semaphore_mem>>
        %dma_start3A_78 = arith.constant 0 : i32
        %dma_start3A_79 = tpu.memref_slice %arg8[%add3A_77, %dma_start3A_78] : memref<40x128xi32, #tpu.memory_space<vmem>> -> memref<1x128xi32, #tpu.memory_space<vmem>>
        %dma_start3A_80 = tpu.memref_squeeze %dma_start3A_79 : memref<1x128xi32, #tpu.memory_space<vmem>> -> memref<128xi32, #tpu.memory_space<vmem>>
        %dma_start3A_81 = arith.constant 0 : i32
        %dma_start3A_82 = arith.constant 0 : i32
        %dma_start3A_83 = tpu.memref_slice %arg11[%dma_start3A_81, %dma_start3A_82] : memref<10240x128xf32, #tpu.memory_space<vmem_shared>> -> memref<10240x128xf32, #tpu.memory_space<vmem_shared>>
        tpu.enqueue_indirect_dma source(%arg10 : memref<128x128xf32, #tpu.memory_space<vmem>>) target(%dma_start3A_83 : memref<10240x128xf32, #tpu.memory_space<vmem_shared>>) offsets(%dma_start3A_80 : memref<128xi32, #tpu.memory_space<vmem>>) semaphore(%run_scoped3A : memref<!tpu.dma_semaphore, #tpu.memory_space<semaphore_mem>>) {add = true}
        %dma_wait3A_84 = arith.constant 0 : i32
        %dma_wait3A_85 = tpu.memref_slice %arg8[%add3A_77, %dma_wait3A_84] : memref<40x128xi32, #tpu.memory_space<vmem>> -> memref<1x128xi32, #tpu.memory_space<vmem>>
        %dma_wait3A_86 = tpu.memref_squeeze %dma_wait3A_85 : memref<1x128xi32, #tpu.memory_space<vmem>> -> memref<128xi32, #tpu.memory_space<vmem>>
        %dma_wait3A_87 = arith.constant 0 : i32
        %dma_wait3A_88 = arith.constant 0 : i32
        %dma_wait3A_89 = tpu.memref_slice %arg11[%dma_wait3A_87, %dma_wait3A_88] : memref<10240x128xf32, #tpu.memory_space<vmem_shared>> -> memref<10240x128xf32, #tpu.memory_space<vmem_shared>>
        tpu.wait_indirect_dma semaphore(%run_scoped3A : memref<!tpu.dma_semaphore, #tpu.memory_space<semaphore_mem>>) src(%arg10 : memref<128x128xf32, #tpu.memory_space<vmem>>) dst(%dma_wait3A_89 : memref<10240x128xf32, #tpu.memory_space<vmem_shared>>)
        tpu.yield
      }) : () -> ()
    }
    %scan3A_37 = arith.constant 20 : i32
    %barrier3A_38 = arith.constant 0 : index
    tpu.barrier barrier_id(%barrier3A_38)
    %eq3A = arith.constant 0 : i32
    %eq3A_39 = arith.cmpi eq, %arg0, %eq3A : i32
    %convert_element_type3A = arith.extui %eq3A_39 : i1 to i32
    %cond3A = arith.constant 0 : i32
    %cond3A_40 = arith.cmpi ne, %convert_element_type3A, %cond3A : i32
    scf.if %cond3A_40 {
      %run_scoped3A = arith.constant 0 : i32
      "tpu.region"() ({
        %run_scoped3A_46 = tpu.sem_alloc : memref<!tpu.dma_semaphore, #tpu.memory_space<semaphore_mem>>
        %dma_start3A_47 = arith.constant 0 : i32
        %dma_start3A_48 = tpu.memref_slice %arg6[%run_scoped3A, %mul3A_0, %dma_start3A_47] : memref<2x10240x128xf32, #tpu.memory_space<hbm>> -> memref<1x640x128xf32, #tpu.memory_space<hbm>>
        %dma_start3A_49 = tpu.memref_squeeze %dma_start3A_48 : memref<1x640x128xf32, #tpu.memory_space<hbm>> -> memref<640x128xf32, #tpu.memory_space<hbm>>
        %dma_start3A_50 = arith.constant 0 : i32
        %dma_start3A_51 = tpu.memref_slice %arg11[%mul3A_0, %dma_start3A_50] : memref<10240x128xf32, #tpu.memory_space<vmem_shared>> -> memref<640x128xf32, #tpu.memory_space<vmem_shared>>
        tpu.enqueue_dma source(%dma_start3A_51 : memref<640x128xf32, #tpu.memory_space<vmem_shared>>) target(%dma_start3A_49 : memref<640x128xf32, #tpu.memory_space<hbm>>) target_semaphore(%run_scoped3A_46 : memref<!tpu.dma_semaphore, #tpu.memory_space<semaphore_mem>>)
        %dma_wait3A = arith.constant 0 : i32
        %dma_wait3A_52 = tpu.memref_slice %arg6[%run_scoped3A, %mul3A_0, %dma_wait3A] : memref<2x10240x128xf32, #tpu.memory_space<hbm>> -> memref<1x640x128xf32, #tpu.memory_space<hbm>>
        %dma_wait3A_53 = tpu.memref_squeeze %dma_wait3A_52 : memref<1x640x128xf32, #tpu.memory_space<hbm>> -> memref<640x128xf32, #tpu.memory_space<hbm>>
        %dma_wait3A_54 = arith.constant 0 : i32
        %dma_wait3A_55 = tpu.memref_slice %arg11[%mul3A_0, %dma_wait3A_54] : memref<10240x128xf32, #tpu.memory_space<vmem_shared>> -> memref<640x128xf32, #tpu.memory_space<vmem_shared>>
        tpu.wait_dma2 semaphore(%run_scoped3A_46 : memref<!tpu.dma_semaphore, #tpu.memory_space<semaphore_mem>>) src(%dma_wait3A_55 : memref<640x128xf32, #tpu.memory_space<vmem_shared>>) dst(%dma_wait3A_53 : memref<640x128xf32, #tpu.memory_space<hbm>>)
        tpu.yield
      }) : () -> ()
    } else {
    }
    %eq3A_41 = arith.constant 1 : i32
    %eq3A_42 = arith.cmpi eq, %arg0, %eq3A_41 : i32
    %convert_element_type3A_43 = arith.extui %eq3A_42 : i1 to i32
    %cond3A_44 = arith.constant 0 : i32
    %cond3A_45 = arith.cmpi ne, %convert_element_type3A_43, %cond3A_44 : i32
    scf.if %cond3A_45 {
      %run_scoped3A = arith.constant 1 : i32
      "tpu.region"() ({
        %run_scoped3A_46 = tpu.sem_alloc : memref<!tpu.dma_semaphore, #tpu.memory_space<semaphore_mem>>
        %dma_start3A_47 = arith.constant 0 : i32
        %dma_start3A_48 = tpu.memref_slice %arg6[%run_scoped3A, %mul3A_0, %dma_start3A_47] : memref<2x10240x128xf32, #tpu.memory_space<hbm>> -> memref<1x640x128xf32, #tpu.memory_space<hbm>>
        %dma_start3A_49 = tpu.memref_squeeze %dma_start3A_48 : memref<1x640x128xf32, #tpu.memory_space<hbm>> -> memref<640x128xf32, #tpu.memory_space<hbm>>
        %dma_start3A_50 = arith.constant 0 : i32
        %dma_start3A_51 = tpu.memref_slice %arg11[%mul3A_0, %dma_start3A_50] : memref<10240x128xf32, #tpu.memory_space<vmem_shared>> -> memref<640x128xf32, #tpu.memory_space<vmem_shared>>
        tpu.enqueue_dma source(%dma_start3A_51 : memref<640x128xf32, #tpu.memory_space<vmem_shared>>) target(%dma_start3A_49 : memref<640x128xf32, #tpu.memory_space<hbm>>) target_semaphore(%run_scoped3A_46 : memref<!tpu.dma_semaphore, #tpu.memory_space<semaphore_mem>>)
        %dma_wait3A = arith.constant 0 : i32
        %dma_wait3A_52 = tpu.memref_slice %arg6[%run_scoped3A, %mul3A_0, %dma_wait3A] : memref<2x10240x128xf32, #tpu.memory_space<hbm>> -> memref<1x640x128xf32, #tpu.memory_space<hbm>>
        %dma_wait3A_53 = tpu.memref_squeeze %dma_wait3A_52 : memref<1x640x128xf32, #tpu.memory_space<hbm>> -> memref<640x128xf32, #tpu.memory_space<hbm>>
        %dma_wait3A_54 = arith.constant 0 : i32
        %dma_wait3A_55 = tpu.memref_slice %arg11[%mul3A_0, %dma_wait3A_54] : memref<10240x128xf32, #tpu.memory_space<vmem_shared>> -> memref<640x128xf32, #tpu.memory_space<vmem_shared>>
        tpu.wait_dma2 semaphore(%run_scoped3A_46 : memref<!tpu.dma_semaphore, #tpu.memory_space<semaphore_mem>>) src(%dma_wait3A_55 : memref<640x128xf32, #tpu.memory_space<vmem_shared>>) dst(%dma_wait3A_53 : memref<640x128xf32, #tpu.memory_space<hbm>>)
        tpu.yield
      }) : () -> ()
    } else {
    }
    return
  }
}

#map = affine_map<(d0, d1) -> (0, 0)>
#map1 = affine_map<(d0, d1) -> (0, 0, 0)>
module attributes {stable_mosaic.version = 14 : i64} {
  func.func @_agg_kernel(%arg0: i32, %arg1: i32, %arg2: memref<10240x128xf32, #tpu.memory_space<hbm>>, %arg3: memref<2560x128xi32, #tpu.memory_space<hbm>>, %arg4: memref<2560x128xi32, #tpu.memory_space<hbm>>, %arg5: memref<10240x128xf32, #tpu.memory_space<hbm>>, %arg6: memref<2x10240x128xf32, #tpu.memory_space<hbm>>, %arg7: memref<40x128xi32, #tpu.memory_space<vmem>>, %arg8: memref<40x128xi32, #tpu.memory_space<vmem>>, %arg9: memref<128x128xf32, #tpu.memory_space<vmem>>, %arg10: memref<128x128xf32, #tpu.memory_space<vmem>>, %arg11: memref<10240x128xf32, #tpu.memory_space<vmem_shared>>, %arg12: memref<!tpu.dma_semaphore, #tpu.memory_space<semaphore_mem>>, %arg13: memref<!tpu.dma_semaphore, #tpu.memory_space<semaphore_mem>>) attributes {dimension_semantics = [#tpu.dimension_semantics<core_parallel>, #tpu.dimension_semantics<subcore_parallel>], iteration_bounds = array<i64: 2, 16>, scalar_prefetch = 0 : i64, scratch_operands = 7 : i64, tpu.core_type = #tpu.core_type<sc_vector_subcore>, window_params = [{transform_indices = #map}, {transform_indices = #map}, {transform_indices = #map}, {transform_indices = #map}, {transform_indices = #map1}]} {
    %mul3A = arith.constant 640 : i32
    %mul3A_0 = arith.muli %arg1, %mul3A : i32
    "tpu.region"() ({
      %run_scoped3A = tpu.sem_alloc : memref<!tpu.dma_semaphore, #tpu.memory_space<semaphore_mem>>
      %dma_start3A_46 = arith.constant 0 : i32
      %dma_start3A_47 = tpu.memref_slice %arg11[%mul3A_0, %dma_start3A_46] : memref<10240x128xf32, #tpu.memory_space<vmem_shared>> -> memref<640x128xf32, #tpu.memory_space<vmem_shared>>
      %dma_start3A_48 = arith.constant 0 : i32
      %dma_start3A_49 = tpu.memref_slice %arg5[%mul3A_0, %dma_start3A_48] : memref<10240x128xf32, #tpu.memory_space<hbm>> -> memref<640x128xf32, #tpu.memory_space<hbm>>
      tpu.enqueue_dma source(%dma_start3A_49 : memref<640x128xf32, #tpu.memory_space<hbm>>) target(%dma_start3A_47 : memref<640x128xf32, #tpu.memory_space<vmem_shared>>) target_semaphore(%run_scoped3A : memref<!tpu.dma_semaphore, #tpu.memory_space<semaphore_mem>>)
      %dma_wait3A = arith.constant 0 : i32
      %dma_wait3A_50 = tpu.memref_slice %arg11[%mul3A_0, %dma_wait3A] : memref<10240x128xf32, #tpu.memory_space<vmem_shared>> -> memref<640x128xf32, #tpu.memory_space<vmem_shared>>
      %dma_wait3A_51 = arith.constant 0 : i32
      %dma_wait3A_52 = tpu.memref_slice %arg5[%mul3A_0, %dma_wait3A_51] : memref<10240x128xf32, #tpu.memory_space<hbm>> -> memref<640x128xf32, #tpu.memory_space<hbm>>
      tpu.wait_dma2 semaphore(%run_scoped3A : memref<!tpu.dma_semaphore, #tpu.memory_space<semaphore_mem>>) src(%dma_wait3A_52 : memref<640x128xf32, #tpu.memory_space<hbm>>) dst(%dma_wait3A_50 : memref<640x128xf32, #tpu.memory_space<vmem_shared>>)
      tpu.yield
    }) : () -> ()
    %barrier3A = arith.constant 0 : index
    tpu.barrier barrier_id(%barrier3A)
    %mul3A_1 = arith.constant 16 : i32
    %mul3A_2 = arith.muli %arg0, %mul3A_1 : i32
    %add3A = arith.addi %mul3A_2, %arg1 : i32
    %mul3A_3 = arith.constant 80 : i32
    %mul3A_4 = arith.muli %add3A, %mul3A_3 : i32
    %add3A_5 = arith.constant 0 : i32
    %add3A_6 = arith.addi %mul3A_4, %add3A_5 : i32
    "tpu.region"() ({
      %run_scoped3A = tpu.sem_alloc : memref<!tpu.dma_semaphore, #tpu.memory_space<semaphore_mem>>
      %dma_start3A_46 = arith.constant 0 : i32
      %dma_start3A_47 = tpu.memref_slice %arg3[%add3A_6, %dma_start3A_46] : memref<2560x128xi32, #tpu.memory_space<hbm>> -> memref<40x128xi32, #tpu.memory_space<hbm>>
      %dma_start3A_48 = arith.constant 0 : i32
      %dma_start3A_49 = tpu.memref_slice %arg3[%add3A_6, %dma_start3A_48] : memref<2560x128xi32, #tpu.memory_space<hbm>> -> memref<40x128xi32, #tpu.memory_space<hbm>>
      tpu.enqueue_dma source(%dma_start3A_49 : memref<40x128xi32, #tpu.memory_space<hbm>>) target(%arg7 : memref<40x128xi32, #tpu.memory_space<vmem>>) target_semaphore(%run_scoped3A : memref<!tpu.dma_semaphore, #tpu.memory_space<semaphore_mem>>)
      %dma_wait3A = arith.constant 0 : i32
      %dma_wait3A_50 = tpu.memref_slice %arg3[%add3A_6, %dma_wait3A] : memref<2560x128xi32, #tpu.memory_space<hbm>> -> memref<40x128xi32, #tpu.memory_space<hbm>>
      %dma_wait3A_51 = arith.constant 0 : i32
      %dma_wait3A_52 = tpu.memref_slice %arg3[%add3A_6, %dma_wait3A_51] : memref<2560x128xi32, #tpu.memory_space<hbm>> -> memref<40x128xi32, #tpu.memory_space<hbm>>
      tpu.wait_dma2 semaphore(%run_scoped3A : memref<!tpu.dma_semaphore, #tpu.memory_space<semaphore_mem>>) src(%dma_wait3A_52 : memref<40x128xi32, #tpu.memory_space<hbm>>) dst(%arg7 : memref<40x128xi32, #tpu.memory_space<vmem>>)
      tpu.yield
    }) : () -> ()
    "tpu.region"() ({
      %run_scoped3A = tpu.sem_alloc : memref<!tpu.dma_semaphore, #tpu.memory_space<semaphore_mem>>
      %dma_start3A_46 = arith.constant 0 : i32
      %dma_start3A_47 = tpu.memref_slice %arg4[%add3A_6, %dma_start3A_46] : memref<2560x128xi32, #tpu.memory_space<hbm>> -> memref<40x128xi32, #tpu.memory_space<hbm>>
      %dma_start3A_48 = arith.constant 0 : i32
      %dma_start3A_49 = tpu.memref_slice %arg4[%add3A_6, %dma_start3A_48] : memref<2560x128xi32, #tpu.memory_space<hbm>> -> memref<40x128xi32, #tpu.memory_space<hbm>>
      tpu.enqueue_dma source(%dma_start3A_49 : memref<40x128xi32, #tpu.memory_space<hbm>>) target(%arg8 : memref<40x128xi32, #tpu.memory_space<vmem>>) target_semaphore(%run_scoped3A : memref<!tpu.dma_semaphore, #tpu.memory_space<semaphore_mem>>)
      %dma_wait3A = arith.constant 0 : i32
      %dma_wait3A_50 = tpu.memref_slice %arg4[%add3A_6, %dma_wait3A] : memref<2560x128xi32, #tpu.memory_space<hbm>> -> memref<40x128xi32, #tpu.memory_space<hbm>>
      %dma_wait3A_51 = arith.constant 0 : i32
      %dma_wait3A_52 = tpu.memref_slice %arg4[%add3A_6, %dma_wait3A_51] : memref<2560x128xi32, #tpu.memory_space<hbm>> -> memref<40x128xi32, #tpu.memory_space<hbm>>
      tpu.wait_dma2 semaphore(%run_scoped3A : memref<!tpu.dma_semaphore, #tpu.memory_space<semaphore_mem>>) src(%dma_wait3A_52 : memref<40x128xi32, #tpu.memory_space<hbm>>) dst(%arg8 : memref<40x128xi32, #tpu.memory_space<vmem>>)
      tpu.yield
    }) : () -> ()
    %dma_start3A = arith.constant 0 : i32
    %dma_start3A_7 = arith.constant 0 : i32
    %dma_start3A_8 = tpu.memref_slice %arg7[%dma_start3A, %dma_start3A_7] : memref<40x128xi32, #tpu.memory_space<vmem>> -> memref<1x128xi32, #tpu.memory_space<vmem>>
    %dma_start3A_9 = tpu.memref_squeeze %dma_start3A_8 : memref<1x128xi32, #tpu.memory_space<vmem>> -> memref<128xi32, #tpu.memory_space<vmem>>
    %dma_start3A_10 = arith.constant 0 : i32
    %dma_start3A_11 = arith.constant 0 : i32
    %dma_start3A_12 = tpu.memref_slice %arg2[%dma_start3A_10, %dma_start3A_11] : memref<10240x128xf32, #tpu.memory_space<hbm>> -> memref<10240x128xf32, #tpu.memory_space<hbm>>
    tpu.enqueue_indirect_dma source(%dma_start3A_12 : memref<10240x128xf32, #tpu.memory_space<hbm>>) target(%arg9 : memref<128x128xf32, #tpu.memory_space<vmem>>) offsets(%dma_start3A_9 : memref<128xi32, #tpu.memory_space<vmem>>) semaphore(%arg12 : memref<!tpu.dma_semaphore, #tpu.memory_space<semaphore_mem>>)
    %scan3A = arith.constant 0 : i32
    %scan3A_13 = arith.constant 0 : i32
    %scan3A_14 = arith.constant 20 : i32
    %scan3A_15 = arith.addi %scan3A_13, %scan3A_14 : i32
    %scan3A_16 = arith.constant 1 : i32
    scf.for %scan3A_46 = %scan3A_13 to %scan3A_15 step %scan3A_16  : i32 {
      %mul3A_47 = arith.constant 2 : i32
      %mul3A_48 = arith.muli %mul3A_47, %scan3A_46 : i32
      %add3A_49 = arith.constant 1 : i32
      %add3A_50 = arith.addi %mul3A_48, %add3A_49 : i32
      %dma_start3A_51 = arith.constant 0 : i32
      %dma_start3A_52 = tpu.memref_slice %arg7[%add3A_50, %dma_start3A_51] : memref<40x128xi32, #tpu.memory_space<vmem>> -> memref<1x128xi32, #tpu.memory_space<vmem>>
      %dma_start3A_53 = tpu.memref_squeeze %dma_start3A_52 : memref<1x128xi32, #tpu.memory_space<vmem>> -> memref<128xi32, #tpu.memory_space<vmem>>
      %dma_start3A_54 = arith.constant 0 : i32
      %dma_start3A_55 = arith.constant 0 : i32
      %dma_start3A_56 = tpu.memref_slice %arg2[%dma_start3A_54, %dma_start3A_55] : memref<10240x128xf32, #tpu.memory_space<hbm>> -> memref<10240x128xf32, #tpu.memory_space<hbm>>
      tpu.enqueue_indirect_dma source(%dma_start3A_56 : memref<10240x128xf32, #tpu.memory_space<hbm>>) target(%arg10 : memref<128x128xf32, #tpu.memory_space<vmem>>) offsets(%dma_start3A_53 : memref<128xi32, #tpu.memory_space<vmem>>) semaphore(%arg13 : memref<!tpu.dma_semaphore, #tpu.memory_space<semaphore_mem>>)
      %dma_wait3A = arith.constant 0 : i32
      %dma_wait3A_57 = tpu.memref_slice %arg7[%mul3A_48, %dma_wait3A] : memref<40x128xi32, #tpu.memory_space<vmem>> -> memref<1x128xi32, #tpu.memory_space<vmem>>
      %dma_wait3A_58 = tpu.memref_squeeze %dma_wait3A_57 : memref<1x128xi32, #tpu.memory_space<vmem>> -> memref<128xi32, #tpu.memory_space<vmem>>
      %dma_wait3A_59 = arith.constant 0 : i32
      %dma_wait3A_60 = arith.constant 0 : i32
      %dma_wait3A_61 = tpu.memref_slice %arg2[%dma_wait3A_59, %dma_wait3A_60] : memref<10240x128xf32, #tpu.memory_space<hbm>> -> memref<10240x128xf32, #tpu.memory_space<hbm>>
      tpu.wait_indirect_dma semaphore(%arg12 : memref<!tpu.dma_semaphore, #tpu.memory_space<semaphore_mem>>) src(%dma_wait3A_61 : memref<10240x128xf32, #tpu.memory_space<hbm>>) dst(%arg9 : memref<128x128xf32, #tpu.memory_space<vmem>>)
      "tpu.region"() ({
        %run_scoped3A = tpu.sem_alloc : memref<!tpu.dma_semaphore, #tpu.memory_space<semaphore_mem>>
        %dma_start3A_78 = arith.constant 0 : i32
        %dma_start3A_79 = tpu.memref_slice %arg8[%mul3A_48, %dma_start3A_78] : memref<40x128xi32, #tpu.memory_space<vmem>> -> memref<1x128xi32, #tpu.memory_space<vmem>>
        %dma_start3A_80 = tpu.memref_squeeze %dma_start3A_79 : memref<1x128xi32, #tpu.memory_space<vmem>> -> memref<128xi32, #tpu.memory_space<vmem>>
        %dma_start3A_81 = arith.constant 0 : i32
        %dma_start3A_82 = arith.constant 0 : i32
        %dma_start3A_83 = tpu.memref_slice %arg11[%dma_start3A_81, %dma_start3A_82] : memref<10240x128xf32, #tpu.memory_space<vmem_shared>> -> memref<10240x128xf32, #tpu.memory_space<vmem_shared>>
        tpu.enqueue_indirect_dma source(%arg9 : memref<128x128xf32, #tpu.memory_space<vmem>>) target(%dma_start3A_83 : memref<10240x128xf32, #tpu.memory_space<vmem_shared>>) offsets(%dma_start3A_80 : memref<128xi32, #tpu.memory_space<vmem>>) semaphore(%run_scoped3A : memref<!tpu.dma_semaphore, #tpu.memory_space<semaphore_mem>>) {add = true}
        %dma_wait3A_84 = arith.constant 0 : i32
        %dma_wait3A_85 = tpu.memref_slice %arg8[%mul3A_48, %dma_wait3A_84] : memref<40x128xi32, #tpu.memory_space<vmem>> -> memref<1x128xi32, #tpu.memory_space<vmem>>
        %dma_wait3A_86 = tpu.memref_squeeze %dma_wait3A_85 : memref<1x128xi32, #tpu.memory_space<vmem>> -> memref<128xi32, #tpu.memory_space<vmem>>
        %dma_wait3A_87 = arith.constant 0 : i32
        %dma_wait3A_88 = arith.constant 0 : i32
        %dma_wait3A_89 = tpu.memref_slice %arg11[%dma_wait3A_87, %dma_wait3A_88] : memref<10240x128xf32, #tpu.memory_space<vmem_shared>> -> memref<10240x128xf32, #tpu.memory_space<vmem_shared>>
        tpu.wait_indirect_dma semaphore(%run_scoped3A : memref<!tpu.dma_semaphore, #tpu.memory_space<semaphore_mem>>) src(%arg9 : memref<128x128xf32, #tpu.memory_space<vmem>>) dst(%dma_wait3A_89 : memref<10240x128xf32, #tpu.memory_space<vmem_shared>>)
        tpu.yield
      }) : () -> ()
      %add3A_62 = arith.constant 2 : i32
      %add3A_63 = arith.addi %mul3A_48, %add3A_62 : i32
      %lt3A = arith.constant 40 : i32
      %lt3A_64 = arith.cmpi slt, %add3A_63, %lt3A : i32
      %convert_element_type3A_65 = arith.extui %lt3A_64 : i1 to i32
      %cond3A_66 = arith.constant 0 : i32
      %cond3A_67 = arith.cmpi ne, %convert_element_type3A_65, %cond3A_66 : i32
      scf.if %cond3A_67 {
        %add3A_78 = arith.constant 2 : i32
        %add3A_79 = arith.addi %mul3A_48, %add3A_78 : i32
        %dma_start3A_80 = arith.constant 0 : i32
        %dma_start3A_81 = tpu.memref_slice %arg7[%add3A_79, %dma_start3A_80] : memref<40x128xi32, #tpu.memory_space<vmem>> -> memref<1x128xi32, #tpu.memory_space<vmem>>
        %dma_start3A_82 = tpu.memref_squeeze %dma_start3A_81 : memref<1x128xi32, #tpu.memory_space<vmem>> -> memref<128xi32, #tpu.memory_space<vmem>>
        %dma_start3A_83 = arith.constant 0 : i32
        %dma_start3A_84 = arith.constant 0 : i32
        %dma_start3A_85 = tpu.memref_slice %arg2[%dma_start3A_83, %dma_start3A_84] : memref<10240x128xf32, #tpu.memory_space<hbm>> -> memref<10240x128xf32, #tpu.memory_space<hbm>>
        tpu.enqueue_indirect_dma source(%dma_start3A_85 : memref<10240x128xf32, #tpu.memory_space<hbm>>) target(%arg9 : memref<128x128xf32, #tpu.memory_space<vmem>>) offsets(%dma_start3A_82 : memref<128xi32, #tpu.memory_space<vmem>>) semaphore(%arg12 : memref<!tpu.dma_semaphore, #tpu.memory_space<semaphore_mem>>)
      } else {
      }
      %add3A_68 = arith.constant 1 : i32
      %add3A_69 = arith.addi %mul3A_48, %add3A_68 : i32
      %dma_wait3A_70 = arith.constant 0 : i32
      %dma_wait3A_71 = tpu.memref_slice %arg7[%add3A_69, %dma_wait3A_70] : memref<40x128xi32, #tpu.memory_space<vmem>> -> memref<1x128xi32, #tpu.memory_space<vmem>>
      %dma_wait3A_72 = tpu.memref_squeeze %dma_wait3A_71 : memref<1x128xi32, #tpu.memory_space<vmem>> -> memref<128xi32, #tpu.memory_space<vmem>>
      %dma_wait3A_73 = arith.constant 0 : i32
      %dma_wait3A_74 = arith.constant 0 : i32
      %dma_wait3A_75 = tpu.memref_slice %arg2[%dma_wait3A_73, %dma_wait3A_74] : memref<10240x128xf32, #tpu.memory_space<hbm>> -> memref<10240x128xf32, #tpu.memory_space<hbm>>
      tpu.wait_indirect_dma semaphore(%arg13 : memref<!tpu.dma_semaphore, #tpu.memory_space<semaphore_mem>>) src(%dma_wait3A_75 : memref<10240x128xf32, #tpu.memory_space<hbm>>) dst(%arg10 : memref<128x128xf32, #tpu.memory_space<vmem>>)
      %add3A_76 = arith.constant 1 : i32
      %add3A_77 = arith.addi %mul3A_48, %add3A_76 : i32
      "tpu.region"() ({
        %run_scoped3A = tpu.sem_alloc : memref<!tpu.dma_semaphore, #tpu.memory_space<semaphore_mem>>
        %dma_start3A_78 = arith.constant 0 : i32
        %dma_start3A_79 = tpu.memref_slice %arg8[%add3A_77, %dma_start3A_78] : memref<40x128xi32, #tpu.memory_space<vmem>> -> memref<1x128xi32, #tpu.memory_space<vmem>>
        %dma_start3A_80 = tpu.memref_squeeze %dma_start3A_79 : memref<1x128xi32, #tpu.memory_space<vmem>> -> memref<128xi32, #tpu.memory_space<vmem>>
        %dma_start3A_81 = arith.constant 0 : i32
        %dma_start3A_82 = arith.constant 0 : i32
        %dma_start3A_83 = tpu.memref_slice %arg11[%dma_start3A_81, %dma_start3A_82] : memref<10240x128xf32, #tpu.memory_space<vmem_shared>> -> memref<10240x128xf32, #tpu.memory_space<vmem_shared>>
        tpu.enqueue_indirect_dma source(%arg10 : memref<128x128xf32, #tpu.memory_space<vmem>>) target(%dma_start3A_83 : memref<10240x128xf32, #tpu.memory_space<vmem_shared>>) offsets(%dma_start3A_80 : memref<128xi32, #tpu.memory_space<vmem>>) semaphore(%run_scoped3A : memref<!tpu.dma_semaphore, #tpu.memory_space<semaphore_mem>>) {add = true}
        %dma_wait3A_84 = arith.constant 0 : i32
        %dma_wait3A_85 = tpu.memref_slice %arg8[%add3A_77, %dma_wait3A_84] : memref<40x128xi32, #tpu.memory_space<vmem>> -> memref<1x128xi32, #tpu.memory_space<vmem>>
        %dma_wait3A_86 = tpu.memref_squeeze %dma_wait3A_85 : memref<1x128xi32, #tpu.memory_space<vmem>> -> memref<128xi32, #tpu.memory_space<vmem>>
        %dma_wait3A_87 = arith.constant 0 : i32
        %dma_wait3A_88 = arith.constant 0 : i32
        %dma_wait3A_89 = tpu.memref_slice %arg11[%dma_wait3A_87, %dma_wait3A_88] : memref<10240x128xf32, #tpu.memory_space<vmem_shared>> -> memref<10240x128xf32, #tpu.memory_space<vmem_shared>>
        tpu.wait_indirect_dma semaphore(%run_scoped3A : memref<!tpu.dma_semaphore, #tpu.memory_space<semaphore_mem>>) src(%arg10 : memref<128x128xf32, #tpu.memory_space<vmem>>) dst(%dma_wait3A_89 : memref<10240x128xf32, #tpu.memory_space<vmem_shared>>)
        tpu.yield
      }) : () -> ()
    }
    %scan3A_17 = arith.constant 20 : i32
    %mul3A_18 = arith.constant 16 : i32
    %mul3A_19 = arith.muli %arg0, %mul3A_18 : i32
    %add3A_20 = arith.addi %mul3A_19, %arg1 : i32
    %mul3A_21 = arith.constant 80 : i32
    %mul3A_22 = arith.muli %add3A_20, %mul3A_21 : i32
    %add3A_23 = arith.constant 40 : i32
    %add3A_24 = arith.addi %mul3A_22, %add3A_23 : i32
    "tpu.region"() ({
      %run_scoped3A = tpu.sem_alloc : memref<!tpu.dma_semaphore, #tpu.memory_space<semaphore_mem>>
      %dma_start3A_46 = arith.constant 0 : i32
      %dma_start3A_47 = tpu.memref_slice %arg3[%add3A_24, %dma_start3A_46] : memref<2560x128xi32, #tpu.memory_space<hbm>> -> memref<40x128xi32, #tpu.memory_space<hbm>>
      %dma_start3A_48 = arith.constant 0 : i32
      %dma_start3A_49 = tpu.memref_slice %arg3[%add3A_24, %dma_start3A_48] : memref<2560x128xi32, #tpu.memory_space<hbm>> -> memref<40x128xi32, #tpu.memory_space<hbm>>
      tpu.enqueue_dma source(%dma_start3A_49 : memref<40x128xi32, #tpu.memory_space<hbm>>) target(%arg7 : memref<40x128xi32, #tpu.memory_space<vmem>>) target_semaphore(%run_scoped3A : memref<!tpu.dma_semaphore, #tpu.memory_space<semaphore_mem>>)
      %dma_wait3A = arith.constant 0 : i32
      %dma_wait3A_50 = tpu.memref_slice %arg3[%add3A_24, %dma_wait3A] : memref<2560x128xi32, #tpu.memory_space<hbm>> -> memref<40x128xi32, #tpu.memory_space<hbm>>
      %dma_wait3A_51 = arith.constant 0 : i32
      %dma_wait3A_52 = tpu.memref_slice %arg3[%add3A_24, %dma_wait3A_51] : memref<2560x128xi32, #tpu.memory_space<hbm>> -> memref<40x128xi32, #tpu.memory_space<hbm>>
      tpu.wait_dma2 semaphore(%run_scoped3A : memref<!tpu.dma_semaphore, #tpu.memory_space<semaphore_mem>>) src(%dma_wait3A_52 : memref<40x128xi32, #tpu.memory_space<hbm>>) dst(%arg7 : memref<40x128xi32, #tpu.memory_space<vmem>>)
      tpu.yield
    }) : () -> ()
    "tpu.region"() ({
      %run_scoped3A = tpu.sem_alloc : memref<!tpu.dma_semaphore, #tpu.memory_space<semaphore_mem>>
      %dma_start3A_46 = arith.constant 0 : i32
      %dma_start3A_47 = tpu.memref_slice %arg4[%add3A_24, %dma_start3A_46] : memref<2560x128xi32, #tpu.memory_space<hbm>> -> memref<40x128xi32, #tpu.memory_space<hbm>>
      %dma_start3A_48 = arith.constant 0 : i32
      %dma_start3A_49 = tpu.memref_slice %arg4[%add3A_24, %dma_start3A_48] : memref<2560x128xi32, #tpu.memory_space<hbm>> -> memref<40x128xi32, #tpu.memory_space<hbm>>
      tpu.enqueue_dma source(%dma_start3A_49 : memref<40x128xi32, #tpu.memory_space<hbm>>) target(%arg8 : memref<40x128xi32, #tpu.memory_space<vmem>>) target_semaphore(%run_scoped3A : memref<!tpu.dma_semaphore, #tpu.memory_space<semaphore_mem>>)
      %dma_wait3A = arith.constant 0 : i32
      %dma_wait3A_50 = tpu.memref_slice %arg4[%add3A_24, %dma_wait3A] : memref<2560x128xi32, #tpu.memory_space<hbm>> -> memref<40x128xi32, #tpu.memory_space<hbm>>
      %dma_wait3A_51 = arith.constant 0 : i32
      %dma_wait3A_52 = tpu.memref_slice %arg4[%add3A_24, %dma_wait3A_51] : memref<2560x128xi32, #tpu.memory_space<hbm>> -> memref<40x128xi32, #tpu.memory_space<hbm>>
      tpu.wait_dma2 semaphore(%run_scoped3A : memref<!tpu.dma_semaphore, #tpu.memory_space<semaphore_mem>>) src(%dma_wait3A_52 : memref<40x128xi32, #tpu.memory_space<hbm>>) dst(%arg8 : memref<40x128xi32, #tpu.memory_space<vmem>>)
      tpu.yield
    }) : () -> ()
    %dma_start3A_25 = arith.constant 0 : i32
    %dma_start3A_26 = arith.constant 0 : i32
    %dma_start3A_27 = tpu.memref_slice %arg7[%dma_start3A_25, %dma_start3A_26] : memref<40x128xi32, #tpu.memory_space<vmem>> -> memref<1x128xi32, #tpu.memory_space<vmem>>
    %dma_start3A_28 = tpu.memref_squeeze %dma_start3A_27 : memref<1x128xi32, #tpu.memory_space<vmem>> -> memref<128xi32, #tpu.memory_space<vmem>>
    %dma_start3A_29 = arith.constant 0 : i32
    %dma_start3A_30 = arith.constant 0 : i32
    %dma_start3A_31 = tpu.memref_slice %arg2[%dma_start3A_29, %dma_start3A_30] : memref<10240x128xf32, #tpu.memory_space<hbm>> -> memref<10240x128xf32, #tpu.memory_space<hbm>>
    tpu.enqueue_indirect_dma source(%dma_start3A_31 : memref<10240x128xf32, #tpu.memory_space<hbm>>) target(%arg9 : memref<128x128xf32, #tpu.memory_space<vmem>>) offsets(%dma_start3A_28 : memref<128xi32, #tpu.memory_space<vmem>>) semaphore(%arg12 : memref<!tpu.dma_semaphore, #tpu.memory_space<semaphore_mem>>)
    %scan3A_32 = arith.constant 0 : i32
    %scan3A_33 = arith.constant 0 : i32
    %scan3A_34 = arith.constant 20 : i32
    %scan3A_35 = arith.addi %scan3A_33, %scan3A_34 : i32
    %scan3A_36 = arith.constant 1 : i32
    scf.for %scan3A_46 = %scan3A_33 to %scan3A_35 step %scan3A_36  : i32 {
      %mul3A_47 = arith.constant 2 : i32
      %mul3A_48 = arith.muli %mul3A_47, %scan3A_46 : i32
      %add3A_49 = arith.constant 1 : i32
      %add3A_50 = arith.addi %mul3A_48, %add3A_49 : i32
      %dma_start3A_51 = arith.constant 0 : i32
      %dma_start3A_52 = tpu.memref_slice %arg7[%add3A_50, %dma_start3A_51] : memref<40x128xi32, #tpu.memory_space<vmem>> -> memref<1x128xi32, #tpu.memory_space<vmem>>
      %dma_start3A_53 = tpu.memref_squeeze %dma_start3A_52 : memref<1x128xi32, #tpu.memory_space<vmem>> -> memref<128xi32, #tpu.memory_space<vmem>>
      %dma_start3A_54 = arith.constant 0 : i32
      %dma_start3A_55 = arith.constant 0 : i32
      %dma_start3A_56 = tpu.memref_slice %arg2[%dma_start3A_54, %dma_start3A_55] : memref<10240x128xf32, #tpu.memory_space<hbm>> -> memref<10240x128xf32, #tpu.memory_space<hbm>>
      tpu.enqueue_indirect_dma source(%dma_start3A_56 : memref<10240x128xf32, #tpu.memory_space<hbm>>) target(%arg10 : memref<128x128xf32, #tpu.memory_space<vmem>>) offsets(%dma_start3A_53 : memref<128xi32, #tpu.memory_space<vmem>>) semaphore(%arg13 : memref<!tpu.dma_semaphore, #tpu.memory_space<semaphore_mem>>)
      %dma_wait3A = arith.constant 0 : i32
      %dma_wait3A_57 = tpu.memref_slice %arg7[%mul3A_48, %dma_wait3A] : memref<40x128xi32, #tpu.memory_space<vmem>> -> memref<1x128xi32, #tpu.memory_space<vmem>>
      %dma_wait3A_58 = tpu.memref_squeeze %dma_wait3A_57 : memref<1x128xi32, #tpu.memory_space<vmem>> -> memref<128xi32, #tpu.memory_space<vmem>>
      %dma_wait3A_59 = arith.constant 0 : i32
      %dma_wait3A_60 = arith.constant 0 : i32
      %dma_wait3A_61 = tpu.memref_slice %arg2[%dma_wait3A_59, %dma_wait3A_60] : memref<10240x128xf32, #tpu.memory_space<hbm>> -> memref<10240x128xf32, #tpu.memory_space<hbm>>
      tpu.wait_indirect_dma semaphore(%arg12 : memref<!tpu.dma_semaphore, #tpu.memory_space<semaphore_mem>>) src(%dma_wait3A_61 : memref<10240x128xf32, #tpu.memory_space<hbm>>) dst(%arg9 : memref<128x128xf32, #tpu.memory_space<vmem>>)
      "tpu.region"() ({
        %run_scoped3A = tpu.sem_alloc : memref<!tpu.dma_semaphore, #tpu.memory_space<semaphore_mem>>
        %dma_start3A_78 = arith.constant 0 : i32
        %dma_start3A_79 = tpu.memref_slice %arg8[%mul3A_48, %dma_start3A_78] : memref<40x128xi32, #tpu.memory_space<vmem>> -> memref<1x128xi32, #tpu.memory_space<vmem>>
        %dma_start3A_80 = tpu.memref_squeeze %dma_start3A_79 : memref<1x128xi32, #tpu.memory_space<vmem>> -> memref<128xi32, #tpu.memory_space<vmem>>
        %dma_start3A_81 = arith.constant 0 : i32
        %dma_start3A_82 = arith.constant 0 : i32
        %dma_start3A_83 = tpu.memref_slice %arg11[%dma_start3A_81, %dma_start3A_82] : memref<10240x128xf32, #tpu.memory_space<vmem_shared>> -> memref<10240x128xf32, #tpu.memory_space<vmem_shared>>
        tpu.enqueue_indirect_dma source(%arg9 : memref<128x128xf32, #tpu.memory_space<vmem>>) target(%dma_start3A_83 : memref<10240x128xf32, #tpu.memory_space<vmem_shared>>) offsets(%dma_start3A_80 : memref<128xi32, #tpu.memory_space<vmem>>) semaphore(%run_scoped3A : memref<!tpu.dma_semaphore, #tpu.memory_space<semaphore_mem>>) {add = true}
        %dma_wait3A_84 = arith.constant 0 : i32
        %dma_wait3A_85 = tpu.memref_slice %arg8[%mul3A_48, %dma_wait3A_84] : memref<40x128xi32, #tpu.memory_space<vmem>> -> memref<1x128xi32, #tpu.memory_space<vmem>>
        %dma_wait3A_86 = tpu.memref_squeeze %dma_wait3A_85 : memref<1x128xi32, #tpu.memory_space<vmem>> -> memref<128xi32, #tpu.memory_space<vmem>>
        %dma_wait3A_87 = arith.constant 0 : i32
        %dma_wait3A_88 = arith.constant 0 : i32
        %dma_wait3A_89 = tpu.memref_slice %arg11[%dma_wait3A_87, %dma_wait3A_88] : memref<10240x128xf32, #tpu.memory_space<vmem_shared>> -> memref<10240x128xf32, #tpu.memory_space<vmem_shared>>
        tpu.wait_indirect_dma semaphore(%run_scoped3A : memref<!tpu.dma_semaphore, #tpu.memory_space<semaphore_mem>>) src(%arg9 : memref<128x128xf32, #tpu.memory_space<vmem>>) dst(%dma_wait3A_89 : memref<10240x128xf32, #tpu.memory_space<vmem_shared>>)
        tpu.yield
      }) : () -> ()
      %add3A_62 = arith.constant 2 : i32
      %add3A_63 = arith.addi %mul3A_48, %add3A_62 : i32
      %lt3A = arith.constant 40 : i32
      %lt3A_64 = arith.cmpi slt, %add3A_63, %lt3A : i32
      %convert_element_type3A_65 = arith.extui %lt3A_64 : i1 to i32
      %cond3A_66 = arith.constant 0 : i32
      %cond3A_67 = arith.cmpi ne, %convert_element_type3A_65, %cond3A_66 : i32
      scf.if %cond3A_67 {
        %add3A_78 = arith.constant 2 : i32
        %add3A_79 = arith.addi %mul3A_48, %add3A_78 : i32
        %dma_start3A_80 = arith.constant 0 : i32
        %dma_start3A_81 = tpu.memref_slice %arg7[%add3A_79, %dma_start3A_80] : memref<40x128xi32, #tpu.memory_space<vmem>> -> memref<1x128xi32, #tpu.memory_space<vmem>>
        %dma_start3A_82 = tpu.memref_squeeze %dma_start3A_81 : memref<1x128xi32, #tpu.memory_space<vmem>> -> memref<128xi32, #tpu.memory_space<vmem>>
        %dma_start3A_83 = arith.constant 0 : i32
        %dma_start3A_84 = arith.constant 0 : i32
        %dma_start3A_85 = tpu.memref_slice %arg2[%dma_start3A_83, %dma_start3A_84] : memref<10240x128xf32, #tpu.memory_space<hbm>> -> memref<10240x128xf32, #tpu.memory_space<hbm>>
        tpu.enqueue_indirect_dma source(%dma_start3A_85 : memref<10240x128xf32, #tpu.memory_space<hbm>>) target(%arg9 : memref<128x128xf32, #tpu.memory_space<vmem>>) offsets(%dma_start3A_82 : memref<128xi32, #tpu.memory_space<vmem>>) semaphore(%arg12 : memref<!tpu.dma_semaphore, #tpu.memory_space<semaphore_mem>>)
      } else {
      }
      %add3A_68 = arith.constant 1 : i32
      %add3A_69 = arith.addi %mul3A_48, %add3A_68 : i32
      %dma_wait3A_70 = arith.constant 0 : i32
      %dma_wait3A_71 = tpu.memref_slice %arg7[%add3A_69, %dma_wait3A_70] : memref<40x128xi32, #tpu.memory_space<vmem>> -> memref<1x128xi32, #tpu.memory_space<vmem>>
      %dma_wait3A_72 = tpu.memref_squeeze %dma_wait3A_71 : memref<1x128xi32, #tpu.memory_space<vmem>> -> memref<128xi32, #tpu.memory_space<vmem>>
      %dma_wait3A_73 = arith.constant 0 : i32
      %dma_wait3A_74 = arith.constant 0 : i32
      %dma_wait3A_75 = tpu.memref_slice %arg2[%dma_wait3A_73, %dma_wait3A_74] : memref<10240x128xf32, #tpu.memory_space<hbm>> -> memref<10240x128xf32, #tpu.memory_space<hbm>>
      tpu.wait_indirect_dma semaphore(%arg13 : memref<!tpu.dma_semaphore, #tpu.memory_space<semaphore_mem>>) src(%dma_wait3A_75 : memref<10240x128xf32, #tpu.memory_space<hbm>>) dst(%arg10 : memref<128x128xf32, #tpu.memory_space<vmem>>)
      %add3A_76 = arith.constant 1 : i32
      %add3A_77 = arith.addi %mul3A_48, %add3A_76 : i32
      "tpu.region"() ({
        %run_scoped3A = tpu.sem_alloc : memref<!tpu.dma_semaphore, #tpu.memory_space<semaphore_mem>>
        %dma_start3A_78 = arith.constant 0 : i32
        %dma_start3A_79 = tpu.memref_slice %arg8[%add3A_77, %dma_start3A_78] : memref<40x128xi32, #tpu.memory_space<vmem>> -> memref<1x128xi32, #tpu.memory_space<vmem>>
        %dma_start3A_80 = tpu.memref_squeeze %dma_start3A_79 : memref<1x128xi32, #tpu.memory_space<vmem>> -> memref<128xi32, #tpu.memory_space<vmem>>
        %dma_start3A_81 = arith.constant 0 : i32
        %dma_start3A_82 = arith.constant 0 : i32
        %dma_start3A_83 = tpu.memref_slice %arg11[%dma_start3A_81, %dma_start3A_82] : memref<10240x128xf32, #tpu.memory_space<vmem_shared>> -> memref<10240x128xf32, #tpu.memory_space<vmem_shared>>
        tpu.enqueue_indirect_dma source(%arg10 : memref<128x128xf32, #tpu.memory_space<vmem>>) target(%dma_start3A_83 : memref<10240x128xf32, #tpu.memory_space<vmem_shared>>) offsets(%dma_start3A_80 : memref<128xi32, #tpu.memory_space<vmem>>) semaphore(%run_scoped3A : memref<!tpu.dma_semaphore, #tpu.memory_space<semaphore_mem>>) {add = true}
        %dma_wait3A_84 = arith.constant 0 : i32
        %dma_wait3A_85 = tpu.memref_slice %arg8[%add3A_77, %dma_wait3A_84] : memref<40x128xi32, #tpu.memory_space<vmem>> -> memref<1x128xi32, #tpu.memory_space<vmem>>
        %dma_wait3A_86 = tpu.memref_squeeze %dma_wait3A_85 : memref<1x128xi32, #tpu.memory_space<vmem>> -> memref<128xi32, #tpu.memory_space<vmem>>
        %dma_wait3A_87 = arith.constant 0 : i32
        %dma_wait3A_88 = arith.constant 0 : i32
        %dma_wait3A_89 = tpu.memref_slice %arg11[%dma_wait3A_87, %dma_wait3A_88] : memref<10240x128xf32, #tpu.memory_space<vmem_shared>> -> memref<10240x128xf32, #tpu.memory_space<vmem_shared>>
        tpu.wait_indirect_dma semaphore(%run_scoped3A : memref<!tpu.dma_semaphore, #tpu.memory_space<semaphore_mem>>) src(%arg10 : memref<128x128xf32, #tpu.memory_space<vmem>>) dst(%dma_wait3A_89 : memref<10240x128xf32, #tpu.memory_space<vmem_shared>>)
        tpu.yield
      }) : () -> ()
    }
    %scan3A_37 = arith.constant 20 : i32
    %barrier3A_38 = arith.constant 0 : index
    tpu.barrier barrier_id(%barrier3A_38)
    %eq3A = arith.constant 0 : i32
    %eq3A_39 = arith.cmpi eq, %arg0, %eq3A : i32
    %convert_element_type3A = arith.extui %eq3A_39 : i1 to i32
    %cond3A = arith.constant 0 : i32
    %cond3A_40 = arith.cmpi ne, %convert_element_type3A, %cond3A : i32
    scf.if %cond3A_40 {
      %run_scoped3A = arith.constant 0 : i32
      "tpu.region"() ({
        %run_scoped3A_46 = tpu.sem_alloc : memref<!tpu.dma_semaphore, #tpu.memory_space<semaphore_mem>>
        %dma_start3A_47 = arith.constant 0 : i32
        %dma_start3A_48 = tpu.memref_slice %arg6[%run_scoped3A, %mul3A_0, %dma_start3A_47] : memref<2x10240x128xf32, #tpu.memory_space<hbm>> -> memref<1x640x128xf32, #tpu.memory_space<hbm>>
        %dma_start3A_49 = tpu.memref_squeeze %dma_start3A_48 : memref<1x640x128xf32, #tpu.memory_space<hbm>> -> memref<640x128xf32, #tpu.memory_space<hbm>>
        %dma_start3A_50 = arith.constant 0 : i32
        %dma_start3A_51 = tpu.memref_slice %arg11[%mul3A_0, %dma_start3A_50] : memref<10240x128xf32, #tpu.memory_space<vmem_shared>> -> memref<640x128xf32, #tpu.memory_space<vmem_shared>>
        tpu.enqueue_dma source(%dma_start3A_51 : memref<640x128xf32, #tpu.memory_space<vmem_shared>>) target(%dma_start3A_49 : memref<640x128xf32, #tpu.memory_space<hbm>>) target_semaphore(%run_scoped3A_46 : memref<!tpu.dma_semaphore, #tpu.memory_space<semaphore_mem>>)
        %dma_wait3A = arith.constant 0 : i32
        %dma_wait3A_52 = tpu.memref_slice %arg6[%run_scoped3A, %mul3A_0, %dma_wait3A] : memref<2x10240x128xf32, #tpu.memory_space<hbm>> -> memref<1x640x128xf32, #tpu.memory_space<hbm>>
        %dma_wait3A_53 = tpu.memref_squeeze %dma_wait3A_52 : memref<1x640x128xf32, #tpu.memory_space<hbm>> -> memref<640x128xf32, #tpu.memory_space<hbm>>
        %dma_wait3A_54 = arith.constant 0 : i32
        %dma_wait3A_55 = tpu.memref_slice %arg11[%mul3A_0, %dma_wait3A_54] : memref<10240x128xf32, #tpu.memory_space<vmem_shared>> -> memref<640x128xf32, #tpu.memory_space<vmem_shared>>
        tpu.wait_dma2 semaphore(%run_scoped3A_46 : memref<!tpu.dma_semaphore, #tpu.memory_space<semaphore_mem>>) src(%dma_wait3A_55 : memref<640x128xf32, #tpu.memory_space<vmem_shared>>) dst(%dma_wait3A_53 : memref<640x128xf32, #tpu.memory_space<hbm>>)
        tpu.yield
      }) : () -> ()
    } else {
    }
    %eq3A_41 = arith.constant 1 : i32
    %eq3A_42 = arith.cmpi eq, %arg0, %eq3A_41 : i32
    %convert_element_type3A_43 = arith.extui %eq3A_42 : i1 to i32
    %cond3A_44 = arith.constant 0 : i32
    %cond3A_45 = arith.cmpi ne, %convert_element_type3A_43, %cond3A_44 : i32
    scf.if %cond3A_45 {
      %run_scoped3A = arith.constant 1 : i32
      "tpu.region"() ({
        %run_scoped3A_46 = tpu.sem_alloc : memref<!tpu.dma_semaphore, #tpu.memory_space<semaphore_mem>>
        %dma_start3A_47 = arith.constant 0 : i32
        %dma_start3A_48 = tpu.memref_slice %arg6[%run_scoped3A, %mul3A_0, %dma_start3A_47] : memref<2x10240x128xf32, #tpu.memory_space<hbm>> -> memref<1x640x128xf32, #tpu.memory_space<hbm>>
        %dma_start3A_49 = tpu.memref_squeeze %dma_start3A_48 : memref<1x640x128xf32, #tpu.memory_space<hbm>> -> memref<640x128xf32, #tpu.memory_space<hbm>>
        %dma_start3A_50 = arith.constant 0 : i32
        %dma_start3A_51 = tpu.memref_slice %arg11[%mul3A_0, %dma_start3A_50] : memref<10240x128xf32, #tpu.memory_space<vmem_shared>> -> memref<640x128xf32, #tpu.memory_space<vmem_shared>>
        tpu.enqueue_dma source(%dma_start3A_51 : memref<640x128xf32, #tpu.memory_space<vmem_shared>>) target(%dma_start3A_49 : memref<640x128xf32, #tpu.memory_space<hbm>>) target_semaphore(%run_scoped3A_46 : memref<!tpu.dma_semaphore, #tpu.memory_space<semaphore_mem>>)
        %dma_wait3A = arith.constant 0 : i32
        %dma_wait3A_52 = tpu.memref_slice %arg6[%run_scoped3A, %mul3A_0, %dma_wait3A] : memref<2x10240x128xf32, #tpu.memory_space<hbm>> -> memref<1x640x128xf32, #tpu.memory_space<hbm>>
        %dma_wait3A_53 = tpu.memref_squeeze %dma_wait3A_52 : memref<1x640x128xf32, #tpu.memory_space<hbm>> -> memref<640x128xf32, #tpu.memory_space<hbm>>
        %dma_wait3A_54 = arith.constant 0 : i32
        %dma_wait3A_55 = tpu.memref_slice %arg11[%mul3A_0, %dma_wait3A_54] : memref<10240x128xf32, #tpu.memory_space<vmem_shared>> -> memref<640x128xf32, #tpu.memory_space<vmem_shared>>
        tpu.wait_dma2 semaphore(%run_scoped3A_46 : memref<!tpu.dma_semaphore, #tpu.memory_space<semaphore_mem>>) src(%dma_wait3A_55 : memref<640x128xf32, #tpu.memory_space<vmem_shared>>) dst(%dma_wait3A_53 : memref<640x128xf32, #tpu.memory_space<hbm>>)
        tpu.yield
      }) : () -> ()
    } else {
    }
    return
  }
}

#map = affine_map<(d0, d1) -> (0, 0)>
#map1 = affine_map<(d0, d1) -> (0, 0, 0)>
module attributes {stable_mosaic.version = 14 : i64} {
  func.func @_degree_kernel(%arg0: i32, %arg1: i32, %arg2: memref<2560x128xi32, #tpu.memory_space<hbm>>, %arg3: memref<2560x128xi32, #tpu.memory_space<hbm>>, %arg4: memref<128x128xf32, #tpu.memory_space<hbm>>, %arg5: memref<10240x128xf32, #tpu.memory_space<hbm>>, %arg6: memref<2x10240x128xf32, #tpu.memory_space<hbm>>, %arg7: memref<160x128xi32, #tpu.memory_space<vmem>>, %arg8: memref<128x128xf32, #tpu.memory_space<vmem>>, %arg9: memref<10240x128xf32, #tpu.memory_space<vmem_shared>>, %arg10: memref<!tpu.dma_semaphore, #tpu.memory_space<semaphore_mem>>) attributes {dimension_semantics = [#tpu.dimension_semantics<core_parallel>, #tpu.dimension_semantics<subcore_parallel>], iteration_bounds = array<i64: 2, 16>, scalar_prefetch = 0 : i64, scratch_operands = 4 : i64, tpu.core_type = #tpu.core_type<sc_vector_subcore>, window_params = [{transform_indices = #map}, {transform_indices = #map}, {transform_indices = #map}, {transform_indices = #map}, {transform_indices = #map1}]} {
    %mul3A = arith.constant 640 : i32
    %mul3A_0 = arith.muli %arg1, %mul3A : i32
    "tpu.region"() ({
      %run_scoped3A = tpu.sem_alloc : memref<!tpu.dma_semaphore, #tpu.memory_space<semaphore_mem>>
      %dma_start3A = arith.constant 0 : i32
      %dma_start3A_26 = tpu.memref_slice %arg9[%mul3A_0, %dma_start3A] : memref<10240x128xf32, #tpu.memory_space<vmem_shared>> -> memref<640x128xf32, #tpu.memory_space<vmem_shared>>
      %dma_start3A_27 = arith.constant 0 : i32
      %dma_start3A_28 = tpu.memref_slice %arg5[%mul3A_0, %dma_start3A_27] : memref<10240x128xf32, #tpu.memory_space<hbm>> -> memref<640x128xf32, #tpu.memory_space<hbm>>
      tpu.enqueue_dma source(%dma_start3A_28 : memref<640x128xf32, #tpu.memory_space<hbm>>) target(%dma_start3A_26 : memref<640x128xf32, #tpu.memory_space<vmem_shared>>) target_semaphore(%run_scoped3A : memref<!tpu.dma_semaphore, #tpu.memory_space<semaphore_mem>>)
      %dma_wait3A = arith.constant 0 : i32
      %dma_wait3A_29 = tpu.memref_slice %arg9[%mul3A_0, %dma_wait3A] : memref<10240x128xf32, #tpu.memory_space<vmem_shared>> -> memref<640x128xf32, #tpu.memory_space<vmem_shared>>
      %dma_wait3A_30 = arith.constant 0 : i32
      %dma_wait3A_31 = tpu.memref_slice %arg5[%mul3A_0, %dma_wait3A_30] : memref<10240x128xf32, #tpu.memory_space<hbm>> -> memref<640x128xf32, #tpu.memory_space<hbm>>
      tpu.wait_dma2 semaphore(%run_scoped3A : memref<!tpu.dma_semaphore, #tpu.memory_space<semaphore_mem>>) src(%dma_wait3A_31 : memref<640x128xf32, #tpu.memory_space<hbm>>) dst(%dma_wait3A_29 : memref<640x128xf32, #tpu.memory_space<vmem_shared>>)
      tpu.yield
    }) : () -> ()
    "tpu.region"() ({
      %run_scoped3A = tpu.sem_alloc : memref<!tpu.dma_semaphore, #tpu.memory_space<semaphore_mem>>
      tpu.enqueue_dma source(%arg4 : memref<128x128xf32, #tpu.memory_space<hbm>>) target(%arg8 : memref<128x128xf32, #tpu.memory_space<vmem>>) target_semaphore(%run_scoped3A : memref<!tpu.dma_semaphore, #tpu.memory_space<semaphore_mem>>)
      tpu.wait_dma2 semaphore(%run_scoped3A : memref<!tpu.dma_semaphore, #tpu.memory_space<semaphore_mem>>) src(%arg4 : memref<128x128xf32, #tpu.memory_space<hbm>>) dst(%arg8 : memref<128x128xf32, #tpu.memory_space<vmem>>)
      tpu.yield
    }) : () -> ()
    %mul3A_1 = arith.constant 160 : i32
    %mul3A_2 = arith.muli %arg1, %mul3A_1 : i32
    %eq3A = arith.constant 0 : i32
    %eq3A_3 = arith.cmpi eq, %arg0, %eq3A : i32
    %convert_element_type3A = arith.extui %eq3A_3 : i1 to i32
    %cond3A = arith.constant 0 : i32
    %cond3A_4 = arith.cmpi ne, %convert_element_type3A, %cond3A : i32
    scf.if %cond3A_4 {
      "tpu.region"() ({
        %run_scoped3A = tpu.sem_alloc : memref<!tpu.dma_semaphore, #tpu.memory_space<semaphore_mem>>
        %dma_start3A = arith.constant 0 : i32
        %dma_start3A_26 = tpu.memref_slice %arg2[%mul3A_2, %dma_start3A] : memref<2560x128xi32, #tpu.memory_space<hbm>> -> memref<160x128xi32, #tpu.memory_space<hbm>>
        %dma_start3A_27 = arith.constant 0 : i32
        %dma_start3A_28 = tpu.memref_slice %arg2[%mul3A_2, %dma_start3A_27] : memref<2560x128xi32, #tpu.memory_space<hbm>> -> memref<160x128xi32, #tpu.memory_space<hbm>>
        tpu.enqueue_dma source(%dma_start3A_28 : memref<160x128xi32, #tpu.memory_space<hbm>>) target(%arg7 : memref<160x128xi32, #tpu.memory_space<vmem>>) target_semaphore(%run_scoped3A : memref<!tpu.dma_semaphore, #tpu.memory_space<semaphore_mem>>)
        %dma_wait3A = arith.constant 0 : i32
        %dma_wait3A_29 = tpu.memref_slice %arg2[%mul3A_2, %dma_wait3A] : memref<2560x128xi32, #tpu.memory_space<hbm>> -> memref<160x128xi32, #tpu.memory_space<hbm>>
        %dma_wait3A_30 = arith.constant 0 : i32
        %dma_wait3A_31 = tpu.memref_slice %arg2[%mul3A_2, %dma_wait3A_30] : memref<2560x128xi32, #tpu.memory_space<hbm>> -> memref<160x128xi32, #tpu.memory_space<hbm>>
        tpu.wait_dma2 semaphore(%run_scoped3A : memref<!tpu.dma_semaphore, #tpu.memory_space<semaphore_mem>>) src(%dma_wait3A_31 : memref<160x128xi32, #tpu.memory_space<hbm>>) dst(%arg7 : memref<160x128xi32, #tpu.memory_space<vmem>>)
        tpu.yield
      }) : () -> ()
    } else {
    }
    %eq3A_5 = arith.constant 1 : i32
    %eq3A_6 = arith.cmpi eq, %arg0, %eq3A_5 : i32
    %convert_element_type3A_7 = arith.extui %eq3A_6 : i1 to i32
    %cond3A_8 = arith.constant 0 : i32
    %cond3A_9 = arith.cmpi ne, %convert_element_type3A_7, %cond3A_8 : i32
    scf.if %cond3A_9 {
      "tpu.region"() ({
        %run_scoped3A = tpu.sem_alloc : memref<!tpu.dma_semaphore, #tpu.memory_space<semaphore_mem>>
        %dma_start3A = arith.constant 0 : i32
        %dma_start3A_26 = tpu.memref_slice %arg3[%mul3A_2, %dma_start3A] : memref<2560x128xi32, #tpu.memory_space<hbm>> -> memref<160x128xi32, #tpu.memory_space<hbm>>
        %dma_start3A_27 = arith.constant 0 : i32
        %dma_start3A_28 = tpu.memref_slice %arg3[%mul3A_2, %dma_start3A_27] : memref<2560x128xi32, #tpu.memory_space<hbm>> -> memref<160x128xi32, #tpu.memory_space<hbm>>
        tpu.enqueue_dma source(%dma_start3A_28 : memref<160x128xi32, #tpu.memory_space<hbm>>) target(%arg7 : memref<160x128xi32, #tpu.memory_space<vmem>>) target_semaphore(%run_scoped3A : memref<!tpu.dma_semaphore, #tpu.memory_space<semaphore_mem>>)
        %dma_wait3A = arith.constant 0 : i32
        %dma_wait3A_29 = tpu.memref_slice %arg3[%mul3A_2, %dma_wait3A] : memref<2560x128xi32, #tpu.memory_space<hbm>> -> memref<160x128xi32, #tpu.memory_space<hbm>>
        %dma_wait3A_30 = arith.constant 0 : i32
        %dma_wait3A_31 = tpu.memref_slice %arg3[%mul3A_2, %dma_wait3A_30] : memref<2560x128xi32, #tpu.memory_space<hbm>> -> memref<160x128xi32, #tpu.memory_space<hbm>>
        tpu.wait_dma2 semaphore(%run_scoped3A : memref<!tpu.dma_semaphore, #tpu.memory_space<semaphore_mem>>) src(%dma_wait3A_31 : memref<160x128xi32, #tpu.memory_space<hbm>>) dst(%arg7 : memref<160x128xi32, #tpu.memory_space<vmem>>)
        tpu.yield
      }) : () -> ()
    } else {
    }
    %barrier3A = arith.constant 0 : index
    tpu.barrier barrier_id(%barrier3A)
    %scan3A = arith.constant 0 : i32
    %scan3A_10 = arith.constant 0 : i32
    %scan3A_11 = arith.constant 20 : i32
    %scan3A_12 = arith.addi %scan3A_10, %scan3A_11 : i32
    %scan3A_13 = arith.constant 1 : i32
    scf.for %scan3A_26 = %scan3A_10 to %scan3A_12 step %scan3A_13  : i32 {
      %mul3A_27 = arith.constant 8 : i32
      %mul3A_28 = arith.muli %mul3A_27, %scan3A_26 : i32
      %add3A = arith.constant 0 : i32
      %add3A_29 = arith.addi %mul3A_28, %add3A : i32
      %dma_start3A = arith.constant 0 : i32
      %dma_start3A_30 = tpu.memref_slice %arg7[%add3A_29, %dma_start3A] : memref<160x128xi32, #tpu.memory_space<vmem>> -> memref<1x128xi32, #tpu.memory_space<vmem>>
      %dma_start3A_31 = tpu.memref_squeeze %dma_start3A_30 : memref<1x128xi32, #tpu.memory_space<vmem>> -> memref<128xi32, #tpu.memory_space<vmem>>
      %dma_start3A_32 = arith.constant 0 : i32
      %dma_start3A_33 = arith.constant 0 : i32
      %dma_start3A_34 = tpu.memref_slice %arg9[%dma_start3A_32, %dma_start3A_33] : memref<10240x128xf32, #tpu.memory_space<vmem_shared>> -> memref<10240x128xf32, #tpu.memory_space<vmem_shared>>
      tpu.enqueue_indirect_dma source(%arg8 : memref<128x128xf32, #tpu.memory_space<vmem>>) target(%dma_start3A_34 : memref<10240x128xf32, #tpu.memory_space<vmem_shared>>) offsets(%dma_start3A_31 : memref<128xi32, #tpu.memory_space<vmem>>) semaphore(%arg10 : memref<!tpu.dma_semaphore, #tpu.memory_space<semaphore_mem>>) {add = true}
      %add3A_35 = arith.constant 1 : i32
      %add3A_36 = arith.addi %mul3A_28, %add3A_35 : i32
      %dma_start3A_37 = arith.constant 0 : i32
      %dma_start3A_38 = tpu.memref_slice %arg7[%add3A_36, %dma_start3A_37] : memref<160x128xi32, #tpu.memory_space<vmem>> -> memref<1x128xi32, #tpu.memory_space<vmem>>
      %dma_start3A_39 = tpu.memref_squeeze %dma_start3A_38 : memref<1x128xi32, #tpu.memory_space<vmem>> -> memref<128xi32, #tpu.memory_space<vmem>>
      %dma_start3A_40 = arith.constant 0 : i32
      %dma_start3A_41 = arith.constant 0 : i32
      %dma_start3A_42 = tpu.memref_slice %arg9[%dma_start3A_40, %dma_start3A_41] : memref<10240x128xf32, #tpu.memory_space<vmem_shared>> -> memref<10240x128xf32, #tpu.memory_space<vmem_shared>>
      tpu.enqueue_indirect_dma source(%arg8 : memref<128x128xf32, #tpu.memory_space<vmem>>) target(%dma_start3A_42 : memref<10240x128xf32, #tpu.memory_space<vmem_shared>>) offsets(%dma_start3A_39 : memref<128xi32, #tpu.memory_space<vmem>>) semaphore(%arg10 : memref<!tpu.dma_semaphore, #tpu.memory_space<semaphore_mem>>) {add = true}
      %add3A_43 = arith.constant 2 : i32
      %add3A_44 = arith.addi %mul3A_28, %add3A_43 : i32
      %dma_start3A_45 = arith.constant 0 : i32
      %dma_start3A_46 = tpu.memref_slice %arg7[%add3A_44, %dma_start3A_45] : memref<160x128xi32, #tpu.memory_space<vmem>> -> memref<1x128xi32, #tpu.memory_space<vmem>>
      %dma_start3A_47 = tpu.memref_squeeze %dma_start3A_46 : memref<1x128xi32, #tpu.memory_space<vmem>> -> memref<128xi32, #tpu.memory_space<vmem>>
      %dma_start3A_48 = arith.constant 0 : i32
      %dma_start3A_49 = arith.constant 0 : i32
      %dma_start3A_50 = tpu.memref_slice %arg9[%dma_start3A_48, %dma_start3A_49] : memref<10240x128xf32, #tpu.memory_space<vmem_shared>> -> memref<10240x128xf32, #tpu.memory_space<vmem_shared>>
      tpu.enqueue_indirect_dma source(%arg8 : memref<128x128xf32, #tpu.memory_space<vmem>>) target(%dma_start3A_50 : memref<10240x128xf32, #tpu.memory_space<vmem_shared>>) offsets(%dma_start3A_47 : memref<128xi32, #tpu.memory_space<vmem>>) semaphore(%arg10 : memref<!tpu.dma_semaphore, #tpu.memory_space<semaphore_mem>>) {add = true}
      %add3A_51 = arith.constant 3 : i32
      %add3A_52 = arith.addi %mul3A_28, %add3A_51 : i32
      %dma_start3A_53 = arith.constant 0 : i32
      %dma_start3A_54 = tpu.memref_slice %arg7[%add3A_52, %dma_start3A_53] : memref<160x128xi32, #tpu.memory_space<vmem>> -> memref<1x128xi32, #tpu.memory_space<vmem>>
      %dma_start3A_55 = tpu.memref_squeeze %dma_start3A_54 : memref<1x128xi32, #tpu.memory_space<vmem>> -> memref<128xi32, #tpu.memory_space<vmem>>
      %dma_start3A_56 = arith.constant 0 : i32
      %dma_start3A_57 = arith.constant 0 : i32
      %dma_start3A_58 = tpu.memref_slice %arg9[%dma_start3A_56, %dma_start3A_57] : memref<10240x128xf32, #tpu.memory_space<vmem_shared>> -> memref<10240x128xf32, #tpu.memory_space<vmem_shared>>
      tpu.enqueue_indirect_dma source(%arg8 : memref<128x128xf32, #tpu.memory_space<vmem>>) target(%dma_start3A_58 : memref<10240x128xf32, #tpu.memory_space<vmem_shared>>) offsets(%dma_start3A_55 : memref<128xi32, #tpu.memory_space<vmem>>) semaphore(%arg10 : memref<!tpu.dma_semaphore, #tpu.memory_space<semaphore_mem>>) {add = true}
      %add3A_59 = arith.constant 4 : i32
      %add3A_60 = arith.addi %mul3A_28, %add3A_59 : i32
      %dma_start3A_61 = arith.constant 0 : i32
      %dma_start3A_62 = tpu.memref_slice %arg7[%add3A_60, %dma_start3A_61] : memref<160x128xi32, #tpu.memory_space<vmem>> -> memref<1x128xi32, #tpu.memory_space<vmem>>
      %dma_start3A_63 = tpu.memref_squeeze %dma_start3A_62 : memref<1x128xi32, #tpu.memory_space<vmem>> -> memref<128xi32, #tpu.memory_space<vmem>>
      %dma_start3A_64 = arith.constant 0 : i32
      %dma_start3A_65 = arith.constant 0 : i32
      %dma_start3A_66 = tpu.memref_slice %arg9[%dma_start3A_64, %dma_start3A_65] : memref<10240x128xf32, #tpu.memory_space<vmem_shared>> -> memref<10240x128xf32, #tpu.memory_space<vmem_shared>>
      tpu.enqueue_indirect_dma source(%arg8 : memref<128x128xf32, #tpu.memory_space<vmem>>) target(%dma_start3A_66 : memref<10240x128xf32, #tpu.memory_space<vmem_shared>>) offsets(%dma_start3A_63 : memref<128xi32, #tpu.memory_space<vmem>>) semaphore(%arg10 : memref<!tpu.dma_semaphore, #tpu.memory_space<semaphore_mem>>) {add = true}
      %add3A_67 = arith.constant 5 : i32
      %add3A_68 = arith.addi %mul3A_28, %add3A_67 : i32
      %dma_start3A_69 = arith.constant 0 : i32
      %dma_start3A_70 = tpu.memref_slice %arg7[%add3A_68, %dma_start3A_69] : memref<160x128xi32, #tpu.memory_space<vmem>> -> memref<1x128xi32, #tpu.memory_space<vmem>>
      %dma_start3A_71 = tpu.memref_squeeze %dma_start3A_70 : memref<1x128xi32, #tpu.memory_space<vmem>> -> memref<128xi32, #tpu.memory_space<vmem>>
      %dma_start3A_72 = arith.constant 0 : i32
      %dma_start3A_73 = arith.constant 0 : i32
      %dma_start3A_74 = tpu.memref_slice %arg9[%dma_start3A_72, %dma_start3A_73] : memref<10240x128xf32, #tpu.memory_space<vmem_shared>> -> memref<10240x128xf32, #tpu.memory_space<vmem_shared>>
      tpu.enqueue_indirect_dma source(%arg8 : memref<128x128xf32, #tpu.memory_space<vmem>>) target(%dma_start3A_74 : memref<10240x128xf32, #tpu.memory_space<vmem_shared>>) offsets(%dma_start3A_71 : memref<128xi32, #tpu.memory_space<vmem>>) semaphore(%arg10 : memref<!tpu.dma_semaphore, #tpu.memory_space<semaphore_mem>>) {add = true}
      %add3A_75 = arith.constant 6 : i32
      %add3A_76 = arith.addi %mul3A_28, %add3A_75 : i32
      %dma_start3A_77 = arith.constant 0 : i32
      %dma_start3A_78 = tpu.memref_slice %arg7[%add3A_76, %dma_start3A_77] : memref<160x128xi32, #tpu.memory_space<vmem>> -> memref<1x128xi32, #tpu.memory_space<vmem>>
      %dma_start3A_79 = tpu.memref_squeeze %dma_start3A_78 : memref<1x128xi32, #tpu.memory_space<vmem>> -> memref<128xi32, #tpu.memory_space<vmem>>
      %dma_start3A_80 = arith.constant 0 : i32
      %dma_start3A_81 = arith.constant 0 : i32
      %dma_start3A_82 = tpu.memref_slice %arg9[%dma_start3A_80, %dma_start3A_81] : memref<10240x128xf32, #tpu.memory_space<vmem_shared>> -> memref<10240x128xf32, #tpu.memory_space<vmem_shared>>
      tpu.enqueue_indirect_dma source(%arg8 : memref<128x128xf32, #tpu.memory_space<vmem>>) target(%dma_start3A_82 : memref<10240x128xf32, #tpu.memory_space<vmem_shared>>) offsets(%dma_start3A_79 : memref<128xi32, #tpu.memory_space<vmem>>) semaphore(%arg10 : memref<!tpu.dma_semaphore, #tpu.memory_space<semaphore_mem>>) {add = true}
      %add3A_83 = arith.constant 7 : i32
      %add3A_84 = arith.addi %mul3A_28, %add3A_83 : i32
      %dma_start3A_85 = arith.constant 0 : i32
      %dma_start3A_86 = tpu.memref_slice %arg7[%add3A_84, %dma_start3A_85] : memref<160x128xi32, #tpu.memory_space<vmem>> -> memref<1x128xi32, #tpu.memory_space<vmem>>
      %dma_start3A_87 = tpu.memref_squeeze %dma_start3A_86 : memref<1x128xi32, #tpu.memory_space<vmem>> -> memref<128xi32, #tpu.memory_space<vmem>>
      %dma_start3A_88 = arith.constant 0 : i32
      %dma_start3A_89 = arith.constant 0 : i32
      %dma_start3A_90 = tpu.memref_slice %arg9[%dma_start3A_88, %dma_start3A_89] : memref<10240x128xf32, #tpu.memory_space<vmem_shared>> -> memref<10240x128xf32, #tpu.memory_space<vmem_shared>>
      tpu.enqueue_indirect_dma source(%arg8 : memref<128x128xf32, #tpu.memory_space<vmem>>) target(%dma_start3A_90 : memref<10240x128xf32, #tpu.memory_space<vmem_shared>>) offsets(%dma_start3A_87 : memref<128xi32, #tpu.memory_space<vmem>>) semaphore(%arg10 : memref<!tpu.dma_semaphore, #tpu.memory_space<semaphore_mem>>) {add = true}
      %add3A_91 = arith.constant 0 : i32
      %add3A_92 = arith.addi %mul3A_28, %add3A_91 : i32
      %dma_wait3A = arith.constant 0 : i32
      %dma_wait3A_93 = tpu.memref_slice %arg7[%add3A_92, %dma_wait3A] : memref<160x128xi32, #tpu.memory_space<vmem>> -> memref<1x128xi32, #tpu.memory_space<vmem>>
      %dma_wait3A_94 = tpu.memref_squeeze %dma_wait3A_93 : memref<1x128xi32, #tpu.memory_space<vmem>> -> memref<128xi32, #tpu.memory_space<vmem>>
      %dma_wait3A_95 = arith.constant 0 : i32
      %dma_wait3A_96 = arith.constant 0 : i32
      %dma_wait3A_97 = tpu.memref_slice %arg9[%dma_wait3A_95, %dma_wait3A_96] : memref<10240x128xf32, #tpu.memory_space<vmem_shared>> -> memref<10240x128xf32, #tpu.memory_space<vmem_shared>>
      tpu.wait_indirect_dma semaphore(%arg10 : memref<!tpu.dma_semaphore, #tpu.memory_space<semaphore_mem>>) src(%arg8 : memref<128x128xf32, #tpu.memory_space<vmem>>) dst(%dma_wait3A_97 : memref<10240x128xf32, #tpu.memory_space<vmem_shared>>)
      %add3A_98 = arith.constant 1 : i32
      %add3A_99 = arith.addi %mul3A_28, %add3A_98 : i32
      %dma_wait3A_100 = arith.constant 0 : i32
      %dma_wait3A_101 = tpu.memref_slice %arg7[%add3A_99, %dma_wait3A_100] : memref<160x128xi32, #tpu.memory_space<vmem>> -> memref<1x128xi32, #tpu.memory_space<vmem>>
      %dma_wait3A_102 = tpu.memref_squeeze %dma_wait3A_101 : memref<1x128xi32, #tpu.memory_space<vmem>> -> memref<128xi32, #tpu.memory_space<vmem>>
      %dma_wait3A_103 = arith.constant 0 : i32
      %dma_wait3A_104 = arith.constant 0 : i32
      %dma_wait3A_105 = tpu.memref_slice %arg9[%dma_wait3A_103, %dma_wait3A_104] : memref<10240x128xf32, #tpu.memory_space<vmem_shared>> -> memref<10240x128xf32, #tpu.memory_space<vmem_shared>>
      tpu.wait_indirect_dma semaphore(%arg10 : memref<!tpu.dma_semaphore, #tpu.memory_space<semaphore_mem>>) src(%arg8 : memref<128x128xf32, #tpu.memory_space<vmem>>) dst(%dma_wait3A_105 : memref<10240x128xf32, #tpu.memory_space<vmem_shared>>)
      %add3A_106 = arith.constant 2 : i32
      %add3A_107 = arith.addi %mul3A_28, %add3A_106 : i32
      %dma_wait3A_108 = arith.constant 0 : i32
      %dma_wait3A_109 = tpu.memref_slice %arg7[%add3A_107, %dma_wait3A_108] : memref<160x128xi32, #tpu.memory_space<vmem>> -> memref<1x128xi32, #tpu.memory_space<vmem>>
      %dma_wait3A_110 = tpu.memref_squeeze %dma_wait3A_109 : memref<1x128xi32, #tpu.memory_space<vmem>> -> memref<128xi32, #tpu.memory_space<vmem>>
      %dma_wait3A_111 = arith.constant 0 : i32
      %dma_wait3A_112 = arith.constant 0 : i32
      %dma_wait3A_113 = tpu.memref_slice %arg9[%dma_wait3A_111, %dma_wait3A_112] : memref<10240x128xf32, #tpu.memory_space<vmem_shared>> -> memref<10240x128xf32, #tpu.memory_space<vmem_shared>>
      tpu.wait_indirect_dma semaphore(%arg10 : memref<!tpu.dma_semaphore, #tpu.memory_space<semaphore_mem>>) src(%arg8 : memref<128x128xf32, #tpu.memory_space<vmem>>) dst(%dma_wait3A_113 : memref<10240x128xf32, #tpu.memory_space<vmem_shared>>)
      %add3A_114 = arith.constant 3 : i32
      %add3A_115 = arith.addi %mul3A_28, %add3A_114 : i32
      %dma_wait3A_116 = arith.constant 0 : i32
      %dma_wait3A_117 = tpu.memref_slice %arg7[%add3A_115, %dma_wait3A_116] : memref<160x128xi32, #tpu.memory_space<vmem>> -> memref<1x128xi32, #tpu.memory_space<vmem>>
      %dma_wait3A_118 = tpu.memref_squeeze %dma_wait3A_117 : memref<1x128xi32, #tpu.memory_space<vmem>> -> memref<128xi32, #tpu.memory_space<vmem>>
      %dma_wait3A_119 = arith.constant 0 : i32
      %dma_wait3A_120 = arith.constant 0 : i32
      %dma_wait3A_121 = tpu.memref_slice %arg9[%dma_wait3A_119, %dma_wait3A_120] : memref<10240x128xf32, #tpu.memory_space<vmem_shared>> -> memref<10240x128xf32, #tpu.memory_space<vmem_shared>>
      tpu.wait_indirect_dma semaphore(%arg10 : memref<!tpu.dma_semaphore, #tpu.memory_space<semaphore_mem>>) src(%arg8 : memref<128x128xf32, #tpu.memory_space<vmem>>) dst(%dma_wait3A_121 : memref<10240x128xf32, #tpu.memory_space<vmem_shared>>)
      %add3A_122 = arith.constant 4 : i32
      %add3A_123 = arith.addi %mul3A_28, %add3A_122 : i32
      %dma_wait3A_124 = arith.constant 0 : i32
      %dma_wait3A_125 = tpu.memref_slice %arg7[%add3A_123, %dma_wait3A_124] : memref<160x128xi32, #tpu.memory_space<vmem>> -> memref<1x128xi32, #tpu.memory_space<vmem>>
      %dma_wait3A_126 = tpu.memref_squeeze %dma_wait3A_125 : memref<1x128xi32, #tpu.memory_space<vmem>> -> memref<128xi32, #tpu.memory_space<vmem>>
      %dma_wait3A_127 = arith.constant 0 : i32
      %dma_wait3A_128 = arith.constant 0 : i32
      %dma_wait3A_129 = tpu.memref_slice %arg9[%dma_wait3A_127, %dma_wait3A_128] : memref<10240x128xf32, #tpu.memory_space<vmem_shared>> -> memref<10240x128xf32, #tpu.memory_space<vmem_shared>>
      tpu.wait_indirect_dma semaphore(%arg10 : memref<!tpu.dma_semaphore, #tpu.memory_space<semaphore_mem>>) src(%arg8 : memref<128x128xf32, #tpu.memory_space<vmem>>) dst(%dma_wait3A_129 : memref<10240x128xf32, #tpu.memory_space<vmem_shared>>)
      %add3A_130 = arith.constant 5 : i32
      %add3A_131 = arith.addi %mul3A_28, %add3A_130 : i32
      %dma_wait3A_132 = arith.constant 0 : i32
      %dma_wait3A_133 = tpu.memref_slice %arg7[%add3A_131, %dma_wait3A_132] : memref<160x128xi32, #tpu.memory_space<vmem>> -> memref<1x128xi32, #tpu.memory_space<vmem>>
      %dma_wait3A_134 = tpu.memref_squeeze %dma_wait3A_133 : memref<1x128xi32, #tpu.memory_space<vmem>> -> memref<128xi32, #tpu.memory_space<vmem>>
      %dma_wait3A_135 = arith.constant 0 : i32
      %dma_wait3A_136 = arith.constant 0 : i32
      %dma_wait3A_137 = tpu.memref_slice %arg9[%dma_wait3A_135, %dma_wait3A_136] : memref<10240x128xf32, #tpu.memory_space<vmem_shared>> -> memref<10240x128xf32, #tpu.memory_space<vmem_shared>>
      tpu.wait_indirect_dma semaphore(%arg10 : memref<!tpu.dma_semaphore, #tpu.memory_space<semaphore_mem>>) src(%arg8 : memref<128x128xf32, #tpu.memory_space<vmem>>) dst(%dma_wait3A_137 : memref<10240x128xf32, #tpu.memory_space<vmem_shared>>)
      %add3A_138 = arith.constant 6 : i32
      %add3A_139 = arith.addi %mul3A_28, %add3A_138 : i32
      %dma_wait3A_140 = arith.constant 0 : i32
      %dma_wait3A_141 = tpu.memref_slice %arg7[%add3A_139, %dma_wait3A_140] : memref<160x128xi32, #tpu.memory_space<vmem>> -> memref<1x128xi32, #tpu.memory_space<vmem>>
      %dma_wait3A_142 = tpu.memref_squeeze %dma_wait3A_141 : memref<1x128xi32, #tpu.memory_space<vmem>> -> memref<128xi32, #tpu.memory_space<vmem>>
      %dma_wait3A_143 = arith.constant 0 : i32
      %dma_wait3A_144 = arith.constant 0 : i32
      %dma_wait3A_145 = tpu.memref_slice %arg9[%dma_wait3A_143, %dma_wait3A_144] : memref<10240x128xf32, #tpu.memory_space<vmem_shared>> -> memref<10240x128xf32, #tpu.memory_space<vmem_shared>>
      tpu.wait_indirect_dma semaphore(%arg10 : memref<!tpu.dma_semaphore, #tpu.memory_space<semaphore_mem>>) src(%arg8 : memref<128x128xf32, #tpu.memory_space<vmem>>) dst(%dma_wait3A_145 : memref<10240x128xf32, #tpu.memory_space<vmem_shared>>)
      %add3A_146 = arith.constant 7 : i32
      %add3A_147 = arith.addi %mul3A_28, %add3A_146 : i32
      %dma_wait3A_148 = arith.constant 0 : i32
      %dma_wait3A_149 = tpu.memref_slice %arg7[%add3A_147, %dma_wait3A_148] : memref<160x128xi32, #tpu.memory_space<vmem>> -> memref<1x128xi32, #tpu.memory_space<vmem>>
      %dma_wait3A_150 = tpu.memref_squeeze %dma_wait3A_149 : memref<1x128xi32, #tpu.memory_space<vmem>> -> memref<128xi32, #tpu.memory_space<vmem>>
      %dma_wait3A_151 = arith.constant 0 : i32
      %dma_wait3A_152 = arith.constant 0 : i32
      %dma_wait3A_153 = tpu.memref_slice %arg9[%dma_wait3A_151, %dma_wait3A_152] : memref<10240x128xf32, #tpu.memory_space<vmem_shared>> -> memref<10240x128xf32, #tpu.memory_space<vmem_shared>>
      tpu.wait_indirect_dma semaphore(%arg10 : memref<!tpu.dma_semaphore, #tpu.memory_space<semaphore_mem>>) src(%arg8 : memref<128x128xf32, #tpu.memory_space<vmem>>) dst(%dma_wait3A_153 : memref<10240x128xf32, #tpu.memory_space<vmem_shared>>)
    }
    %scan3A_14 = arith.constant 20 : i32
    %barrier3A_15 = arith.constant 0 : index
    tpu.barrier barrier_id(%barrier3A_15)
    %eq3A_16 = arith.constant 0 : i32
    %eq3A_17 = arith.cmpi eq, %arg0, %eq3A_16 : i32
    %convert_element_type3A_18 = arith.extui %eq3A_17 : i1 to i32
    %cond3A_19 = arith.constant 0 : i32
    %cond3A_20 = arith.cmpi ne, %convert_element_type3A_18, %cond3A_19 : i32
    scf.if %cond3A_20 {
      %run_scoped3A = arith.constant 0 : i32
      "tpu.region"() ({
        %run_scoped3A_26 = tpu.sem_alloc : memref<!tpu.dma_semaphore, #tpu.memory_space<semaphore_mem>>
        %dma_start3A = arith.constant 0 : i32
        %dma_start3A_27 = tpu.memref_slice %arg6[%run_scoped3A, %mul3A_0, %dma_start3A] : memref<2x10240x128xf32, #tpu.memory_space<hbm>> -> memref<1x640x128xf32, #tpu.memory_space<hbm>>
        %dma_start3A_28 = tpu.memref_squeeze %dma_start3A_27 : memref<1x640x128xf32, #tpu.memory_space<hbm>> -> memref<640x128xf32, #tpu.memory_space<hbm>>
        %dma_start3A_29 = arith.constant 0 : i32
        %dma_start3A_30 = tpu.memref_slice %arg9[%mul3A_0, %dma_start3A_29] : memref<10240x128xf32, #tpu.memory_space<vmem_shared>> -> memref<640x128xf32, #tpu.memory_space<vmem_shared>>
        tpu.enqueue_dma source(%dma_start3A_30 : memref<640x128xf32, #tpu.memory_space<vmem_shared>>) target(%dma_start3A_28 : memref<640x128xf32, #tpu.memory_space<hbm>>) target_semaphore(%run_scoped3A_26 : memref<!tpu.dma_semaphore, #tpu.memory_space<semaphore_mem>>)
        %dma_wait3A = arith.constant 0 : i32
        %dma_wait3A_31 = tpu.memref_slice %arg6[%run_scoped3A, %mul3A_0, %dma_wait3A] : memref<2x10240x128xf32, #tpu.memory_space<hbm>> -> memref<1x640x128xf32, #tpu.memory_space<hbm>>
        %dma_wait3A_32 = tpu.memref_squeeze %dma_wait3A_31 : memref<1x640x128xf32, #tpu.memory_space<hbm>> -> memref<640x128xf32, #tpu.memory_space<hbm>>
        %dma_wait3A_33 = arith.constant 0 : i32
        %dma_wait3A_34 = tpu.memref_slice %arg9[%mul3A_0, %dma_wait3A_33] : memref<10240x128xf32, #tpu.memory_space<vmem_shared>> -> memref<640x128xf32, #tpu.memory_space<vmem_shared>>
        tpu.wait_dma2 semaphore(%run_scoped3A_26 : memref<!tpu.dma_semaphore, #tpu.memory_space<semaphore_mem>>) src(%dma_wait3A_34 : memref<640x128xf32, #tpu.memory_space<vmem_shared>>) dst(%dma_wait3A_32 : memref<640x128xf32, #tpu.memory_space<hbm>>)
        tpu.yield
      }) : () -> ()
    } else {
    }
    %eq3A_21 = arith.constant 1 : i32
    %eq3A_22 = arith.cmpi eq, %arg0, %eq3A_21 : i32
    %convert_element_type3A_23 = arith.extui %eq3A_22 : i1 to i32
    %cond3A_24 = arith.constant 0 : i32
    %cond3A_25 = arith.cmpi ne, %convert_element_type3A_23, %cond3A_24 : i32
    scf.if %cond3A_25 {
      %run_scoped3A = arith.constant 1 : i32
      "tpu.region"() ({
        %run_scoped3A_26 = tpu.sem_alloc : memref<!tpu.dma_semaphore, #tpu.memory_space<semaphore_mem>>
        %dma_start3A = arith.constant 0 : i32
        %dma_start3A_27 = tpu.memref_slice %arg6[%run_scoped3A, %mul3A_0, %dma_start3A] : memref<2x10240x128xf32, #tpu.memory_space<hbm>> -> memref<1x640x128xf32, #tpu.memory_space<hbm>>
        %dma_start3A_28 = tpu.memref_squeeze %dma_start3A_27 : memref<1x640x128xf32, #tpu.memory_space<hbm>> -> memref<640x128xf32, #tpu.memory_space<hbm>>
        %dma_start3A_29 = arith.constant 0 : i32
        %dma_start3A_30 = tpu.memref_slice %arg9[%mul3A_0, %dma_start3A_29] : memref<10240x128xf32, #tpu.memory_space<vmem_shared>> -> memref<640x128xf32, #tpu.memory_space<vmem_shared>>
        tpu.enqueue_dma source(%dma_start3A_30 : memref<640x128xf32, #tpu.memory_space<vmem_shared>>) target(%dma_start3A_28 : memref<640x128xf32, #tpu.memory_space<hbm>>) target_semaphore(%run_scoped3A_26 : memref<!tpu.dma_semaphore, #tpu.memory_space<semaphore_mem>>)
        %dma_wait3A = arith.constant 0 : i32
        %dma_wait3A_31 = tpu.memref_slice %arg6[%run_scoped3A, %mul3A_0, %dma_wait3A] : memref<2x10240x128xf32, #tpu.memory_space<hbm>> -> memref<1x640x128xf32, #tpu.memory_space<hbm>>
        %dma_wait3A_32 = tpu.memref_squeeze %dma_wait3A_31 : memref<1x640x128xf32, #tpu.memory_space<hbm>> -> memref<640x128xf32, #tpu.memory_space<hbm>>
        %dma_wait3A_33 = arith.constant 0 : i32
        %dma_wait3A_34 = tpu.memref_slice %arg9[%mul3A_0, %dma_wait3A_33] : memref<10240x128xf32, #tpu.memory_space<vmem_shared>> -> memref<640x128xf32, #tpu.memory_space<vmem_shared>>
        tpu.wait_dma2 semaphore(%run_scoped3A_26 : memref<!tpu.dma_semaphore, #tpu.memory_space<semaphore_mem>>) src(%dma_wait3A_34 : memref<640x128xf32, #tpu.memory_space<vmem_shared>>) dst(%dma_wait3A_32 : memref<640x128xf32, #tpu.memory_space<hbm>>)
        tpu.yield
      }) : () -> ()
    } else {
    }
    return
  }
}

#map = affine_map<(d0, d1) -> (0, 0)>
#map1 = affine_map<(d0, d1) -> (0, 0, 0)>
module attributes {stable_mosaic.version = 14 : i64} {
  func.func @_agg_kernel(%arg0: i32, %arg1: i32, %arg2: memref<10240x128xf32, #tpu.memory_space<hbm>>, %arg3: memref<2560x128xi32, #tpu.memory_space<hbm>>, %arg4: memref<2560x128xi32, #tpu.memory_space<hbm>>, %arg5: memref<10240x128xf32, #tpu.memory_space<hbm>>, %arg6: memref<2x10240x128xf32, #tpu.memory_space<hbm>>, %arg7: memref<40x128xi32, #tpu.memory_space<vmem>>, %arg8: memref<40x128xi32, #tpu.memory_space<vmem>>, %arg9: memref<128x128xf32, #tpu.memory_space<vmem>>, %arg10: memref<128x128xf32, #tpu.memory_space<vmem>>, %arg11: memref<10240x128xf32, #tpu.memory_space<vmem_shared>>, %arg12: memref<!tpu.dma_semaphore, #tpu.memory_space<semaphore_mem>>, %arg13: memref<!tpu.dma_semaphore, #tpu.memory_space<semaphore_mem>>) attributes {dimension_semantics = [#tpu.dimension_semantics<core_parallel>, #tpu.dimension_semantics<subcore_parallel>], iteration_bounds = array<i64: 2, 16>, scalar_prefetch = 0 : i64, scratch_operands = 7 : i64, tpu.core_type = #tpu.core_type<sc_vector_subcore>, window_params = [{transform_indices = #map}, {transform_indices = #map}, {transform_indices = #map}, {transform_indices = #map}, {transform_indices = #map1}]} {
    %mul3A = arith.constant 640 : i32
    %mul3A_0 = arith.muli %arg1, %mul3A : i32
    "tpu.region"() ({
      %run_scoped3A = tpu.sem_alloc : memref<!tpu.dma_semaphore, #tpu.memory_space<semaphore_mem>>
      %dma_start3A_46 = arith.constant 0 : i32
      %dma_start3A_47 = tpu.memref_slice %arg11[%mul3A_0, %dma_start3A_46] : memref<10240x128xf32, #tpu.memory_space<vmem_shared>> -> memref<640x128xf32, #tpu.memory_space<vmem_shared>>
      %dma_start3A_48 = arith.constant 0 : i32
      %dma_start3A_49 = tpu.memref_slice %arg5[%mul3A_0, %dma_start3A_48] : memref<10240x128xf32, #tpu.memory_space<hbm>> -> memref<640x128xf32, #tpu.memory_space<hbm>>
      tpu.enqueue_dma source(%dma_start3A_49 : memref<640x128xf32, #tpu.memory_space<hbm>>) target(%dma_start3A_47 : memref<640x128xf32, #tpu.memory_space<vmem_shared>>) target_semaphore(%run_scoped3A : memref<!tpu.dma_semaphore, #tpu.memory_space<semaphore_mem>>)
      %dma_wait3A = arith.constant 0 : i32
      %dma_wait3A_50 = tpu.memref_slice %arg11[%mul3A_0, %dma_wait3A] : memref<10240x128xf32, #tpu.memory_space<vmem_shared>> -> memref<640x128xf32, #tpu.memory_space<vmem_shared>>
      %dma_wait3A_51 = arith.constant 0 : i32
      %dma_wait3A_52 = tpu.memref_slice %arg5[%mul3A_0, %dma_wait3A_51] : memref<10240x128xf32, #tpu.memory_space<hbm>> -> memref<640x128xf32, #tpu.memory_space<hbm>>
      tpu.wait_dma2 semaphore(%run_scoped3A : memref<!tpu.dma_semaphore, #tpu.memory_space<semaphore_mem>>) src(%dma_wait3A_52 : memref<640x128xf32, #tpu.memory_space<hbm>>) dst(%dma_wait3A_50 : memref<640x128xf32, #tpu.memory_space<vmem_shared>>)
      tpu.yield
    }) : () -> ()
    %barrier3A = arith.constant 0 : index
    tpu.barrier barrier_id(%barrier3A)
    %mul3A_1 = arith.constant 16 : i32
    %mul3A_2 = arith.muli %arg0, %mul3A_1 : i32
    %add3A = arith.addi %mul3A_2, %arg1 : i32
    %mul3A_3 = arith.constant 80 : i32
    %mul3A_4 = arith.muli %add3A, %mul3A_3 : i32
    %add3A_5 = arith.constant 0 : i32
    %add3A_6 = arith.addi %mul3A_4, %add3A_5 : i32
    "tpu.region"() ({
      %run_scoped3A = tpu.sem_alloc : memref<!tpu.dma_semaphore, #tpu.memory_space<semaphore_mem>>
      %dma_start3A_46 = arith.constant 0 : i32
      %dma_start3A_47 = tpu.memref_slice %arg3[%add3A_6, %dma_start3A_46] : memref<2560x128xi32, #tpu.memory_space<hbm>> -> memref<40x128xi32, #tpu.memory_space<hbm>>
      %dma_start3A_48 = arith.constant 0 : i32
      %dma_start3A_49 = tpu.memref_slice %arg3[%add3A_6, %dma_start3A_48] : memref<2560x128xi32, #tpu.memory_space<hbm>> -> memref<40x128xi32, #tpu.memory_space<hbm>>
      tpu.enqueue_dma source(%dma_start3A_49 : memref<40x128xi32, #tpu.memory_space<hbm>>) target(%arg7 : memref<40x128xi32, #tpu.memory_space<vmem>>) target_semaphore(%run_scoped3A : memref<!tpu.dma_semaphore, #tpu.memory_space<semaphore_mem>>)
      %dma_wait3A = arith.constant 0 : i32
      %dma_wait3A_50 = tpu.memref_slice %arg3[%add3A_6, %dma_wait3A] : memref<2560x128xi32, #tpu.memory_space<hbm>> -> memref<40x128xi32, #tpu.memory_space<hbm>>
      %dma_wait3A_51 = arith.constant 0 : i32
      %dma_wait3A_52 = tpu.memref_slice %arg3[%add3A_6, %dma_wait3A_51] : memref<2560x128xi32, #tpu.memory_space<hbm>> -> memref<40x128xi32, #tpu.memory_space<hbm>>
      tpu.wait_dma2 semaphore(%run_scoped3A : memref<!tpu.dma_semaphore, #tpu.memory_space<semaphore_mem>>) src(%dma_wait3A_52 : memref<40x128xi32, #tpu.memory_space<hbm>>) dst(%arg7 : memref<40x128xi32, #tpu.memory_space<vmem>>)
      tpu.yield
    }) : () -> ()
    "tpu.region"() ({
      %run_scoped3A = tpu.sem_alloc : memref<!tpu.dma_semaphore, #tpu.memory_space<semaphore_mem>>
      %dma_start3A_46 = arith.constant 0 : i32
      %dma_start3A_47 = tpu.memref_slice %arg4[%add3A_6, %dma_start3A_46] : memref<2560x128xi32, #tpu.memory_space<hbm>> -> memref<40x128xi32, #tpu.memory_space<hbm>>
      %dma_start3A_48 = arith.constant 0 : i32
      %dma_start3A_49 = tpu.memref_slice %arg4[%add3A_6, %dma_start3A_48] : memref<2560x128xi32, #tpu.memory_space<hbm>> -> memref<40x128xi32, #tpu.memory_space<hbm>>
      tpu.enqueue_dma source(%dma_start3A_49 : memref<40x128xi32, #tpu.memory_space<hbm>>) target(%arg8 : memref<40x128xi32, #tpu.memory_space<vmem>>) target_semaphore(%run_scoped3A : memref<!tpu.dma_semaphore, #tpu.memory_space<semaphore_mem>>)
      %dma_wait3A = arith.constant 0 : i32
      %dma_wait3A_50 = tpu.memref_slice %arg4[%add3A_6, %dma_wait3A] : memref<2560x128xi32, #tpu.memory_space<hbm>> -> memref<40x128xi32, #tpu.memory_space<hbm>>
      %dma_wait3A_51 = arith.constant 0 : i32
      %dma_wait3A_52 = tpu.memref_slice %arg4[%add3A_6, %dma_wait3A_51] : memref<2560x128xi32, #tpu.memory_space<hbm>> -> memref<40x128xi32, #tpu.memory_space<hbm>>
      tpu.wait_dma2 semaphore(%run_scoped3A : memref<!tpu.dma_semaphore, #tpu.memory_space<semaphore_mem>>) src(%dma_wait3A_52 : memref<40x128xi32, #tpu.memory_space<hbm>>) dst(%arg8 : memref<40x128xi32, #tpu.memory_space<vmem>>)
      tpu.yield
    }) : () -> ()
    %dma_start3A = arith.constant 0 : i32
    %dma_start3A_7 = arith.constant 0 : i32
    %dma_start3A_8 = tpu.memref_slice %arg7[%dma_start3A, %dma_start3A_7] : memref<40x128xi32, #tpu.memory_space<vmem>> -> memref<1x128xi32, #tpu.memory_space<vmem>>
    %dma_start3A_9 = tpu.memref_squeeze %dma_start3A_8 : memref<1x128xi32, #tpu.memory_space<vmem>> -> memref<128xi32, #tpu.memory_space<vmem>>
    %dma_start3A_10 = arith.constant 0 : i32
    %dma_start3A_11 = arith.constant 0 : i32
    %dma_start3A_12 = tpu.memref_slice %arg2[%dma_start3A_10, %dma_start3A_11] : memref<10240x128xf32, #tpu.memory_space<hbm>> -> memref<10240x128xf32, #tpu.memory_space<hbm>>
    tpu.enqueue_indirect_dma source(%dma_start3A_12 : memref<10240x128xf32, #tpu.memory_space<hbm>>) target(%arg9 : memref<128x128xf32, #tpu.memory_space<vmem>>) offsets(%dma_start3A_9 : memref<128xi32, #tpu.memory_space<vmem>>) semaphore(%arg12 : memref<!tpu.dma_semaphore, #tpu.memory_space<semaphore_mem>>)
    %scan3A = arith.constant 0 : i32
    %scan3A_13 = arith.constant 0 : i32
    %scan3A_14 = arith.constant 20 : i32
    %scan3A_15 = arith.addi %scan3A_13, %scan3A_14 : i32
    %scan3A_16 = arith.constant 1 : i32
    scf.for %scan3A_46 = %scan3A_13 to %scan3A_15 step %scan3A_16  : i32 {
      %mul3A_47 = arith.constant 2 : i32
      %mul3A_48 = arith.muli %mul3A_47, %scan3A_46 : i32
      %add3A_49 = arith.constant 1 : i32
      %add3A_50 = arith.addi %mul3A_48, %add3A_49 : i32
      %dma_start3A_51 = arith.constant 0 : i32
      %dma_start3A_52 = tpu.memref_slice %arg7[%add3A_50, %dma_start3A_51] : memref<40x128xi32, #tpu.memory_space<vmem>> -> memref<1x128xi32, #tpu.memory_space<vmem>>
      %dma_start3A_53 = tpu.memref_squeeze %dma_start3A_52 : memref<1x128xi32, #tpu.memory_space<vmem>> -> memref<128xi32, #tpu.memory_space<vmem>>
      %dma_start3A_54 = arith.constant 0 : i32
      %dma_start3A_55 = arith.constant 0 : i32
      %dma_start3A_56 = tpu.memref_slice %arg2[%dma_start3A_54, %dma_start3A_55] : memref<10240x128xf32, #tpu.memory_space<hbm>> -> memref<10240x128xf32, #tpu.memory_space<hbm>>
      tpu.enqueue_indirect_dma source(%dma_start3A_56 : memref<10240x128xf32, #tpu.memory_space<hbm>>) target(%arg10 : memref<128x128xf32, #tpu.memory_space<vmem>>) offsets(%dma_start3A_53 : memref<128xi32, #tpu.memory_space<vmem>>) semaphore(%arg13 : memref<!tpu.dma_semaphore, #tpu.memory_space<semaphore_mem>>)
      %dma_wait3A = arith.constant 0 : i32
      %dma_wait3A_57 = tpu.memref_slice %arg7[%mul3A_48, %dma_wait3A] : memref<40x128xi32, #tpu.memory_space<vmem>> -> memref<1x128xi32, #tpu.memory_space<vmem>>
      %dma_wait3A_58 = tpu.memref_squeeze %dma_wait3A_57 : memref<1x128xi32, #tpu.memory_space<vmem>> -> memref<128xi32, #tpu.memory_space<vmem>>
      %dma_wait3A_59 = arith.constant 0 : i32
      %dma_wait3A_60 = arith.constant 0 : i32
      %dma_wait3A_61 = tpu.memref_slice %arg2[%dma_wait3A_59, %dma_wait3A_60] : memref<10240x128xf32, #tpu.memory_space<hbm>> -> memref<10240x128xf32, #tpu.memory_space<hbm>>
      tpu.wait_indirect_dma semaphore(%arg12 : memref<!tpu.dma_semaphore, #tpu.memory_space<semaphore_mem>>) src(%dma_wait3A_61 : memref<10240x128xf32, #tpu.memory_space<hbm>>) dst(%arg9 : memref<128x128xf32, #tpu.memory_space<vmem>>)
      "tpu.region"() ({
        %run_scoped3A = tpu.sem_alloc : memref<!tpu.dma_semaphore, #tpu.memory_space<semaphore_mem>>
        %dma_start3A_78 = arith.constant 0 : i32
        %dma_start3A_79 = tpu.memref_slice %arg8[%mul3A_48, %dma_start3A_78] : memref<40x128xi32, #tpu.memory_space<vmem>> -> memref<1x128xi32, #tpu.memory_space<vmem>>
        %dma_start3A_80 = tpu.memref_squeeze %dma_start3A_79 : memref<1x128xi32, #tpu.memory_space<vmem>> -> memref<128xi32, #tpu.memory_space<vmem>>
        %dma_start3A_81 = arith.constant 0 : i32
        %dma_start3A_82 = arith.constant 0 : i32
        %dma_start3A_83 = tpu.memref_slice %arg11[%dma_start3A_81, %dma_start3A_82] : memref<10240x128xf32, #tpu.memory_space<vmem_shared>> -> memref<10240x128xf32, #tpu.memory_space<vmem_shared>>
        tpu.enqueue_indirect_dma source(%arg9 : memref<128x128xf32, #tpu.memory_space<vmem>>) target(%dma_start3A_83 : memref<10240x128xf32, #tpu.memory_space<vmem_shared>>) offsets(%dma_start3A_80 : memref<128xi32, #tpu.memory_space<vmem>>) semaphore(%run_scoped3A : memref<!tpu.dma_semaphore, #tpu.memory_space<semaphore_mem>>) {add = true}
        %dma_wait3A_84 = arith.constant 0 : i32
        %dma_wait3A_85 = tpu.memref_slice %arg8[%mul3A_48, %dma_wait3A_84] : memref<40x128xi32, #tpu.memory_space<vmem>> -> memref<1x128xi32, #tpu.memory_space<vmem>>
        %dma_wait3A_86 = tpu.memref_squeeze %dma_wait3A_85 : memref<1x128xi32, #tpu.memory_space<vmem>> -> memref<128xi32, #tpu.memory_space<vmem>>
        %dma_wait3A_87 = arith.constant 0 : i32
        %dma_wait3A_88 = arith.constant 0 : i32
        %dma_wait3A_89 = tpu.memref_slice %arg11[%dma_wait3A_87, %dma_wait3A_88] : memref<10240x128xf32, #tpu.memory_space<vmem_shared>> -> memref<10240x128xf32, #tpu.memory_space<vmem_shared>>
        tpu.wait_indirect_dma semaphore(%run_scoped3A : memref<!tpu.dma_semaphore, #tpu.memory_space<semaphore_mem>>) src(%arg9 : memref<128x128xf32, #tpu.memory_space<vmem>>) dst(%dma_wait3A_89 : memref<10240x128xf32, #tpu.memory_space<vmem_shared>>)
        tpu.yield
      }) : () -> ()
      %add3A_62 = arith.constant 2 : i32
      %add3A_63 = arith.addi %mul3A_48, %add3A_62 : i32
      %lt3A = arith.constant 40 : i32
      %lt3A_64 = arith.cmpi slt, %add3A_63, %lt3A : i32
      %convert_element_type3A_65 = arith.extui %lt3A_64 : i1 to i32
      %cond3A_66 = arith.constant 0 : i32
      %cond3A_67 = arith.cmpi ne, %convert_element_type3A_65, %cond3A_66 : i32
      scf.if %cond3A_67 {
        %add3A_78 = arith.constant 2 : i32
        %add3A_79 = arith.addi %mul3A_48, %add3A_78 : i32
        %dma_start3A_80 = arith.constant 0 : i32
        %dma_start3A_81 = tpu.memref_slice %arg7[%add3A_79, %dma_start3A_80] : memref<40x128xi32, #tpu.memory_space<vmem>> -> memref<1x128xi32, #tpu.memory_space<vmem>>
        %dma_start3A_82 = tpu.memref_squeeze %dma_start3A_81 : memref<1x128xi32, #tpu.memory_space<vmem>> -> memref<128xi32, #tpu.memory_space<vmem>>
        %dma_start3A_83 = arith.constant 0 : i32
        %dma_start3A_84 = arith.constant 0 : i32
        %dma_start3A_85 = tpu.memref_slice %arg2[%dma_start3A_83, %dma_start3A_84] : memref<10240x128xf32, #tpu.memory_space<hbm>> -> memref<10240x128xf32, #tpu.memory_space<hbm>>
        tpu.enqueue_indirect_dma source(%dma_start3A_85 : memref<10240x128xf32, #tpu.memory_space<hbm>>) target(%arg9 : memref<128x128xf32, #tpu.memory_space<vmem>>) offsets(%dma_start3A_82 : memref<128xi32, #tpu.memory_space<vmem>>) semaphore(%arg12 : memref<!tpu.dma_semaphore, #tpu.memory_space<semaphore_mem>>)
      } else {
      }
      %add3A_68 = arith.constant 1 : i32
      %add3A_69 = arith.addi %mul3A_48, %add3A_68 : i32
      %dma_wait3A_70 = arith.constant 0 : i32
      %dma_wait3A_71 = tpu.memref_slice %arg7[%add3A_69, %dma_wait3A_70] : memref<40x128xi32, #tpu.memory_space<vmem>> -> memref<1x128xi32, #tpu.memory_space<vmem>>
      %dma_wait3A_72 = tpu.memref_squeeze %dma_wait3A_71 : memref<1x128xi32, #tpu.memory_space<vmem>> -> memref<128xi32, #tpu.memory_space<vmem>>
      %dma_wait3A_73 = arith.constant 0 : i32
      %dma_wait3A_74 = arith.constant 0 : i32
      %dma_wait3A_75 = tpu.memref_slice %arg2[%dma_wait3A_73, %dma_wait3A_74] : memref<10240x128xf32, #tpu.memory_space<hbm>> -> memref<10240x128xf32, #tpu.memory_space<hbm>>
      tpu.wait_indirect_dma semaphore(%arg13 : memref<!tpu.dma_semaphore, #tpu.memory_space<semaphore_mem>>) src(%dma_wait3A_75 : memref<10240x128xf32, #tpu.memory_space<hbm>>) dst(%arg10 : memref<128x128xf32, #tpu.memory_space<vmem>>)
      %add3A_76 = arith.constant 1 : i32
      %add3A_77 = arith.addi %mul3A_48, %add3A_76 : i32
      "tpu.region"() ({
        %run_scoped3A = tpu.sem_alloc : memref<!tpu.dma_semaphore, #tpu.memory_space<semaphore_mem>>
        %dma_start3A_78 = arith.constant 0 : i32
        %dma_start3A_79 = tpu.memref_slice %arg8[%add3A_77, %dma_start3A_78] : memref<40x128xi32, #tpu.memory_space<vmem>> -> memref<1x128xi32, #tpu.memory_space<vmem>>
        %dma_start3A_80 = tpu.memref_squeeze %dma_start3A_79 : memref<1x128xi32, #tpu.memory_space<vmem>> -> memref<128xi32, #tpu.memory_space<vmem>>
        %dma_start3A_81 = arith.constant 0 : i32
        %dma_start3A_82 = arith.constant 0 : i32
        %dma_start3A_83 = tpu.memref_slice %arg11[%dma_start3A_81, %dma_start3A_82] : memref<10240x128xf32, #tpu.memory_space<vmem_shared>> -> memref<10240x128xf32, #tpu.memory_space<vmem_shared>>
        tpu.enqueue_indirect_dma source(%arg10 : memref<128x128xf32, #tpu.memory_space<vmem>>) target(%dma_start3A_83 : memref<10240x128xf32, #tpu.memory_space<vmem_shared>>) offsets(%dma_start3A_80 : memref<128xi32, #tpu.memory_space<vmem>>) semaphore(%run_scoped3A : memref<!tpu.dma_semaphore, #tpu.memory_space<semaphore_mem>>) {add = true}
        %dma_wait3A_84 = arith.constant 0 : i32
        %dma_wait3A_85 = tpu.memref_slice %arg8[%add3A_77, %dma_wait3A_84] : memref<40x128xi32, #tpu.memory_space<vmem>> -> memref<1x128xi32, #tpu.memory_space<vmem>>
        %dma_wait3A_86 = tpu.memref_squeeze %dma_wait3A_85 : memref<1x128xi32, #tpu.memory_space<vmem>> -> memref<128xi32, #tpu.memory_space<vmem>>
        %dma_wait3A_87 = arith.constant 0 : i32
        %dma_wait3A_88 = arith.constant 0 : i32
        %dma_wait3A_89 = tpu.memref_slice %arg11[%dma_wait3A_87, %dma_wait3A_88] : memref<10240x128xf32, #tpu.memory_space<vmem_shared>> -> memref<10240x128xf32, #tpu.memory_space<vmem_shared>>
        tpu.wait_indirect_dma semaphore(%run_scoped3A : memref<!tpu.dma_semaphore, #tpu.memory_space<semaphore_mem>>) src(%arg10 : memref<128x128xf32, #tpu.memory_space<vmem>>) dst(%dma_wait3A_89 : memref<10240x128xf32, #tpu.memory_space<vmem_shared>>)
        tpu.yield
      }) : () -> ()
    }
    %scan3A_17 = arith.constant 20 : i32
    %mul3A_18 = arith.constant 16 : i32
    %mul3A_19 = arith.muli %arg0, %mul3A_18 : i32
    %add3A_20 = arith.addi %mul3A_19, %arg1 : i32
    %mul3A_21 = arith.constant 80 : i32
    %mul3A_22 = arith.muli %add3A_20, %mul3A_21 : i32
    %add3A_23 = arith.constant 40 : i32
    %add3A_24 = arith.addi %mul3A_22, %add3A_23 : i32
    "tpu.region"() ({
      %run_scoped3A = tpu.sem_alloc : memref<!tpu.dma_semaphore, #tpu.memory_space<semaphore_mem>>
      %dma_start3A_46 = arith.constant 0 : i32
      %dma_start3A_47 = tpu.memref_slice %arg3[%add3A_24, %dma_start3A_46] : memref<2560x128xi32, #tpu.memory_space<hbm>> -> memref<40x128xi32, #tpu.memory_space<hbm>>
      %dma_start3A_48 = arith.constant 0 : i32
      %dma_start3A_49 = tpu.memref_slice %arg3[%add3A_24, %dma_start3A_48] : memref<2560x128xi32, #tpu.memory_space<hbm>> -> memref<40x128xi32, #tpu.memory_space<hbm>>
      tpu.enqueue_dma source(%dma_start3A_49 : memref<40x128xi32, #tpu.memory_space<hbm>>) target(%arg7 : memref<40x128xi32, #tpu.memory_space<vmem>>) target_semaphore(%run_scoped3A : memref<!tpu.dma_semaphore, #tpu.memory_space<semaphore_mem>>)
      %dma_wait3A = arith.constant 0 : i32
      %dma_wait3A_50 = tpu.memref_slice %arg3[%add3A_24, %dma_wait3A] : memref<2560x128xi32, #tpu.memory_space<hbm>> -> memref<40x128xi32, #tpu.memory_space<hbm>>
      %dma_wait3A_51 = arith.constant 0 : i32
      %dma_wait3A_52 = tpu.memref_slice %arg3[%add3A_24, %dma_wait3A_51] : memref<2560x128xi32, #tpu.memory_space<hbm>> -> memref<40x128xi32, #tpu.memory_space<hbm>>
      tpu.wait_dma2 semaphore(%run_scoped3A : memref<!tpu.dma_semaphore, #tpu.memory_space<semaphore_mem>>) src(%dma_wait3A_52 : memref<40x128xi32, #tpu.memory_space<hbm>>) dst(%arg7 : memref<40x128xi32, #tpu.memory_space<vmem>>)
      tpu.yield
    }) : () -> ()
    "tpu.region"() ({
      %run_scoped3A = tpu.sem_alloc : memref<!tpu.dma_semaphore, #tpu.memory_space<semaphore_mem>>
      %dma_start3A_46 = arith.constant 0 : i32
      %dma_start3A_47 = tpu.memref_slice %arg4[%add3A_24, %dma_start3A_46] : memref<2560x128xi32, #tpu.memory_space<hbm>> -> memref<40x128xi32, #tpu.memory_space<hbm>>
      %dma_start3A_48 = arith.constant 0 : i32
      %dma_start3A_49 = tpu.memref_slice %arg4[%add3A_24, %dma_start3A_48] : memref<2560x128xi32, #tpu.memory_space<hbm>> -> memref<40x128xi32, #tpu.memory_space<hbm>>
      tpu.enqueue_dma source(%dma_start3A_49 : memref<40x128xi32, #tpu.memory_space<hbm>>) target(%arg8 : memref<40x128xi32, #tpu.memory_space<vmem>>) target_semaphore(%run_scoped3A : memref<!tpu.dma_semaphore, #tpu.memory_space<semaphore_mem>>)
      %dma_wait3A = arith.constant 0 : i32
      %dma_wait3A_50 = tpu.memref_slice %arg4[%add3A_24, %dma_wait3A] : memref<2560x128xi32, #tpu.memory_space<hbm>> -> memref<40x128xi32, #tpu.memory_space<hbm>>
      %dma_wait3A_51 = arith.constant 0 : i32
      %dma_wait3A_52 = tpu.memref_slice %arg4[%add3A_24, %dma_wait3A_51] : memref<2560x128xi32, #tpu.memory_space<hbm>> -> memref<40x128xi32, #tpu.memory_space<hbm>>
      tpu.wait_dma2 semaphore(%run_scoped3A : memref<!tpu.dma_semaphore, #tpu.memory_space<semaphore_mem>>) src(%dma_wait3A_52 : memref<40x128xi32, #tpu.memory_space<hbm>>) dst(%arg8 : memref<40x128xi32, #tpu.memory_space<vmem>>)
      tpu.yield
    }) : () -> ()
    %dma_start3A_25 = arith.constant 0 : i32
    %dma_start3A_26 = arith.constant 0 : i32
    %dma_start3A_27 = tpu.memref_slice %arg7[%dma_start3A_25, %dma_start3A_26] : memref<40x128xi32, #tpu.memory_space<vmem>> -> memref<1x128xi32, #tpu.memory_space<vmem>>
    %dma_start3A_28 = tpu.memref_squeeze %dma_start3A_27 : memref<1x128xi32, #tpu.memory_space<vmem>> -> memref<128xi32, #tpu.memory_space<vmem>>
    %dma_start3A_29 = arith.constant 0 : i32
    %dma_start3A_30 = arith.constant 0 : i32
    %dma_start3A_31 = tpu.memref_slice %arg2[%dma_start3A_29, %dma_start3A_30] : memref<10240x128xf32, #tpu.memory_space<hbm>> -> memref<10240x128xf32, #tpu.memory_space<hbm>>
    tpu.enqueue_indirect_dma source(%dma_start3A_31 : memref<10240x128xf32, #tpu.memory_space<hbm>>) target(%arg9 : memref<128x128xf32, #tpu.memory_space<vmem>>) offsets(%dma_start3A_28 : memref<128xi32, #tpu.memory_space<vmem>>) semaphore(%arg12 : memref<!tpu.dma_semaphore, #tpu.memory_space<semaphore_mem>>)
    %scan3A_32 = arith.constant 0 : i32
    %scan3A_33 = arith.constant 0 : i32
    %scan3A_34 = arith.constant 20 : i32
    %scan3A_35 = arith.addi %scan3A_33, %scan3A_34 : i32
    %scan3A_36 = arith.constant 1 : i32
    scf.for %scan3A_46 = %scan3A_33 to %scan3A_35 step %scan3A_36  : i32 {
      %mul3A_47 = arith.constant 2 : i32
      %mul3A_48 = arith.muli %mul3A_47, %scan3A_46 : i32
      %add3A_49 = arith.constant 1 : i32
      %add3A_50 = arith.addi %mul3A_48, %add3A_49 : i32
      %dma_start3A_51 = arith.constant 0 : i32
      %dma_start3A_52 = tpu.memref_slice %arg7[%add3A_50, %dma_start3A_51] : memref<40x128xi32, #tpu.memory_space<vmem>> -> memref<1x128xi32, #tpu.memory_space<vmem>>
      %dma_start3A_53 = tpu.memref_squeeze %dma_start3A_52 : memref<1x128xi32, #tpu.memory_space<vmem>> -> memref<128xi32, #tpu.memory_space<vmem>>
      %dma_start3A_54 = arith.constant 0 : i32
      %dma_start3A_55 = arith.constant 0 : i32
      %dma_start3A_56 = tpu.memref_slice %arg2[%dma_start3A_54, %dma_start3A_55] : memref<10240x128xf32, #tpu.memory_space<hbm>> -> memref<10240x128xf32, #tpu.memory_space<hbm>>
      tpu.enqueue_indirect_dma source(%dma_start3A_56 : memref<10240x128xf32, #tpu.memory_space<hbm>>) target(%arg10 : memref<128x128xf32, #tpu.memory_space<vmem>>) offsets(%dma_start3A_53 : memref<128xi32, #tpu.memory_space<vmem>>) semaphore(%arg13 : memref<!tpu.dma_semaphore, #tpu.memory_space<semaphore_mem>>)
      %dma_wait3A = arith.constant 0 : i32
      %dma_wait3A_57 = tpu.memref_slice %arg7[%mul3A_48, %dma_wait3A] : memref<40x128xi32, #tpu.memory_space<vmem>> -> memref<1x128xi32, #tpu.memory_space<vmem>>
      %dma_wait3A_58 = tpu.memref_squeeze %dma_wait3A_57 : memref<1x128xi32, #tpu.memory_space<vmem>> -> memref<128xi32, #tpu.memory_space<vmem>>
      %dma_wait3A_59 = arith.constant 0 : i32
      %dma_wait3A_60 = arith.constant 0 : i32
      %dma_wait3A_61 = tpu.memref_slice %arg2[%dma_wait3A_59, %dma_wait3A_60] : memref<10240x128xf32, #tpu.memory_space<hbm>> -> memref<10240x128xf32, #tpu.memory_space<hbm>>
      tpu.wait_indirect_dma semaphore(%arg12 : memref<!tpu.dma_semaphore, #tpu.memory_space<semaphore_mem>>) src(%dma_wait3A_61 : memref<10240x128xf32, #tpu.memory_space<hbm>>) dst(%arg9 : memref<128x128xf32, #tpu.memory_space<vmem>>)
      "tpu.region"() ({
        %run_scoped3A = tpu.sem_alloc : memref<!tpu.dma_semaphore, #tpu.memory_space<semaphore_mem>>
        %dma_start3A_78 = arith.constant 0 : i32
        %dma_start3A_79 = tpu.memref_slice %arg8[%mul3A_48, %dma_start3A_78] : memref<40x128xi32, #tpu.memory_space<vmem>> -> memref<1x128xi32, #tpu.memory_space<vmem>>
        %dma_start3A_80 = tpu.memref_squeeze %dma_start3A_79 : memref<1x128xi32, #tpu.memory_space<vmem>> -> memref<128xi32, #tpu.memory_space<vmem>>
        %dma_start3A_81 = arith.constant 0 : i32
        %dma_start3A_82 = arith.constant 0 : i32
        %dma_start3A_83 = tpu.memref_slice %arg11[%dma_start3A_81, %dma_start3A_82] : memref<10240x128xf32, #tpu.memory_space<vmem_shared>> -> memref<10240x128xf32, #tpu.memory_space<vmem_shared>>
        tpu.enqueue_indirect_dma source(%arg9 : memref<128x128xf32, #tpu.memory_space<vmem>>) target(%dma_start3A_83 : memref<10240x128xf32, #tpu.memory_space<vmem_shared>>) offsets(%dma_start3A_80 : memref<128xi32, #tpu.memory_space<vmem>>) semaphore(%run_scoped3A : memref<!tpu.dma_semaphore, #tpu.memory_space<semaphore_mem>>) {add = true}
        %dma_wait3A_84 = arith.constant 0 : i32
        %dma_wait3A_85 = tpu.memref_slice %arg8[%mul3A_48, %dma_wait3A_84] : memref<40x128xi32, #tpu.memory_space<vmem>> -> memref<1x128xi32, #tpu.memory_space<vmem>>
        %dma_wait3A_86 = tpu.memref_squeeze %dma_wait3A_85 : memref<1x128xi32, #tpu.memory_space<vmem>> -> memref<128xi32, #tpu.memory_space<vmem>>
        %dma_wait3A_87 = arith.constant 0 : i32
        %dma_wait3A_88 = arith.constant 0 : i32
        %dma_wait3A_89 = tpu.memref_slice %arg11[%dma_wait3A_87, %dma_wait3A_88] : memref<10240x128xf32, #tpu.memory_space<vmem_shared>> -> memref<10240x128xf32, #tpu.memory_space<vmem_shared>>
        tpu.wait_indirect_dma semaphore(%run_scoped3A : memref<!tpu.dma_semaphore, #tpu.memory_space<semaphore_mem>>) src(%arg9 : memref<128x128xf32, #tpu.memory_space<vmem>>) dst(%dma_wait3A_89 : memref<10240x128xf32, #tpu.memory_space<vmem_shared>>)
        tpu.yield
      }) : () -> ()
      %add3A_62 = arith.constant 2 : i32
      %add3A_63 = arith.addi %mul3A_48, %add3A_62 : i32
      %lt3A = arith.constant 40 : i32
      %lt3A_64 = arith.cmpi slt, %add3A_63, %lt3A : i32
      %convert_element_type3A_65 = arith.extui %lt3A_64 : i1 to i32
      %cond3A_66 = arith.constant 0 : i32
      %cond3A_67 = arith.cmpi ne, %convert_element_type3A_65, %cond3A_66 : i32
      scf.if %cond3A_67 {
        %add3A_78 = arith.constant 2 : i32
        %add3A_79 = arith.addi %mul3A_48, %add3A_78 : i32
        %dma_start3A_80 = arith.constant 0 : i32
        %dma_start3A_81 = tpu.memref_slice %arg7[%add3A_79, %dma_start3A_80] : memref<40x128xi32, #tpu.memory_space<vmem>> -> memref<1x128xi32, #tpu.memory_space<vmem>>
        %dma_start3A_82 = tpu.memref_squeeze %dma_start3A_81 : memref<1x128xi32, #tpu.memory_space<vmem>> -> memref<128xi32, #tpu.memory_space<vmem>>
        %dma_start3A_83 = arith.constant 0 : i32
        %dma_start3A_84 = arith.constant 0 : i32
        %dma_start3A_85 = tpu.memref_slice %arg2[%dma_start3A_83, %dma_start3A_84] : memref<10240x128xf32, #tpu.memory_space<hbm>> -> memref<10240x128xf32, #tpu.memory_space<hbm>>
        tpu.enqueue_indirect_dma source(%dma_start3A_85 : memref<10240x128xf32, #tpu.memory_space<hbm>>) target(%arg9 : memref<128x128xf32, #tpu.memory_space<vmem>>) offsets(%dma_start3A_82 : memref<128xi32, #tpu.memory_space<vmem>>) semaphore(%arg12 : memref<!tpu.dma_semaphore, #tpu.memory_space<semaphore_mem>>)
      } else {
      }
      %add3A_68 = arith.constant 1 : i32
      %add3A_69 = arith.addi %mul3A_48, %add3A_68 : i32
      %dma_wait3A_70 = arith.constant 0 : i32
      %dma_wait3A_71 = tpu.memref_slice %arg7[%add3A_69, %dma_wait3A_70] : memref<40x128xi32, #tpu.memory_space<vmem>> -> memref<1x128xi32, #tpu.memory_space<vmem>>
      %dma_wait3A_72 = tpu.memref_squeeze %dma_wait3A_71 : memref<1x128xi32, #tpu.memory_space<vmem>> -> memref<128xi32, #tpu.memory_space<vmem>>
      %dma_wait3A_73 = arith.constant 0 : i32
      %dma_wait3A_74 = arith.constant 0 : i32
      %dma_wait3A_75 = tpu.memref_slice %arg2[%dma_wait3A_73, %dma_wait3A_74] : memref<10240x128xf32, #tpu.memory_space<hbm>> -> memref<10240x128xf32, #tpu.memory_space<hbm>>
      tpu.wait_indirect_dma semaphore(%arg13 : memref<!tpu.dma_semaphore, #tpu.memory_space<semaphore_mem>>) src(%dma_wait3A_75 : memref<10240x128xf32, #tpu.memory_space<hbm>>) dst(%arg10 : memref<128x128xf32, #tpu.memory_space<vmem>>)
      %add3A_76 = arith.constant 1 : i32
      %add3A_77 = arith.addi %mul3A_48, %add3A_76 : i32
      "tpu.region"() ({
        %run_scoped3A = tpu.sem_alloc : memref<!tpu.dma_semaphore, #tpu.memory_space<semaphore_mem>>
        %dma_start3A_78 = arith.constant 0 : i32
        %dma_start3A_79 = tpu.memref_slice %arg8[%add3A_77, %dma_start3A_78] : memref<40x128xi32, #tpu.memory_space<vmem>> -> memref<1x128xi32, #tpu.memory_space<vmem>>
        %dma_start3A_80 = tpu.memref_squeeze %dma_start3A_79 : memref<1x128xi32, #tpu.memory_space<vmem>> -> memref<128xi32, #tpu.memory_space<vmem>>
        %dma_start3A_81 = arith.constant 0 : i32
        %dma_start3A_82 = arith.constant 0 : i32
        %dma_start3A_83 = tpu.memref_slice %arg11[%dma_start3A_81, %dma_start3A_82] : memref<10240x128xf32, #tpu.memory_space<vmem_shared>> -> memref<10240x128xf32, #tpu.memory_space<vmem_shared>>
        tpu.enqueue_indirect_dma source(%arg10 : memref<128x128xf32, #tpu.memory_space<vmem>>) target(%dma_start3A_83 : memref<10240x128xf32, #tpu.memory_space<vmem_shared>>) offsets(%dma_start3A_80 : memref<128xi32, #tpu.memory_space<vmem>>) semaphore(%run_scoped3A : memref<!tpu.dma_semaphore, #tpu.memory_space<semaphore_mem>>) {add = true}
        %dma_wait3A_84 = arith.constant 0 : i32
        %dma_wait3A_85 = tpu.memref_slice %arg8[%add3A_77, %dma_wait3A_84] : memref<40x128xi32, #tpu.memory_space<vmem>> -> memref<1x128xi32, #tpu.memory_space<vmem>>
        %dma_wait3A_86 = tpu.memref_squeeze %dma_wait3A_85 : memref<1x128xi32, #tpu.memory_space<vmem>> -> memref<128xi32, #tpu.memory_space<vmem>>
        %dma_wait3A_87 = arith.constant 0 : i32
        %dma_wait3A_88 = arith.constant 0 : i32
        %dma_wait3A_89 = tpu.memref_slice %arg11[%dma_wait3A_87, %dma_wait3A_88] : memref<10240x128xf32, #tpu.memory_space<vmem_shared>> -> memref<10240x128xf32, #tpu.memory_space<vmem_shared>>
        tpu.wait_indirect_dma semaphore(%run_scoped3A : memref<!tpu.dma_semaphore, #tpu.memory_space<semaphore_mem>>) src(%arg10 : memref<128x128xf32, #tpu.memory_space<vmem>>) dst(%dma_wait3A_89 : memref<10240x128xf32, #tpu.memory_space<vmem_shared>>)
        tpu.yield
      }) : () -> ()
    }
    %scan3A_37 = arith.constant 20 : i32
    %barrier3A_38 = arith.constant 0 : index
    tpu.barrier barrier_id(%barrier3A_38)
    %eq3A = arith.constant 0 : i32
    %eq3A_39 = arith.cmpi eq, %arg0, %eq3A : i32
    %convert_element_type3A = arith.extui %eq3A_39 : i1 to i32
    %cond3A = arith.constant 0 : i32
    %cond3A_40 = arith.cmpi ne, %convert_element_type3A, %cond3A : i32
    scf.if %cond3A_40 {
      %run_scoped3A = arith.constant 0 : i32
      "tpu.region"() ({
        %run_scoped3A_46 = tpu.sem_alloc : memref<!tpu.dma_semaphore, #tpu.memory_space<semaphore_mem>>
        %dma_start3A_47 = arith.constant 0 : i32
        %dma_start3A_48 = tpu.memref_slice %arg6[%run_scoped3A, %mul3A_0, %dma_start3A_47] : memref<2x10240x128xf32, #tpu.memory_space<hbm>> -> memref<1x640x128xf32, #tpu.memory_space<hbm>>
        %dma_start3A_49 = tpu.memref_squeeze %dma_start3A_48 : memref<1x640x128xf32, #tpu.memory_space<hbm>> -> memref<640x128xf32, #tpu.memory_space<hbm>>
        %dma_start3A_50 = arith.constant 0 : i32
        %dma_start3A_51 = tpu.memref_slice %arg11[%mul3A_0, %dma_start3A_50] : memref<10240x128xf32, #tpu.memory_space<vmem_shared>> -> memref<640x128xf32, #tpu.memory_space<vmem_shared>>
        tpu.enqueue_dma source(%dma_start3A_51 : memref<640x128xf32, #tpu.memory_space<vmem_shared>>) target(%dma_start3A_49 : memref<640x128xf32, #tpu.memory_space<hbm>>) target_semaphore(%run_scoped3A_46 : memref<!tpu.dma_semaphore, #tpu.memory_space<semaphore_mem>>)
        %dma_wait3A = arith.constant 0 : i32
        %dma_wait3A_52 = tpu.memref_slice %arg6[%run_scoped3A, %mul3A_0, %dma_wait3A] : memref<2x10240x128xf32, #tpu.memory_space<hbm>> -> memref<1x640x128xf32, #tpu.memory_space<hbm>>
        %dma_wait3A_53 = tpu.memref_squeeze %dma_wait3A_52 : memref<1x640x128xf32, #tpu.memory_space<hbm>> -> memref<640x128xf32, #tpu.memory_space<hbm>>
        %dma_wait3A_54 = arith.constant 0 : i32
        %dma_wait3A_55 = tpu.memref_slice %arg11[%mul3A_0, %dma_wait3A_54] : memref<10240x128xf32, #tpu.memory_space<vmem_shared>> -> memref<640x128xf32, #tpu.memory_space<vmem_shared>>
        tpu.wait_dma2 semaphore(%run_scoped3A_46 : memref<!tpu.dma_semaphore, #tpu.memory_space<semaphore_mem>>) src(%dma_wait3A_55 : memref<640x128xf32, #tpu.memory_space<vmem_shared>>) dst(%dma_wait3A_53 : memref<640x128xf32, #tpu.memory_space<hbm>>)
        tpu.yield
      }) : () -> ()
    } else {
    }
    %eq3A_41 = arith.constant 1 : i32
    %eq3A_42 = arith.cmpi eq, %arg0, %eq3A_41 : i32
    %convert_element_type3A_43 = arith.extui %eq3A_42 : i1 to i32
    %cond3A_44 = arith.constant 0 : i32
    %cond3A_45 = arith.cmpi ne, %convert_element_type3A_43, %cond3A_44 : i32
    scf.if %cond3A_45 {
      %run_scoped3A = arith.constant 1 : i32
      "tpu.region"() ({
        %run_scoped3A_46 = tpu.sem_alloc : memref<!tpu.dma_semaphore, #tpu.memory_space<semaphore_mem>>
        %dma_start3A_47 = arith.constant 0 : i32
        %dma_start3A_48 = tpu.memref_slice %arg6[%run_scoped3A, %mul3A_0, %dma_start3A_47] : memref<2x10240x128xf32, #tpu.memory_space<hbm>> -> memref<1x640x128xf32, #tpu.memory_space<hbm>>
        %dma_start3A_49 = tpu.memref_squeeze %dma_start3A_48 : memref<1x640x128xf32, #tpu.memory_space<hbm>> -> memref<640x128xf32, #tpu.memory_space<hbm>>
        %dma_start3A_50 = arith.constant 0 : i32
        %dma_start3A_51 = tpu.memref_slice %arg11[%mul3A_0, %dma_start3A_50] : memref<10240x128xf32, #tpu.memory_space<vmem_shared>> -> memref<640x128xf32, #tpu.memory_space<vmem_shared>>
        tpu.enqueue_dma source(%dma_start3A_51 : memref<640x128xf32, #tpu.memory_space<vmem_shared>>) target(%dma_start3A_49 : memref<640x128xf32, #tpu.memory_space<hbm>>) target_semaphore(%run_scoped3A_46 : memref<!tpu.dma_semaphore, #tpu.memory_space<semaphore_mem>>)
        %dma_wait3A = arith.constant 0 : i32
        %dma_wait3A_52 = tpu.memref_slice %arg6[%run_scoped3A, %mul3A_0, %dma_wait3A] : memref<2x10240x128xf32, #tpu.memory_space<hbm>> -> memref<1x640x128xf32, #tpu.memory_space<hbm>>
        %dma_wait3A_53 = tpu.memref_squeeze %dma_wait3A_52 : memref<1x640x128xf32, #tpu.memory_space<hbm>> -> memref<640x128xf32, #tpu.memory_space<hbm>>
        %dma_wait3A_54 = arith.constant 0 : i32
        %dma_wait3A_55 = tpu.memref_slice %arg11[%mul3A_0, %dma_wait3A_54] : memref<10240x128xf32, #tpu.memory_space<vmem_shared>> -> memref<640x128xf32, #tpu.memory_space<vmem_shared>>
        tpu.wait_dma2 semaphore(%run_scoped3A_46 : memref<!tpu.dma_semaphore, #tpu.memory_space<semaphore_mem>>) src(%dma_wait3A_55 : memref<640x128xf32, #tpu.memory_space<vmem_shared>>) dst(%dma_wait3A_53 : memref<640x128xf32, #tpu.memory_space<hbm>>)
        tpu.yield
      }) : () -> ()
    } else {
    }
    return
  }
}

module attributes {stable_mosaic.version = 14 : i64} {
  func.func @_t0_body(%arg0: i32, %arg1: memref<512x128xf32, #tpu.memory_space<vmem>>, %arg2: memref<512x128xf32, #tpu.memory_space<vmem>>, %arg3: memref<128x128xf32, #tpu.memory_space<vmem>>, %arg4: memref<512x128xf32, #tpu.memory_space<vmem>>) attributes {dimension_semantics = [#tpu.dimension_semantics<arbitrary>], iteration_bounds = array<i64: 20>, scalar_prefetch = 0 : i64, scratch_operands = 0 : i64, tpu.core_type = #tpu.core_type<tc>, window_params = [{transform_indices = @transform_0, window_bounds = array<i64: 512, 128>}, {transform_indices = @transform_1, window_bounds = array<i64: 512, 128>}, {pipeline_mode = #tpu.pipeline_mode<synchronous>, transform_indices = @transform_2, window_bounds = array<i64: 128, 128>}, {transform_indices = @transform_3, window_bounds = array<i64: 512, 128>}]} {
    %get3A = arith.constant 0 : index
    %get3A_0 = arith.constant 0 : index
    %get3A_1 = vector.load %arg1[%get3A, %get3A_0] : memref<512x128xf32, #tpu.memory_space<vmem>>, vector<512x128xf32>
    %get3A_2 = arith.constant 0 : index
    %get3A_3 = arith.constant 0 : index
    %get3A_4 = vector.load %arg2[%get3A_2, %get3A_3] : memref<512x128xf32, #tpu.memory_space<vmem>>, vector<512x128xf32>
    %slice3A = vector.extract_strided_slice %get3A_4 {offsets = [0, 0], sizes = [512, 1], strides = [1, 1]} : vector<512x128xf32> to vector<512x1xf32>
    %max3A = arith.constant 1.000000e+00 : f32
    %max3A_5 = vector.broadcast %max3A : f32 to vector<512x1xf32>
    %max3A_6 = arith.maximumf %slice3A, %max3A_5 : vector<512x1xf32>
    %rsqrt3A = math.rsqrt %max3A_6 : vector<512x1xf32>
    %mul3A = vector.broadcast %rsqrt3A : vector<512x1xf32> to vector<512x128xf32>
    %mul3A_7 = arith.mulf %get3A_1, %mul3A : vector<512x128xf32>
    %get3A_8 = arith.constant 0 : index
    %get3A_9 = arith.constant 0 : index
    %get3A_10 = vector.load %arg3[%get3A_8, %get3A_9] : memref<128x128xf32, #tpu.memory_space<vmem>>, vector<128x128xf32>
    %dot_general3A = arith.constant dense<0.000000e+00> : vector<512x128xf32>
    %dot_general3A_11 = tpu.matmul %mul3A_7, %get3A_10, %dot_general3A {dimension_numbers = #tpu.dot_dimension_numbers<[1], [0], [0], [1], [0, 0, 1, 1], [], []>, transpose_lhs_hint = false} : vector<512x128xf32>, vector<128x128xf32>, vector<512x128xf32> -> vector<512x128xf32>
    %swap3A = arith.constant 0 : index
    %swap3A_12 = arith.constant 0 : index
    %swap3A_13 = vector.load %arg4[%swap3A, %swap3A_12] : memref<512x128xf32, #tpu.memory_space<vmem>>, vector<512x128xf32>
    tpu.vector_store %arg4[%swap3A, %swap3A_12], %dot_general3A_11 {strides = array<i32>} : memref<512x128xf32, #tpu.memory_space<vmem>>, vector<512x128xf32>,
    return
  }
  func.func @transform_0(%arg0: i32) -> (i32, i32) {
    %c0_i32 = arith.constant 0 : i32
    %c0_i32_0 = arith.constant 0 : i32
    return %arg0, %c0_i32 : i32, i32
  }
  func.func @transform_1(%arg0: i32) -> (i32, i32) {
    %c0_i32 = arith.constant 0 : i32
    %c0_i32_0 = arith.constant 0 : i32
    return %arg0, %c0_i32 : i32, i32
  }
  func.func @transform_2(%arg0: i32) -> (i32, i32) {
    %c0_i32 = arith.constant 0 : i32
    %c0_i32_0 = arith.constant 0 : i32
    %c0_i32_1 = arith.constant 0 : i32
    return %c0_i32, %c0_i32_0 : i32, i32
  }
  func.func @transform_3(%arg0: i32) -> (i32, i32) {
    %c0_i32 = arith.constant 0 : i32
    %c0_i32_0 = arith.constant 0 : i32
    return %arg0, %c0_i32 : i32, i32
  }
}

module attributes {stable_mosaic.version = 14 : i64} {
  func.func @_tmid_body(%arg0: i32, %arg1: memref<512x128xf32, #tpu.memory_space<vmem>>, %arg2: memref<512x128xf32, #tpu.memory_space<vmem>>, %arg3: memref<512x128xf32, #tpu.memory_space<vmem>>, %arg4: memref<512x128xf32, #tpu.memory_space<vmem>>, %arg5: memref<1x128xf32, #tpu.memory_space<vmem>>, %arg6: memref<128x128xf32, #tpu.memory_space<vmem>>, %arg7: memref<128x128xf32, #tpu.memory_space<vmem>>, %arg8: memref<512x128xf32, #tpu.memory_space<vmem>>, %arg9: memref<512x128xf32, #tpu.memory_space<vmem>>, %arg10: memref<512x128xf32, #tpu.memory_space<vmem>>) attributes {dimension_semantics = [#tpu.dimension_semantics<arbitrary>], iteration_bounds = array<i64: 20>, scalar_prefetch = 0 : i64, scratch_operands = 0 : i64, tpu.core_type = #tpu.core_type<tc>, window_params = [{transform_indices = @transform_0, window_bounds = array<i64: 512, 128>}, {transform_indices = @transform_1, window_bounds = array<i64: 512, 128>}, {transform_indices = @transform_2, window_bounds = array<i64: 512, 128>}, {transform_indices = @transform_3, window_bounds = array<i64: 512, 128>}, {pipeline_mode = #tpu.pipeline_mode<synchronous>, transform_indices = @transform_4, window_bounds = array<i64: 1, 128>}, {pipeline_mode = #tpu.pipeline_mode<synchronous>, transform_indices = @transform_5, window_bounds = array<i64: 128, 128>}, {pipeline_mode = #tpu.pipeline_mode<synchronous>, transform_indices = @transform_6, window_bounds = array<i64: 128, 128>}, {transform_indices = @transform_7, window_bounds = array<i64: 512, 128>}, {transform_indices = @transform_8, window_bounds = array<i64: 512, 128>}, {transform_indices = @transform_9, window_bounds = array<i64: 512, 128>}]} {
    %get3A = arith.constant 0 : index
    %get3A_0 = arith.constant 0 : index
    %get3A_1 = vector.load %arg1[%get3A, %get3A_0] : memref<512x128xf32, #tpu.memory_space<vmem>>, vector<512x128xf32>
    %get3A_2 = arith.constant 0 : index
    %get3A_3 = arith.constant 0 : index
    %get3A_4 = vector.load %arg2[%get3A_2, %get3A_3] : memref<512x128xf32, #tpu.memory_space<vmem>>, vector<512x128xf32>
    %add3A = arith.addf %get3A_1, %get3A_4 : vector<512x128xf32>
    %get3A_5 = arith.constant 0 : index
    %get3A_6 = arith.constant 0 : index
    %get3A_7 = vector.load %arg3[%get3A_5, %get3A_6] : memref<512x128xf32, #tpu.memory_space<vmem>>, vector<512x128xf32>
    %slice3A = vector.extract_strided_slice %get3A_7 {offsets = [0, 0], sizes = [512, 1], strides = [1, 1]} : vector<512x128xf32> to vector<512x1xf32>
    %max3A = arith.constant 1.000000e+00 : f32
    %max3A_8 = vector.broadcast %max3A : f32 to vector<512x1xf32>
    %max3A_9 = arith.maximumf %slice3A, %max3A_8 : vector<512x1xf32>
    %rsqrt3A = math.rsqrt %max3A_9 : vector<512x1xf32>
    %mul3A = vector.broadcast %rsqrt3A : vector<512x1xf32> to vector<512x128xf32>
    %mul3A_10 = arith.mulf %add3A, %mul3A : vector<512x128xf32>
    %get3A_11 = arith.constant 0 : index
    %get3A_12 = arith.constant 0 : index
    %get3A_13 = vector.load %arg5[%get3A_11, %get3A_12] : memref<1x128xf32, #tpu.memory_space<vmem>>, vector<1x128xf32>
    %add3A_14 = vector.broadcast %get3A_13 : vector<1x128xf32> to vector<512x128xf32>
    %add3A_15 = arith.addf %mul3A_10, %add3A_14 : vector<512x128xf32>
    %max3A_16 = arith.constant 0.000000e+00 : f32
    %max3A_17 = vector.broadcast %max3A_16 : f32 to vector<512x128xf32>
    %max3A_18 = arith.maximumf %add3A_15, %max3A_17 : vector<512x128xf32>
    %get3A_19 = arith.constant 0 : index
    %get3A_20 = arith.constant 0 : index
    %get3A_21 = vector.load %arg4[%get3A_19, %get3A_20] : memref<512x128xf32, #tpu.memory_space<vmem>>, vector<512x128xf32>
    %slice3A_22 = vector.extract_strided_slice %get3A_21 {offsets = [0, 0], sizes = [512, 1], strides = [1, 1]} : vector<512x128xf32> to vector<512x1xf32>
    %max3A_23 = arith.constant 1.000000e+00 : f32
    %max3A_24 = vector.broadcast %max3A_23 : f32 to vector<512x1xf32>
    %max3A_25 = arith.maximumf %slice3A_22, %max3A_24 : vector<512x1xf32>
    %rsqrt3A_26 = math.rsqrt %max3A_25 : vector<512x1xf32>
    %mul3A_27 = vector.broadcast %rsqrt3A_26 : vector<512x1xf32> to vector<512x128xf32>
    %mul3A_28 = arith.mulf %max3A_18, %mul3A_27 : vector<512x128xf32>
    %get3A_29 = arith.constant 0 : index
    %get3A_30 = arith.constant 0 : index
    %get3A_31 = vector.load %arg6[%get3A_29, %get3A_30] : memref<128x128xf32, #tpu.memory_space<vmem>>, vector<128x128xf32>
    %dot_general3A = arith.constant dense<0.000000e+00> : vector<512x128xf32>
    %dot_general3A_32 = tpu.matmul %mul3A_28, %get3A_31, %dot_general3A {dimension_numbers = #tpu.dot_dimension_numbers<[1], [0], [0], [1], [0, 0, 1, 1], [], []>, transpose_lhs_hint = false} : vector<512x128xf32>, vector<128x128xf32>, vector<512x128xf32> -> vector<512x128xf32>
    %swap3A = arith.constant 0 : index
    %swap3A_33 = arith.constant 0 : index
    %swap3A_34 = vector.load %arg9[%swap3A, %swap3A_33] : memref<512x128xf32, #tpu.memory_space<vmem>>, vector<512x128xf32>
    tpu.vector_store %arg9[%swap3A, %swap3A_33], %dot_general3A_32 {strides = array<i32>} : memref<512x128xf32, #tpu.memory_space<vmem>>, vector<512x128xf32>,
    %get3A_35 = arith.constant 0 : index
    %get3A_36 = arith.constant 0 : index
    %get3A_37 = vector.load %arg8[%get3A_35, %get3A_36] : memref<512x128xf32, #tpu.memory_space<vmem>>, vector<512x128xf32>
    %get3A_38 = arith.constant 0 : index
    %get3A_39 = arith.constant 0 : index
    %get3A_40 = vector.load %arg7[%get3A_38, %get3A_39] : memref<128x128xf32, #tpu.memory_space<vmem>>, vector<128x128xf32>
    %dot_general3A_41 = arith.constant dense<0.000000e+00> : vector<512x128xf32>
    %dot_general3A_42 = tpu.matmul %max3A_18, %get3A_40, %dot_general3A_41 {dimension_numbers = #tpu.dot_dimension_numbers<[1], [0], [0], [1], [0, 0, 1, 1], [], []>, transpose_lhs_hint = false} : vector<512x128xf32>, vector<128x128xf32>, vector<512x128xf32> -> vector<512x128xf32>
    %add3A_43 = arith.addf %get3A_37, %dot_general3A_42 : vector<512x128xf32>
    %swap3A_44 = arith.constant 0 : index
    %swap3A_45 = arith.constant 0 : index
    %swap3A_46 = vector.load %arg10[%swap3A_44, %swap3A_45] : memref<512x128xf32, #tpu.memory_space<vmem>>, vector<512x128xf32>
    tpu.vector_store %arg10[%swap3A_44, %swap3A_45], %add3A_43 {strides = array<i32>} : memref<512x128xf32, #tpu.memory_space<vmem>>, vector<512x128xf32>,
    return
  }
  func.func @transform_0(%arg0: i32) -> (i32, i32) {
    %c0_i32 = arith.constant 0 : i32
    %c0_i32_0 = arith.constant 0 : i32
    return %arg0, %c0_i32 : i32, i32
  }
  func.func @transform_1(%arg0: i32) -> (i32, i32) {
    %c0_i32 = arith.constant 0 : i32
    %c0_i32_0 = arith.constant 0 : i32
    return %arg0, %c0_i32 : i32, i32
  }
  func.func @transform_2(%arg0: i32) -> (i32, i32) {
    %c0_i32 = arith.constant 0 : i32
    %c0_i32_0 = arith.constant 0 : i32
    return %arg0, %c0_i32 : i32, i32
  }
  func.func @transform_3(%arg0: i32) -> (i32, i32) {
    %c0_i32 = arith.constant 0 : i32
    %c0_i32_0 = arith.constant 0 : i32
    return %arg0, %c0_i32 : i32, i32
  }
  func.func @transform_4(%arg0: i32) -> (i32, i32) {
    %c0_i32 = arith.constant 0 : i32
    %c0_i32_0 = arith.constant 0 : i32
    %c0_i32_1 = arith.constant 0 : i32
    return %c0_i32, %c0_i32_0 : i32, i32
  }
  func.func @transform_5(%arg0: i32) -> (i32, i32) {
    %c0_i32 = arith.constant 0 : i32
    %c0_i32_0 = arith.constant 0 : i32
    %c0_i32_1 = arith.constant 0 : i32
    return %c0_i32, %c0_i32_0 : i32, i32
  }
  func.func @transform_6(%arg0: i32) -> (i32, i32) {
    %c0_i32 = arith.constant 0 : i32
    %c0_i32_0 = arith.constant 0 : i32
    %c0_i32_1 = arith.constant 0 : i32
    return %c0_i32, %c0_i32_0 : i32, i32
  }
  func.func @transform_7(%arg0: i32) -> (i32, i32) {
    %c0_i32 = arith.constant 0 : i32
    %c0_i32_0 = arith.constant 0 : i32
    return %arg0, %c0_i32 : i32, i32
  }
  func.func @transform_8(%arg0: i32) -> (i32, i32) {
    %c0_i32 = arith.constant 0 : i32
    %c0_i32_0 = arith.constant 0 : i32
    return %arg0, %c0_i32 : i32, i32
  }
  func.func @transform_9(%arg0: i32) -> (i32, i32) {
    %c0_i32 = arith.constant 0 : i32
    %c0_i32_0 = arith.constant 0 : i32
    return %arg0, %c0_i32 : i32, i32
  }
}

module attributes {stable_mosaic.version = 14 : i64} {
  func.func @_tfin_body(%arg0: i32, %arg1: memref<512x128xf32, #tpu.memory_space<vmem>>, %arg2: memref<512x128xf32, #tpu.memory_space<vmem>>, %arg3: memref<512x128xf32, #tpu.memory_space<vmem>>, %arg4: memref<1x128xf32, #tpu.memory_space<vmem>>, %arg5: memref<512x128xf32, #tpu.memory_space<vmem>>, %arg6: memref<128x128xf32, #tpu.memory_space<vmem>>, %arg7: memref<1x128xf32, #tpu.memory_space<vmem>>, %arg8: memref<512x128xf32, #tpu.memory_space<vmem>>) attributes {dimension_semantics = [#tpu.dimension_semantics<arbitrary>], iteration_bounds = array<i64: 20>, scalar_prefetch = 0 : i64, scratch_operands = 0 : i64, tpu.core_type = #tpu.core_type<tc>, window_params = [{transform_indices = @transform_0, window_bounds = array<i64: 512, 128>}, {transform_indices = @transform_1, window_bounds = array<i64: 512, 128>}, {transform_indices = @transform_2, window_bounds = array<i64: 512, 128>}, {pipeline_mode = #tpu.pipeline_mode<synchronous>, transform_indices = @transform_3, window_bounds = array<i64: 1, 128>}, {transform_indices = @transform_4, window_bounds = array<i64: 512, 128>}, {pipeline_mode = #tpu.pipeline_mode<synchronous>, transform_indices = @transform_5, window_bounds = array<i64: 128, 128>}, {pipeline_mode = #tpu.pipeline_mode<synchronous>, transform_indices = @transform_6, window_bounds = array<i64: 1, 128>}, {transform_indices = @transform_7, window_bounds = array<i64: 512, 128>}]} {
    %get3A = arith.constant 0 : index
    %get3A_0 = arith.constant 0 : index
    %get3A_1 = vector.load %arg1[%get3A, %get3A_0] : memref<512x128xf32, #tpu.memory_space<vmem>>, vector<512x128xf32>
    %get3A_2 = arith.constant 0 : index
    %get3A_3 = arith.constant 0 : index
    %get3A_4 = vector.load %arg2[%get3A_2, %get3A_3] : memref<512x128xf32, #tpu.memory_space<vmem>>, vector<512x128xf32>
    %add3A = arith.addf %get3A_1, %get3A_4 : vector<512x128xf32>
    %get3A_5 = arith.constant 0 : index
    %get3A_6 = arith.constant 0 : index
    %get3A_7 = vector.load %arg3[%get3A_5, %get3A_6] : memref<512x128xf32, #tpu.memory_space<vmem>>, vector<512x128xf32>
    %slice3A = vector.extract_strided_slice %get3A_7 {offsets = [0, 0], sizes = [512, 1], strides = [1, 1]} : vector<512x128xf32> to vector<512x1xf32>
    %max3A = arith.constant 1.000000e+00 : f32
    %max3A_8 = vector.broadcast %max3A : f32 to vector<512x1xf32>
    %max3A_9 = arith.maximumf %slice3A, %max3A_8 : vector<512x1xf32>
    %rsqrt3A = math.rsqrt %max3A_9 : vector<512x1xf32>
    %mul3A = vector.broadcast %rsqrt3A : vector<512x1xf32> to vector<512x128xf32>
    %mul3A_10 = arith.mulf %add3A, %mul3A : vector<512x128xf32>
    %get3A_11 = arith.constant 0 : index
    %get3A_12 = arith.constant 0 : index
    %get3A_13 = vector.load %arg4[%get3A_11, %get3A_12] : memref<1x128xf32, #tpu.memory_space<vmem>>, vector<1x128xf32>
    %add3A_14 = vector.broadcast %get3A_13 : vector<1x128xf32> to vector<512x128xf32>
    %add3A_15 = arith.addf %mul3A_10, %add3A_14 : vector<512x128xf32>
    %max3A_16 = arith.constant 0.000000e+00 : f32
    %max3A_17 = vector.broadcast %max3A_16 : f32 to vector<512x128xf32>
    %max3A_18 = arith.maximumf %add3A_15, %max3A_17 : vector<512x128xf32>
    %get3A_19 = arith.constant 0 : index
    %get3A_20 = arith.constant 0 : index
    %get3A_21 = vector.load %arg5[%get3A_19, %get3A_20] : memref<512x128xf32, #tpu.memory_space<vmem>>, vector<512x128xf32>
    %get3A_22 = arith.constant 0 : index
    %get3A_23 = arith.constant 0 : index
    %get3A_24 = vector.load %arg7[%get3A_22, %get3A_23] : memref<1x128xf32, #tpu.memory_space<vmem>>, vector<1x128xf32>
    %add3A_25 = vector.broadcast %get3A_24 : vector<1x128xf32> to vector<512x128xf32>
    %add3A_26 = arith.addf %get3A_21, %add3A_25 : vector<512x128xf32>
    %get3A_27 = arith.constant 0 : index
    %get3A_28 = arith.constant 0 : index
    %get3A_29 = vector.load %arg6[%get3A_27, %get3A_28] : memref<128x128xf32, #tpu.memory_space<vmem>>, vector<128x128xf32>
    %dot_general3A = arith.constant dense<0.000000e+00> : vector<512x128xf32>
    %dot_general3A_30 = tpu.matmul %max3A_18, %get3A_29, %dot_general3A {dimension_numbers = #tpu.dot_dimension_numbers<[1], [0], [0], [1], [0, 0, 1, 1], [], []>, transpose_lhs_hint = false} : vector<512x128xf32>, vector<128x128xf32>, vector<512x128xf32> -> vector<512x128xf32>
    %add3A_31 = arith.addf %add3A_26, %dot_general3A_30 : vector<512x128xf32>
    %swap3A = arith.constant 0 : index
    %swap3A_32 = arith.constant 0 : index
    %swap3A_33 = vector.load %arg8[%swap3A, %swap3A_32] : memref<512x128xf32, #tpu.memory_space<vmem>>, vector<512x128xf32>
    tpu.vector_store %arg8[%swap3A, %swap3A_32], %add3A_31 {strides = array<i32>} : memref<512x128xf32, #tpu.memory_space<vmem>>, vector<512x128xf32>,
    return
  }
  func.func @transform_0(%arg0: i32) -> (i32, i32) {
    %c0_i32 = arith.constant 0 : i32
    %c0_i32_0 = arith.constant 0 : i32
    return %arg0, %c0_i32 : i32, i32
  }
  func.func @transform_1(%arg0: i32) -> (i32, i32) {
    %c0_i32 = arith.constant 0 : i32
    %c0_i32_0 = arith.constant 0 : i32
    return %arg0, %c0_i32 : i32, i32
  }
  func.func @transform_2(%arg0: i32) -> (i32, i32) {
    %c0_i32 = arith.constant 0 : i32
    %c0_i32_0 = arith.constant 0 : i32
    return %arg0, %c0_i32 : i32, i32
  }
  func.func @transform_3(%arg0: i32) -> (i32, i32) {
    %c0_i32 = arith.constant 0 : i32
    %c0_i32_0 = arith.constant 0 : i32
    %c0_i32_1 = arith.constant 0 : i32
    return %c0_i32, %c0_i32_0 : i32, i32
  }
  func.func @transform_4(%arg0: i32) -> (i32, i32) {
    %c0_i32 = arith.constant 0 : i32
    %c0_i32_0 = arith.constant 0 : i32
    return %arg0, %c0_i32 : i32, i32
  }
  func.func @transform_5(%arg0: i32) -> (i32, i32) {
    %c0_i32 = arith.constant 0 : i32
    %c0_i32_0 = arith.constant 0 : i32
    %c0_i32_1 = arith.constant 0 : i32
    return %c0_i32, %c0_i32_0 : i32, i32
  }
  func.func @transform_6(%arg0: i32) -> (i32, i32) {
    %c0_i32 = arith.constant 0 : i32
    %c0_i32_0 = arith.constant 0 : i32
    %c0_i32_1 = arith.constant 0 : i32
    return %c0_i32, %c0_i32_0 : i32, i32
  }
  func.func @transform_7(%arg0: i32) -> (i32, i32) {
    %c0_i32 = arith.constant 0 : i32
    %c0_i32_0 = arith.constant 0 : i32
    return %arg0, %c0_i32 : i32, i32
  }
}

</mosaic_0001>

<sc_bundles>
// kernel: kernel.10.cloned.1.call-start
scs
__scs_entry_jumppad:
0x0: {  	(pc) =	sbr.rel $0x88, $3  }
0x1: {  	(tag) =	ssettag $0x0;
	lr =	simm.s32 $0x1  }
0x2: {  	[smem:$0x3F97] =	sst lr;
	_ =	strace $0xD0000000  }
0x3: {  	_ = 	snop  }
0x4: {  	_ = 	snop  }
0x5: {  	_ = 	snop  }
0x6: {  	_ = 	snop  }
0x7: {  	_ = 	snop  }
__scs_overlays_trampoline_lowered:
0x8: {  	[smem:$0x3FA6] =	sst s0  }
0x9: {  	[smem:$0x3FA7] =	sst s1  }
0xa: {  	[smem:$0x3FA8] =	sst s2  }
0xb: {  	[smem:$0x3FA9] =	sst s3  }
0xc: {  	[smem:$0x3FAA] =	sst s4  }
0xd: {  	[smem:$0x3FAB] =	sst s5  }
0xe: {  	[smem:$0x3FAC] =	sst s6  }
0xf: {  	[smem:$0x3FAD] =	sst s7  }
0x10: {  	[smem:$0x3FAE] =	sst s8  }
0x11: {  	[smem:$0x3FAF] =	sst s9;
	s0 =	simm.s32 @!p0 $0x0  }
0x12: {  	s1 =	sld [smem:$0x3F95];
	s0 =	simm.s32 @p0 $0x1  }
0x13: {  	[smem:$0x3FB0] =	sst s0;
	s0 =	simm.s32 @!p1 $0x0  }
0x14: {  	s2 =	sld [smem:$0x3F94];
	s0 =	simm.s32 @p1 $0x1  }
0x15: {  	[smem:$0x3FB1] =	sst s0;
	s0 =	simm.s32 @!p2 $0x0  }
0x16: {  	s3 =	sld [smem:$0x3FDB];
	s0 =	simm.s32 @p2 $0x1  }
0x17: {  	s4 =	simm.s32 $0x1BF5;
	[smem:$0x3FB3] =	sst s0  }
0x18: {  	s0 =	sld [smem:$0x3F96];
	_ =	swait.ge [sflag:s4], $0x0  }
0x19: {  	s7 =	sld [smem:$0x3F97]  }
0x1a: {  	s8 =	sadd.s32 $0xFFFFE003, lr  }
0x1b: {  	s9 =	sadd.s32 $0xFFFFFEF7, lr;
	s5 =	simm.s32 $0xFFFFFFFF;
	p2 =	slt.u32 s8, $0xFFFFF086  }
0x1c: {  	p1 =	slt.u32 s9, $0xF7A;
	s5 =	simm.s32 @!p2 $0x0  }
0x1d: {  	s5 =	simm.s32 @p1 $0x1;
	p0 =	seq.s32 s7, s2  }
0x1e: {  	s7 =	smul.u32 @!p0 $0xF7A, s2;
	p2 =	seq.s32 @!p0 s5, $0x0  }
0x1f: {  	s9 =	smul.u32 $0xF7A, s1;
	s8 =	simm.s32 @!p0 $0x1BF5;
	p2 =	por !p2, p0  }
0x20: {  	[sflag:s8] =	ssyncset.s32 @!p0 $0xFFFFF086;
	s6 =	sadd.s32 @!p0 s3, s7;
	s7 =	simm.s32 @!p0 $0x108  }
0x21: {  	s3 =	sadd.s32 s3, s9;
	s6 =	sadd.s32 @!p0 $0x88, s6;
	s7 =	simm.s32 @p2 $0x1082  }
0x22: {  	[simem:s7], [sflag:s8] =	dma.local @!p0 [hbm:s6], $0xF7A  }
0x23: {  	s9 =	sor.u32 $0xD0000000, s2;
	s6 =	simm.s32 $0x108;
	_ =	swait.ge @!p0 [sflag:s8], $0x0  }
0x24: {  	s3 =	sadd.s32 $0x88, s3;
	s6 =	simm.s32 @!p1 $0x1082;
	[sflag:s4] =	ssyncset.s32 $0xFFFFF086  }
0x25: {  	[simem:s6], [sflag:s4] =	dma.local [hbm:s3], $0xF7A  }
0x26: {  	[smem:$0x3F97] =	sst s1;
	(tag) =	ssettag s2;
	_ =	strace s9  }
0x27: {  	s1 =	sld [smem:$0x3FA7]  }
0x28: {  	s2 =	sld [smem:$0x3FA8]  }
0x29: {  	s4 =	sld [smem:$0x3FAA]  }
0x2a: {  	p0 =	seq.s32 s5, $0x0;
	s5 =	sld [smem:$0x3FAB]  }
0x2b: {  	s6 =	sld [smem:$0x3FAC]  }
0x2c: {  	s7 =	sld [smem:$0x3FAD]  }
0x2d: {  	s3 =	simm.s32 $0x108;
	s8 =	sld [smem:$0x3FAE]  }
0x2e: {  	s3 =	simm.s32 @!p0 $0x1082;
	s9 =	sld [smem:$0x3FAF]  }
0x2f: {  	lr =	sadd.s32 s0, s3;
	s0 =	sld [smem:$0x3FA6]  }
0x30: {  	s3 =	sld [smem:$0x3FA9]  }
0x31: {  	[smem:$0x3FB2] =	sst s10  }
0x32: {  	s10 =	sld [smem:$0x3FB0];
	_ =	sdelay $0x3  }
0x33: {  	p0 =	seq.s32 s10, $0x1;
	s10 =	sld [smem:$0x3FB2];
	_ =	sdelay $0x3  }
0x34: {  	[smem:$0x3FB2] =	sst s10  }
0x35: {  	s10 =	sld [smem:$0x3FB1];
	_ =	sdelay $0x3  }
0x36: {  	p1 =	seq.s32 s10, $0x1;
	s10 =	sld [smem:$0x3FB2];
	_ =	sdelay $0x3  }
0x37: {  	[smem:$0x3FB2] =	sst s10  }
0x38: {  	s10 =	sld [smem:$0x3FB3]  }
0x39: {  	_ = 	snop;
	(pc) =	sbr.ind lr, $3  }
0x3a: {  	_ = 	snop  }
0x3b: {  	_ = 	snop  }
0x3c: {  	p2 =	seq.s32 s10, $0x1;
	s10 =	sld [smem:$0x3FB2]  }
0x3d: {  	_ =	shalt  }
0x3e: {  	_ =	shalt  }
0x3f: {  	_ =	shalt  }
0x40: {  	_ =	shalt  }
0x41: {  	_ =	shalt  }
0x42: {  	_ =	shalt  }
0x43: {  	_ =	shalt  }
0x44: {  	_ =	shalt  }
0x45: {  	_ =	shalt  }
0x46: {  	_ =	shalt  }
0x47: {  	_ =	shalt  }
0x48: {  	_ =	shalt  }
0x49: {  	_ =	shalt  }
0x4a: {  	_ =	shalt  }
0x4b: {  	_ =	shalt  }
0x4c: {  	_ =	shalt  }
0x4d: {  	_ =	shalt  }
0x4e: {  	_ =	shalt  }
0x4f: {  	_ =	shalt  }
0x50: {  	_ =	shalt  }
0x51: {  	_ =	shalt  }
0x52: {  	_ =	shalt  }
0x53: {  	_ =	shalt  }
0x54: {  	_ =	shalt  }
0x55: {  	_ =	shalt  }
0x56: {  	_ =	shalt  }
0x57: {  	_ =	shalt  }
0x58: {  	_ =	shalt  }
0x59: {  	_ =	shalt  }
0x5a: {  	_ =	shalt  }
0x5b: {  	_ =	shalt  }
0x5c: {  	_ =	shalt  }
0x5d: {  	_ =	shalt  }
0x5e: {  	_ =	shalt  }
0x5f: {  	_ =	shalt  }
0x60: {  	_ =	shalt  }
0x61: {  	_ =	shalt  }
0x62: {  	_ =	shalt  }
0x63: {  	_ =	shalt  }
0x64: {  	_ =	shalt  }
0x65: {  	_ =	shalt  }
0x66: {  	_ =	shalt  }
0x67: {  	_ =	shalt  }
0x68: {  	_ =	shalt  }
0x69: {  	_ =	shalt  }
0x6a: {  	_ =	shalt  }
0x6b: {  	_ =	shalt  }
0x6c: {  	_ =	shalt  }
0x6d: {  	_ =	shalt  }
0x6e: {  	_ =	shalt  }
0x6f: {  	_ =	shalt  }
0x70: {  	_ =	shalt  }
0x71: {  	_ =	shalt  }
0x72: {  	_ =	shalt  }
0x73: {  	_ =	shalt  }
0x74: {  	_ =	shalt  }
0x75: {  	_ =	shalt  }
0x76: {  	_ =	shalt  }
0x77: {  	_ =	shalt  }
0x78: {  	_ =	shalt  }
0x79: {  	_ =	shalt  }
0x7a: {  	_ =	shalt  }
0x7b: {  	_ =	shalt  }
0x7c: {  	_ =	shalt  }
0x7d: {  	_ =	shalt  }
0x7e: {  	_ =	shalt  }
0x7f: {  	_ =	shalt  }
0x80: {  	_ =	shalt  }
0x81: {  	_ =	shalt  }
0x82: {  	_ =	shalt  }
0x83: {  	_ =	shalt  }
0x84: {  	_ =	shalt  }
0x85: {  	_ =	shalt  }
0x86: {  	_ =	shalt  }
0x87: {  	_ =	shalt  }
.Lfunc_end0:
.L_simem_size_0:
called_computation_lowered:
.L_overlay_start_0:
0x88: {  	s2 =	sld [smem:$0x3FD9]  }
0x89: {  	s3 =	sld [smem:$0x3FFE];
	_ =	sdelay $0x1  }
0x8a: {  	s1 =	srdreg.scid  }
0x8b: {  	s0 =	sand.u32 $0x1, s1  }
0x8c: {  	s17 =	sshll.u32 s0, $0xA;
	s2 =	sadd.s32 s3, s2  }
0x8d: {  	s2 =	sadd.s32 s2, s17  }
0x8e: {  	[smem:$0x3FBE] =	sst s2  }
0x8f: {  	_ = 	snop  }
0x90: {  	s2 =	sld [smem:$0x3FD0];
	(tm) =	ssettm $0x1  }
0x91: {  	s18 =	sld [smem:$0x3FFB];
	_ =	sdelay $0x3  }
0x92: {  	_ =	strace s18  }
0x93: {  	s3 =	sld [smem:$0x3FFC];
	_ =	sdelay $0x3  }
0x94: {  	_ =	strace s3  }
0x95: {  	s3 =	sld [smem:$0x3FFD];
	_ =	sdelay $0x3  }
0x96: {  	_ =	strace s3  }
0x97: {  	_ =	strace $0x8FFFFFFF  }
0x98: {  	s19 =	sld [smem:$0x3FDB];
	_ =	sdelay $0x1  }
0x99: {  	s4 =	simm.s32 $_scs_section_size  }
0x9a: {  	s5 =	simm.s32 $_size__tile_overlayer_lowered;
	s6 =	simm.s32 $_tile_overlayer_lowered  }
0x9b: {  	s22 =	simm.s32 $0x1BFF;
	s21 =	sshll.u32 s6, $0x1;
	s3 =	sadd.s32 s4, s19  }
0x9c: {  	s7 =	simm.s32 $0x0;
	s20 =	sshll.u32 s5, $0x1;
	s5 =	sadd.s32 s21, s3  }
0x9d: {  	[timem:s7], [sflag:s22] =	dma.local [hbm:s5], s20  }
0x9e: {  	_ =	swait.ge [sflag:s22], s20  }
0x9f: {  	s4 =	ssub.s32 $0x0, s20;
	[sflag:s22] =	ssyncset.done $0x0  }
0xa0: {  	[sflag:s22] =	ssyncadd.s32 s4;
	_ =	sdelay $0x1  }
0xa1: {  	s23 =	simm.s32 $0x1B8B  }
0xa2: {  	_ =	swait.ge [sflag:s23], $0x1  }
0xa3: {  	[sflag:s23] =	ssyncset.done $0x0  }
0xa4: {  	s25 =	simm.s32 $0x1B8E;
	s24 =	sld [smem:$0x3FFE];
	[sflag:s23] =	ssyncadd.s32 $0xFFFFFFFF  }
0xa5: {  	s26 =	simm.s32 $execute0_lowered;
	[smem:$0x3FD2] =	sst s25  }
0xa6: {  	s5 =	sshll.u32 s26, $0x1;
	_ =	strace $0x80000046;
	[dreg:$0x1] =	wrdreg $0xFFFFFFFF  }
0xa7: {  	s28 =	simm.s32 $_size_execute0_lowered;
	s3 =	sadd.s32 s3, s5;
	[dreg:$0x0] =	wrdreg $0x0  }
0xa8: {  	s5 =	sshll.u32 s28, $0x1;
	[dreg:$0x2] =	wrdreg s3  }
0xa9: {  	[dreg:$0x3] =	wrdreg s5  }
0xaa: {  	[dreg:$0x4] =	wrdreg $0xC0  }
0xab: {  	_ =	task [dreg:s7], $0x5FFFF  }
0xac: {  	[dreg:$0x1] =	wrdreg $0xFFFFFFFF  }
0xad: {  	[dreg:$0x0] =	wrdreg $0x60  }
0xae: {  	[dreg:$0x2] =	wrdreg s24  }
0xaf: {  	[dreg:$0x3] =	wrdreg s2  }
0xb0: {  	[dreg:$0x4] =	wrdreg $0x90000  }
0xb1: {  	[dreg:$0x5] =	wrdreg $0x9  }
0xb2: {  	_ =	task.clear_ibuf [dreg:s7], $0x6FFFF;
	_ =	strace $0x90000046  }
0xb3: {  	s29 =	simm.s32 $0x9;
	_ =	strace $0x80000048  }
0xb4: {  	_ =	swait.ge [sflag:s29], $0x1  }
0xb5: {  	[sflag:s29] =	ssyncadd.s32 $0xFFFFFFFF  }
0xb6: {  	_ =	strace $0x90000048  }
0xb7: {  	_ =	sfence  }
0xb8: {  	s30 =	sld [smem:$0x0];
	_ =	sdelay $0x2  }
0xb9: {  	s31 =	sshll.u32 s1, $0xD;
	s1 =	sshrl.u32 s1, $0x2  }
0xba: {  	s3 =	sand.u32 $0x4000, s31;
	s1 =	sadd.s32 s1, s30  }
0xbb: {  	s0 =	sor.u32 s3, s0;
	s1 =	sshll.u32 s1, $0x11  }
0xbc: {  	s0 =	sor.u32 s1, s0  }
0xbd: {  	s0 =	sadd.s32 $0x8F2B, s0  }
0xbe: {  	[sflag:s0] =	ssyncadd.remote.s32 $0x1  }
0xbf: {  	_ =	sfence.sel $0xFFFF  }
0xc0: {  	[dreg:$0x0] =	wrdreg $0xFFFFFFFF;
	(pc) =	sbr.abs _section_cstart, $3  }
0xc1: {  	[dreg:$0x1] =	wrdreg $0xFFFFFFFF  }
0xc2: {  	_ =	task.clear_ibuf [dreg:s7], $0x2FFFF;
	_ =	strace $0x9FFFFFFF  }
0xc3: {  	(tm) =	ssettm $0x7FFFFFFF  }
tec
execute0_lowered:
.L_overlay_start_1:
0x0: {  	(tag) =	ssettag $0x1  }
0x1: {  	s5 =	rddreg [dreg:$0x0]  }
0x2: {  	s8 =	rddreg [dreg:$0x1]  }
0x3: {  	s2 =	rddreg [dreg:$0x2]  }
0x4: {  	s0 =	rddreg [dreg:$0x3];
	s3 =	simm.s32 $0x0;
	s1 =	stileid.u32  }
0x5: {  	s4 =	srdreg.scid;
	s14 =	simm.s32 $0x1;
	s15 =	simm.s32 $0x0  }
0x6: {  	[smem:$0x7FF] =	sst s3;
	s6 =	smul.u32 $0x14000, s1;
	s7 =	sadd.s32 $0x3E00, s5  }
0x7: {  	s9 =	sand.u32 $0x1, s4;
	s4 =	sadd.s32 $0xDE00, s5;
	s11 =	smul.u32 $0x50000, s1  }
0x8: {  	s31 =	sshll.u32 s1, $0x6;
	s13 =	smul.u32 $0xA00, s1;
	_ =	strace $0x80000047  }
0x9: {  	p0 =	seq.s32 s9, $0x0;
	s9 =	ssub.s32 $0x2, s9;
	s6 =	sshrl.u32 s6, $0x3  }
0xa: {  	s29 =	sshrl.u32 s9, $0x1;
	s30 =	sshrl.u32 s11, $0x2;
	s8 =	smov.u32 @p0 s7  }
0xb: {  	s10 =	sadd.s32 $0x28000, s6;
	s12 =	sadd.s32 s6, s5;
	s9 =	ssub.s32 s9, s29  }
0xc: {  	s11 =	sadd.s32 s30, s2;
	s8 =	sadd.s32 s8, s13;
	s13 =	simm.s32 $0x80  }
0xd: {  	s10 =	smov.u32 @p0 s6;
	s6 =	sor.u32 $0x1C02, s31;
	s7 =	smax.u32 s9, $0x1  }
0xe: {  	s10 =	sadd.s32 s10, s5;
	s5 =	sadd.s32 $0xE600, s12;
	s12 =	simm.s32 $0x5000  }
0xf: {  	s9 =	sadd.s32 $0x36600, s10;
	s10 =	sshrl.u32 s11, $0x3;
	s11 =	simm.s32 $0x2  }
.LBB2_1:
0x10: {  	[spmem:s10], [sflag:s6] =	dma.local [hbm:s5], $0x2800  }
0x11: {  	_ =	swait.ge [sflag:s11], $0x2800  }
0x12: {  	[sflag:s11] =	ssyncset.done $0x0  }
0x13: {  	[sflag:s11] =	ssyncadd.s32 $0xFFFFD800  }
0x14: {  	[tilespmem:s12], [sflag:$0x2] =	stream.linear.gather [hbm4b:s4+s3], $0x4000, $0x38;
	[tilespmem:$0x1D000] =	vst v63  }
0x15: {  	_ =	swait.ge [sflag:s11], $0x4000  }
0x16: {  	[sflag:s11] =	ssyncset.done $0x0  }
0x17: {  	[sflag:s11] =	ssyncadd.s32 $0xFFFFC000  }
0x18: {  	[tilespmem:s3], [sflag:$0x2] =	stream.linear.gather [hbm4b:s8+s3], $0x5000, $0x38;
	[tilespmem:$0x1D000] =	vst v63  }
0x19: {  	_ =	swait.ge [sflag:s11], $0x5000  }
0x1a: {  	[sflag:s11] =	ssyncset.done $0x0  }
0x1b: {  	[sflag:s11] =	ssyncadd.s32 $0xFFFFB000  }
0x1c: {  	s16 =	simm.s32 $0x0;
	[bflag:$0x0] =	sbarrier.arrive $0xFFFF  }
0x1d: {  	[spmem:s2] =	stream.indirect.scatter.add.f32 [tilespmem:s12], [sflag:$0x1], $0x80, s16, s13, $0xb8;
	[tilespmem:$0x1D000] =	vst v63  }
0x1e: {  	s24 =	simm.s32 $0x80  }
0x1f: {  	[spmem:s2] =	stream.indirect.scatter.add.f32 [tilespmem:s12], [sflag:$0x1], $0x80, s24, s13, $0xb8;
	[tilespmem:$0x1D000] =	vst v63  }
0x20: {  	s25 =	simm.s32 $0x100  }
0x21: {  	[spmem:s2] =	stream.indirect.scatter.add.f32 [tilespmem:s12], [sflag:$0x1], $0x80, s25, s13, $0xb8;
	[tilespmem:$0x1D000] =	vst v63  }
0x22: {  	s26 =	simm.s32 $0x180  }
0x23: {  	[spmem:s2] =	stream.indirect.scatter.add.f32 [tilespmem:s12], [sflag:$0x1], $0x80, s26, s13, $0xb8;
	[tilespmem:$0x1D000] =	vst v63  }
0x24: {  	s28 =	simm.s32 $0x200  }
0x25: {  	[spmem:s2] =	stream.indirect.scatter.add.f32 [tilespmem:s12], [sflag:$0x1], $0x80, s28, s13, $0xb8;
	[tilespmem:$0x1D000] =	vst v63  }
0x26: {  	s29 =	simm.s32 $0x280  }
0x27: {  	[spmem:s2] =	stream.indirect.scatter.add.f32 [tilespmem:s12], [sflag:$0x1], $0x80, s29, s13, $0xb8;
	[tilespmem:$0x1D000] =	vst v63  }
0x28: {  	s30 =	simm.s32 $0x300  }
0x29: {  	[spmem:s2] =	stream.indirect.scatter.add.f32 [tilespmem:s12], [sflag:$0x1], $0x80, s30, s13, $0xb8;
	[tilespmem:$0x1D000] =	vst v63  }
0x2a: {  	s31 =	simm.s32 $0x380  }
0x2b: {  	[spmem:s2] =	stream.indirect.scatter.add.f32 [tilespmem:s12], [sflag:$0x1], $0x80, s31, s13, $0xb8;
	[tilespmem:$0x1D000] =	vst v63  }
0x2c: {  	_ =	swait.ge [sflag:s14], $0x4000  }
0x2d: {  	[sflag:s14] =	ssyncset.done $0x0  }
0x2e: {  	[sflag:s14] =	ssyncadd.s32 $0xFFFFC000  }
0x2f: {  	_ =	swait.ge [sflag:s14], $0x4000  }
0x30: {  	[sflag:s14] =	ssyncset.done $0x0  }
0x31: {  	[sflag:s14] =	ssyncadd.s32 $0xFFFFC000  }
0x32: {  	_ =	swait.ge [sflag:s14], $0x4000  }
0x33: {  	[sflag:s14] =	ssyncset.done $0x0  }
0x34: {  	[sflag:s14] =	ssyncadd.s32 $0xFFFFC000  }
0x35: {  	_ =	swait.ge [sflag:s14], $0x4000  }
0x36: {  	[sflag:s14] =	ssyncset.done $0x0  }
0x37: {  	[sflag:s14] =	ssyncadd.s32 $0xFFFFC000  }
0x38: {  	_ =	swait.ge [sflag:s14], $0x4000  }
0x39: {  	[sflag:s14] =	ssyncset.done $0x0  }
0x3a: {  	[sflag:s14] =	ssyncadd.s32 $0xFFFFC000  }
0x3b: {  	_ =	swait.ge [sflag:s14], $0x4000  }
0x3c: {  	[sflag:s14] =	ssyncset.done $0x0  }
0x3d: {  	[sflag:s14] =	ssyncadd.s32 $0xFFFFC000  }
0x3e: {  	_ =	swait.ge [sflag:s14], $0x4000  }
0x3f: {  	[sflag:s14] =	ssyncset.done $0x0  }
0x40: {  	[sflag:s14] =	ssyncadd.s32 $0xFFFFC000  }
0x41: {  	_ =	swait.ge [sflag:s14], $0x4000  }
0x42: {  	s18 =	simm.s32 $0x2000;
	s16 =	simm.s32 $0x1000;
	[sflag:s14] =	ssyncset.done $0x0  }
.LBB2_2:
0x43: {  	s19 =	sshra.s32 s16, $0x2  }
0x44: {  	[sflag:s14] =	ssyncadd.s32 $0xFFFFC000;
	s16 =	smov.u32 s18;
	s17 =	sadd.s32 $0x1000, s18  }
0x45: {  	[spmem:s2] =	stream.indirect.scatter.add.f32 [tilespmem:s12], [sflag:$0x1], $0x80, s19, s13, $0xb8;
	[tilespmem:$0x1D000] =	vst v63  }
0x46: {  	p0 =	sne.s32 s18, $0x13000;
	s18 =	sadd.s32 $0x80, s19  }
0x47: {  	[spmem:s2] =	stream.indirect.scatter.add.f32 [tilespmem:s12], [sflag:$0x1], $0x80, s18, s13, $0xb8;
	[tilespmem:$0x1D000] =	vst v63  }
0x48: {  	s18 =	sadd.s32 $0x100, s19  }
0x49: {  	[spmem:s2] =	stream.indirect.scatter.add.f32 [tilespmem:s12], [sflag:$0x1], $0x80, s18, s13, $0xb8;
	[tilespmem:$0x1D000] =	vst v63  }
0x4a: {  	s18 =	sadd.s32 $0x180, s19  }
0x4b: {  	[spmem:s2] =	stream.indirect.scatter.add.f32 [tilespmem:s12], [sflag:$0x1], $0x80, s18, s13, $0xb8;
	[tilespmem:$0x1D000] =	vst v63  }
0x4c: {  	s18 =	sadd.s32 $0x200, s19  }
0x4d: {  	[spmem:s2] =	stream.indirect.scatter.add.f32 [tilespmem:s12], [sflag:$0x1], $0x80, s18, s13, $0xb8;
	[tilespmem:$0x1D000] =	vst v63  }
0x4e: {  	s18 =	sadd.s32 $0x280, s19  }
0x4f: {  	[spmem:s2] =	stream.indirect.scatter.add.f32 [tilespmem:s12], [sflag:$0x1], $0x80, s18, s13, $0xb8;
	[tilespmem:$0x1D000] =	vst v63  }
0x50: {  	s18 =	sadd.s32 $0x300, s19  }
0x51: {  	[spmem:s2] =	stream.indirect.scatter.add.f32 [tilespmem:s12], [sflag:$0x1], $0x80, s18, s13, $0xb8;
	[tilespmem:$0x1D000] =	vst v63  }
0x52: {  	s18 =	sadd.s32 $0x380, s19  }
0x53: {  	[spmem:s2] =	stream.indirect.scatter.add.f32 [tilespmem:s12], [sflag:$0x1], $0x80, s18, s13, $0xb8;
	[tilespmem:$0x1D000] =	vst v63  }
0x54: {  	_ =	swait.ge [sflag:s14], $0x4000  }
0x55: {  	[sflag:s14] =	ssyncset.done $0x0  }
0x56: {  	[sflag:s14] =	ssyncadd.s32 $0xFFFFC000  }
0x57: {  	_ =	swait.ge [sflag:s14], $0x4000  }
0x58: {  	[sflag:s14] =	ssyncset.done $0x0  }
0x59: {  	[sflag:s14] =	ssyncadd.s32 $0xFFFFC000  }
0x5a: {  	_ =	swait.ge [sflag:s14], $0x4000  }
0x5b: {  	[sflag:s14] =	ssyncset.done $0x0  }
0x5c: {  	[sflag:s14] =	ssyncadd.s32 $0xFFFFC000  }
0x5d: {  	_ =	swait.ge [sflag:s14], $0x4000  }
0x5e: {  	[sflag:s14] =	ssyncset.done $0x0  }
0x5f: {  	[sflag:s14] =	ssyncadd.s32 $0xFFFFC000  }
0x60: {  	_ =	swait.ge [sflag:s14], $0x4000  }
0x61: {  	[sflag:s14] =	ssyncset.done $0x0  }
0x62: {  	[sflag:s14] =	ssyncadd.s32 $0xFFFFC000  }
0x63: {  	_ =	swait.ge [sflag:s14], $0x4000  }
0x64: {  	[sflag:s14] =	ssyncset.done $0x0  }
0x65: {  	[sflag:s14] =	ssyncadd.s32 $0xFFFFC000  }
.Ltmp0:
0x66: {  	_ =	swait.ge [sflag:s14], $0x4000;
	(pc) =	sbr.rel @p0 .LBB2_2-.Ltmp0, $4  }
0x67: {  	[sflag:s14] =	ssyncset.done $0x0  }
0x68: {  	[sflag:s14] =	ssyncadd.s32 $0xFFFFC000  }
0x69: {  	_ =	swait.ge [sflag:s14], $0x4000  }
0x6a: {  	s18 =	smov.u32 s17;
	[sflag:s14] =	ssyncset.done $0x0  }
0x6b: {  	s16 =	sshra.s32 s16, $0x2;
	[sflag:s14] =	ssyncadd.s32 $0xFFFFC000  }
0x6c: {  	[spmem:s2] =	stream.indirect.scatter.add.f32 [tilespmem:s12], [sflag:$0x1], $0x80, s16, s13, $0xb8;
	[tilespmem:$0x1D000] =	vst v63  }
0x6d: {  	s17 =	sadd.s32 $0x80, s16  }
0x6e: {  	[spmem:s2] =	stream.indirect.scatter.add.f32 [tilespmem:s12], [sflag:$0x1], $0x80, s17, s13, $0xb8;
	[tilespmem:$0x1D000] =	vst v63  }
0x6f: {  	s26 =	sadd.s32 $0x100, s16  }
0x70: {  	[spmem:s2] =	stream.indirect.scatter.add.f32 [tilespmem:s12], [sflag:$0x1], $0x80, s26, s13, $0xb8;
	[tilespmem:$0x1D000] =	vst v63  }
0x71: {  	s28 =	sadd.s32 $0x180, s16  }
0x72: {  	[spmem:s2] =	stream.indirect.scatter.add.f32 [tilespmem:s12], [sflag:$0x1], $0x80, s28, s13, $0xb8;
	[tilespmem:$0x1D000] =	vst v63  }
0x73: {  	s29 =	sadd.s32 $0x200, s16  }
0x74: {  	[spmem:s2] =	stream.indirect.scatter.add.f32 [tilespmem:s12], [sflag:$0x1], $0x80, s29, s13, $0xb8;
	[tilespmem:$0x1D000] =	vst v63  }
0x75: {  	s30 =	sadd.s32 $0x280, s16  }
0x76: {  	[spmem:s2] =	stream.indirect.scatter.add.f32 [tilespmem:s12], [sflag:$0x1], $0x80, s30, s13, $0xb8;
	[tilespmem:$0x1D000] =	vst v63  }
0x77: {  	s31 =	sadd.s32 $0x300, s16  }
0x78: {  	[spmem:s2] =	stream.indirect.scatter.add.f32 [tilespmem:s12], [sflag:$0x1], $0x80, s31, s13, $0xb8;
	[tilespmem:$0x1D000] =	vst v63  }
0x79: {  	s16 =	sadd.s32 $0x380, s16  }
0x7a: {  	[spmem:s2] =	stream.indirect.scatter.add.f32 [tilespmem:s12], [sflag:$0x1], $0x80, s16, s13, $0xb8;
	[tilespmem:$0x1D000] =	vst v63  }
0x7b: {  	_ =	swait.ge [sflag:s14], $0x4000  }
0x7c: {  	[sflag:s14] =	ssyncset.done $0x0  }
0x7d: {  	[sflag:s14] =	ssyncadd.s32 $0xFFFFC000  }
0x7e: {  	_ =	swait.ge [sflag:s14], $0x4000  }
0x7f: {  	[sflag:s14] =	ssyncset.done $0x0  }
0x80: {  	[sflag:s14] =	ssyncadd.s32 $0xFFFFC000  }
0x81: {  	_ =	swait.ge [sflag:s14], $0x4000  }
0x82: {  	[sflag:s14] =	ssyncset.done $0x0  }
0x83: {  	[sflag:s14] =	ssyncadd.s32 $0xFFFFC000  }
0x84: {  	_ =	swait.ge [sflag:s14], $0x4000  }
0x85: {  	[sflag:s14] =	ssyncset.done $0x0  }
0x86: {  	[sflag:s14] =	ssyncadd.s32 $0xFFFFC000  }
0x87: {  	_ =	swait.ge [sflag:s14], $0x4000  }
0x88: {  	[sflag:s14] =	ssyncset.done $0x0  }
0x89: {  	[sflag:s14] =	ssyncadd.s32 $0xFFFFC000  }
0x8a: {  	_ =	swait.ge [sflag:s14], $0x4000  }
0x8b: {  	[sflag:s14] =	ssyncset.done $0x0  }
0x8c: {  	[sflag:s14] =	ssyncadd.s32 $0xFFFFC000  }
0x8d: {  	_ =	swait.ge [sflag:s14], $0x4000  }
0x8e: {  	[sflag:s14] =	ssyncset.done $0x0  }
0x8f: {  	[sflag:s14] =	ssyncadd.s32 $0xFFFFC000  }
0x90: {  	_ =	swait.ge [sflag:s14], $0x4000  }
0x91: {  	s15 =	sadd.s32 $0x1, s15;
	[sflag:s14] =	ssyncset.done $0x0  }
0x92: {  	p0 =	sne.s32 s15, s7;
	[sflag:s14] =	ssyncadd.s32 $0xFFFFC000  }
.Ltmp1:
0x93: {  	[bflag:$0x0] =	sbarrier.arrive $0xFFFF;
	(pc) =	sbr.rel @p0 .LBB2_1-.Ltmp1, $4  }
0x94: {  	[hbm:s9], [sflag:s6] =	dma.local [spmem:s10], $0x2800  }
0x95: {  	_ =	swait.ge [sflag:s11], $0x2800  }
0x96: {  	[sflag:s11] =	ssyncset.done $0x0  }
0x97: {  	[sflag:s11] =	ssyncadd.s32 $0xFFFFD800  }
0x98: {  	_ =	sfence.sel $0x180000  }
0x99: {  	[bflag:$0x0] =	sbarrier.arrive $0xFFFF  }
0x9a: {  	p0 =	sne.s32 s1, $0x0;
	_ =	strace $0x90000047  }
0x9b: {  	s0 =	sadd.s32 @!p0 $0x100000, s0;
	[bflag:$0x2] =	sbarrier.arrive $0xFFFF  }
0x9c: {  	[sflag:s0] =	ssyncadd.tile.s32 @!p0 $0x1;
	_ =	shalt  }
.Lfunc_end2:
_tile_overlayer_lowered:
.L_overlay_start_2:
0x9d: {  	(tag) =	ssettag $0x2  }
0x9e: {  	s0 =	rddreg [dreg:$0x0];
	s2 =	stileid.u32  }
0x9f: {  	s1 =	rddreg [dreg:$0x1];
	p0 =	sne.s32 s2, $0x0  }
0xa0: {  	s3 =	rddreg [dreg:$0x2];
	[bflag:$0x3] =	sbarrier.arrive $0xFFFF;
	s2 =	simm.s32 @!p0 $0x1C02  }
0xa1: {  	[timem:s3], [sflag:s2] =	dma.local @!p0 [hbm:s0], s1  }
0xa2: {  	s0 =	simm.s32 @!p0 $0x2  }
0xa3: {  	_ =	swait.ge @!p0 [sflag:s0], s1  }
0xa4: {  	s1 =	ssub.s32 @!p0 $0x0, s1;
	[sflag:s0] =	ssyncset.done @!p0 $0x0  }
0xa5: {  	[sflag:s0] =	ssyncadd.s32 @!p0 s1  }
0xa6: {  	[bflag:$0x3] =	sbarrier.arrive $0xFFFF  }
0xa7: {  	_ =	shalt  }

// kernel: kernel.13.cloned.1.call-start
scs
__scs_entry_jumppad:
0x0: {  	(pc) =	sbr.rel $0x88, $3  }
0x1: {  	(tag) =	ssettag $0x0;
	lr =	simm.s32 $0x1  }
0x2: {  	[smem:$0x3F97] =	sst lr;
	_ =	strace $0xD0000000  }
0x3: {  	_ = 	snop  }
0x4: {  	_ = 	snop  }
0x5: {  	_ = 	snop  }
0x6: {  	_ = 	snop  }
0x7: {  	_ = 	snop  }
__scs_overlays_trampoline_lowered:
0x8: {  	[smem:$0x3FA6] =	sst s0  }
0x9: {  	[smem:$0x3FA7] =	sst s1  }
0xa: {  	[smem:$0x3FA8] =	sst s2  }
0xb: {  	[smem:$0x3FA9] =	sst s3  }
0xc: {  	[smem:$0x3FAA] =	sst s4  }
0xd: {  	[smem:$0x3FAB] =	sst s5  }
0xe: {  	[smem:$0x3FAC] =	sst s6  }
0xf: {  	[smem:$0x3FAD] =	sst s7  }
0x10: {  	[smem:$0x3FAE] =	sst s8  }
0x11: {  	[smem:$0x3FAF] =	sst s9;
	s0 =	simm.s32 @!p0 $0x0  }
0x12: {  	s1 =	sld [smem:$0x3F95];
	s0 =	simm.s32 @p0 $0x1  }
0x13: {  	[smem:$0x3FB0] =	sst s0;
	s0 =	simm.s32 @!p1 $0x0  }
0x14: {  	s2 =	sld [smem:$0x3F94];
	s0 =	simm.s32 @p1 $0x1  }
0x15: {  	[smem:$0x3FB1] =	sst s0;
	s0 =	simm.s32 @!p2 $0x0  }
0x16: {  	s3 =	sld [smem:$0x3FDB];
	s0 =	simm.s32 @p2 $0x1  }
0x17: {  	s4 =	simm.s32 $0x1BF5;
	[smem:$0x3FB3] =	sst s0  }
0x18: {  	s0 =	sld [smem:$0x3F96];
	_ =	swait.ge [sflag:s4], $0x0  }
0x19: {  	s7 =	sld [smem:$0x3F97]  }
0x1a: {  	s8 =	sadd.s32 $0xFFFFE003, lr  }
0x1b: {  	s9 =	sadd.s32 $0xFFFFFEF7, lr;
	s5 =	simm.s32 $0xFFFFFFFF;
	p2 =	slt.u32 s8, $0xFFFFF086  }
0x1c: {  	p1 =	slt.u32 s9, $0xF7A;
	s5 =	simm.s32 @!p2 $0x0  }
0x1d: {  	s5 =	simm.s32 @p1 $0x1;
	p0 =	seq.s32 s7, s2  }
0x1e: {  	s7 =	smul.u32 @!p0 $0xF7A, s2;
	p2 =	seq.s32 @!p0 s5, $0x0  }
0x1f: {  	s9 =	smul.u32 $0xF7A, s1;
	s8 =	simm.s32 @!p0 $0x1BF5;
	p2 =	por !p2, p0  }
0x20: {  	[sflag:s8] =	ssyncset.s32 @!p0 $0xFFFFF086;
	s6 =	sadd.s32 @!p0 s3, s7;
	s7 =	simm.s32 @!p0 $0x108  }
0x21: {  	s3 =	sadd.s32 s3, s9;
	s6 =	sadd.s32 @!p0 $0x88, s6;
	s7 =	simm.s32 @p2 $0x1082  }
0x22: {  	[simem:s7], [sflag:s8] =	dma.local @!p0 [hbm:s6], $0xF7A  }
0x23: {  	s9 =	sor.u32 $0xD0000000, s2;
	s6 =	simm.s32 $0x108;
	_ =	swait.ge @!p0 [sflag:s8], $0x0  }
0x24: {  	s3 =	sadd.s32 $0x88, s3;
	s6 =	simm.s32 @!p1 $0x1082;
	[sflag:s4] =	ssyncset.s32 $0xFFFFF086  }
0x25: {  	[simem:s6], [sflag:s4] =	dma.local [hbm:s3], $0xF7A  }
0x26: {  	[smem:$0x3F97] =	sst s1;
	(tag) =	ssettag s2;
	_ =	strace s9  }
0x27: {  	s1 =	sld [smem:$0x3FA7]  }
0x28: {  	s2 =	sld [smem:$0x3FA8]  }
0x29: {  	s4 =	sld [smem:$0x3FAA]  }
0x2a: {  	p0 =	seq.s32 s5, $0x0;
	s5 =	sld [smem:$0x3FAB]  }
0x2b: {  	s6 =	sld [smem:$0x3FAC]  }
0x2c: {  	s7 =	sld [smem:$0x3FAD]  }
0x2d: {  	s3 =	simm.s32 $0x108;
	s8 =	sld [smem:$0x3FAE]  }
0x2e: {  	s3 =	simm.s32 @!p0 $0x1082;
	s9 =	sld [smem:$0x3FAF]  }
0x2f: {  	lr =	sadd.s32 s0, s3;
	s0 =	sld [smem:$0x3FA6]  }
0x30: {  	s3 =	sld [smem:$0x3FA9]  }
0x31: {  	[smem:$0x3FB2] =	sst s10  }
0x32: {  	s10 =	sld [smem:$0x3FB0];
	_ =	sdelay $0x3  }
0x33: {  	p0 =	seq.s32 s10, $0x1;
	s10 =	sld [smem:$0x3FB2];
	_ =	sdelay $0x3  }
0x34: {  	[smem:$0x3FB2] =	sst s10  }
0x35: {  	s10 =	sld [smem:$0x3FB1];
	_ =	sdelay $0x3  }
0x36: {  	p1 =	seq.s32 s10, $0x1;
	s10 =	sld [smem:$0x3FB2];
	_ =	sdelay $0x3  }
0x37: {  	[smem:$0x3FB2] =	sst s10  }
0x38: {  	s10 =	sld [smem:$0x3FB3]  }
0x39: {  	_ = 	snop;
	(pc) =	sbr.ind lr, $3  }
0x3a: {  	_ = 	snop  }
0x3b: {  	_ = 	snop  }
0x3c: {  	p2 =	seq.s32 s10, $0x1;
	s10 =	sld [smem:$0x3FB2]  }
0x3d: {  	_ =	shalt  }
0x3e: {  	_ =	shalt  }
0x3f: {  	_ =	shalt  }
0x40: {  	_ =	shalt  }
0x41: {  	_ =	shalt  }
0x42: {  	_ =	shalt  }
0x43: {  	_ =	shalt  }
0x44: {  	_ =	shalt  }
0x45: {  	_ =	shalt  }
0x46: {  	_ =	shalt  }
0x47: {  	_ =	shalt  }
0x48: {  	_ =	shalt  }
0x49: {  	_ =	shalt  }
0x4a: {  	_ =	shalt  }
0x4b: {  	_ =	shalt  }
0x4c: {  	_ =	shalt  }
0x4d: {  	_ =	shalt  }
0x4e: {  	_ =	shalt  }
0x4f: {  	_ =	shalt  }
0x50: {  	_ =	shalt  }
0x51: {  	_ =	shalt  }
0x52: {  	_ =	shalt  }
0x53: {  	_ =	shalt  }
0x54: {  	_ =	shalt  }
0x55: {  	_ =	shalt  }
0x56: {  	_ =	shalt  }
0x57: {  	_ =	shalt  }
0x58: {  	_ =	shalt  }
0x59: {  	_ =	shalt  }
0x5a: {  	_ =	shalt  }
0x5b: {  	_ =	shalt  }
0x5c: {  	_ =	shalt  }
0x5d: {  	_ =	shalt  }
0x5e: {  	_ =	shalt  }
0x5f: {  	_ =	shalt  }
0x60: {  	_ =	shalt  }
0x61: {  	_ =	shalt  }
0x62: {  	_ =	shalt  }
0x63: {  	_ =	shalt  }
0x64: {  	_ =	shalt  }
0x65: {  	_ =	shalt  }
0x66: {  	_ =	shalt  }
0x67: {  	_ =	shalt  }
0x68: {  	_ =	shalt  }
0x69: {  	_ =	shalt  }
0x6a: {  	_ =	shalt  }
0x6b: {  	_ =	shalt  }
0x6c: {  	_ =	shalt  }
0x6d: {  	_ =	shalt  }
0x6e: {  	_ =	shalt  }
0x6f: {  	_ =	shalt  }
0x70: {  	_ =	shalt  }
0x71: {  	_ =	shalt  }
0x72: {  	_ =	shalt  }
0x73: {  	_ =	shalt  }
0x74: {  	_ =	shalt  }
0x75: {  	_ =	shalt  }
0x76: {  	_ =	shalt  }
0x77: {  	_ =	shalt  }
0x78: {  	_ =	shalt  }
0x79: {  	_ =	shalt  }
0x7a: {  	_ =	shalt  }
0x7b: {  	_ =	shalt  }
0x7c: {  	_ =	shalt  }
0x7d: {  	_ =	shalt  }
0x7e: {  	_ =	shalt  }
0x7f: {  	_ =	shalt  }
0x80: {  	_ =	shalt  }
0x81: {  	_ =	shalt  }
0x82: {  	_ =	shalt  }
0x83: {  	_ =	shalt  }
0x84: {  	_ =	shalt  }
0x85: {  	_ =	shalt  }
0x86: {  	_ =	shalt  }
0x87: {  	_ =	shalt  }
.Lfunc_end0:
.L_simem_size_0:
called_computation.1_lowered:
.L_overlay_start_0:
0x88: {  	s2 =	sld [smem:$0x3FD9]  }
0x89: {  	s3 =	sld [smem:$0x3FFE];
	_ =	sdelay $0x1  }
0x8a: {  	s1 =	srdreg.scid  }
0x8b: {  	s0 =	sand.u32 $0x1, s1  }
0x8c: {  	s17 =	sshll.u32 s0, $0xA;
	s2 =	sadd.s32 s3, s2  }
0x8d: {  	s2 =	sadd.s32 s2, s17  }
0x8e: {  	[smem:$0x3FBE] =	sst s2  }
0x8f: {  	_ = 	snop  }
0x90: {  	s2 =	sld [smem:$0x3FD0];
	(tm) =	ssettm $0x1  }
0x91: {  	s18 =	sld [smem:$0x3FFB];
	_ =	sdelay $0x3  }
0x92: {  	_ =	strace s18  }
0x93: {  	s3 =	sld [smem:$0x3FFC];
	_ =	sdelay $0x3  }
0x94: {  	_ =	strace s3  }
0x95: {  	s3 =	sld [smem:$0x3FFD];
	_ =	sdelay $0x3  }
0x96: {  	_ =	strace s3  }
0x97: {  	_ =	strace $0x8FFFFFFF  }
0x98: {  	s19 =	sld [smem:$0x3FDB];
	_ =	sdelay $0x1  }
0x99: {  	s4 =	simm.s32 $_scs_section_size  }
0x9a: {  	s5 =	simm.s32 $_size__tile_overlayer_lowered;
	s6 =	simm.s32 $_tile_overlayer_lowered  }
0x9b: {  	s22 =	simm.s32 $0x1BFF;
	s21 =	sshll.u32 s6, $0x1;
	s3 =	sadd.s32 s4, s19  }
0x9c: {  	s7 =	simm.s32 $0x0;
	s20 =	sshll.u32 s5, $0x1;
	s5 =	sadd.s32 s21, s3  }
0x9d: {  	[timem:s7], [sflag:s22] =	dma.local [hbm:s5], s20  }
0x9e: {  	_ =	swait.ge [sflag:s22], s20  }
0x9f: {  	s4 =	ssub.s32 $0x0, s20;
	[sflag:s22] =	ssyncset.done $0x0  }
0xa0: {  	[sflag:s22] =	ssyncadd.s32 s4;
	_ =	sdelay $0x1  }
0xa1: {  	s23 =	simm.s32 $0x1B8B  }
0xa2: {  	_ =	swait.ge [sflag:s23], $0x1  }
0xa3: {  	[sflag:s23] =	ssyncset.done $0x0  }
0xa4: {  	s25 =	simm.s32 $0x1B8E;
	s24 =	sld [smem:$0x3FFE];
	[sflag:s23] =	ssyncadd.s32 $0xFFFFFFFF  }
0xa5: {  	s26 =	simm.s32 $execute0_lowered;
	[smem:$0x3FD2] =	sst s25  }
0xa6: {  	s5 =	sshll.u32 s26, $0x1;
	_ =	strace $0x80000049;
	[dreg:$0x1] =	wrdreg $0xFFFFFFFF  }
0xa7: {  	s28 =	simm.s32 $_size_execute0_lowered;
	s3 =	sadd.s32 s3, s5;
	[dreg:$0x0] =	wrdreg $0x0  }
0xa8: {  	s5 =	sshll.u32 s28, $0x1;
	[dreg:$0x2] =	wrdreg s3  }
0xa9: {  	[dreg:$0x3] =	wrdreg s5  }
0xaa: {  	[dreg:$0x4] =	wrdreg $0xC0  }
0xab: {  	_ =	task [dreg:s7], $0x5FFFF  }
0xac: {  	[dreg:$0x1] =	wrdreg $0xFFFFFFFF  }
0xad: {  	[dreg:$0x0] =	wrdreg $0x60  }
0xae: {  	[dreg:$0x2] =	wrdreg s24  }
0xaf: {  	[dreg:$0x3] =	wrdreg s2  }
0xb0: {  	[dreg:$0x4] =	wrdreg $0xA8000  }
0xb1: {  	[dreg:$0x5] =	wrdreg $0x9  }
0xb2: {  	_ =	task.clear_ibuf [dreg:s7], $0x6FFFF;
	_ =	strace $0x90000049  }
0xb3: {  	s29 =	simm.s32 $0x9;
	_ =	strace $0x8000004B  }
0xb4: {  	_ =	swait.ge [sflag:s29], $0x1  }
0xb5: {  	[sflag:s29] =	ssyncadd.s32 $0xFFFFFFFF  }
0xb6: {  	_ =	strace $0x9000004B  }
0xb7: {  	_ =	sfence  }
0xb8: {  	s30 =	sld [smem:$0x0];
	_ =	sdelay $0x2  }
0xb9: {  	s31 =	sshll.u32 s1, $0xD;
	s1 =	sshrl.u32 s1, $0x2  }
0xba: {  	s3 =	sand.u32 $0x4000, s31;
	s1 =	sadd.s32 s1, s30  }
0xbb: {  	s0 =	sor.u32 s3, s0;
	s1 =	sshll.u32 s1, $0x11  }
0xbc: {  	s0 =	sor.u32 s1, s0  }
0xbd: {  	s0 =	sadd.s32 $0x8F2B, s0  }
0xbe: {  	[sflag:s0] =	ssyncadd.remote.s32 $0x1  }
0xbf: {  	_ =	sfence.sel $0xFFFF  }
0xc0: {  	[dreg:$0x0] =	wrdreg $0xFFFFFFFF;
	(pc) =	sbr.abs _section_cstart, $3  }
0xc1: {  	[dreg:$0x1] =	wrdreg $0xFFFFFFFF  }
0xc2: {  	_ =	task.clear_ibuf [dreg:s7], $0x2FFFF;
	_ =	strace $0x9FFFFFFF  }
0xc3: {  	(tm) =	ssettm $0x7FFFFFFF  }
tec
execute0_lowered:
.L_overlay_start_1:
0x0: {  	(tag) =	ssettag $0x1  }
0x1: {  	s5 =	rddreg [dreg:$0x0]  }
0x2: {  	s10 =	rddreg [dreg:$0x1]  }
0x3: {  	s2 =	rddreg [dreg:$0x2]  }
0x4: {  	s0 =	rddreg [dreg:$0x3]  }
0x5: {  	s3 =	simm.s32 $0x0;
	s1 =	stileid.u32;
	s7 =	srdreg.scid  }
0x6: {  	s17 =	simm.s32 $0x2800;
	s18 =	simm.s32 $0x6800;
	s19 =	simm.s32 $0x1  }
0x7: {  	s20 =	simm.s32 $0x2;
	s21 =	simm.s32 $0x1380;
	s22 =	simm.s32 $0x2700  }
0x8: {  	s23 =	simm.s32 $0x2780;
	s24 =	simm.s32 $0x0;
	[smem:$0x7FF] =	sst s3  }
0x9: {  	s6 =	smul.u32 $0x14000, s1;
	s4 =	sadd.s32 $0x5E600, s5;
	s7 =	sand.u32 $0x1, s7  }
0xa: {  	s9 =	sadd.s32 $0x3E00, s5;
	s12 =	smul.u32 $0x50000, s1;
	s29 =	sshll.u32 s1, $0x6  }
0xb: {  	_ =	strace $0x8000004A;
	p0 =	seq.s32 s7, $0x1;
	s13 =	sshll.u32 s7, $0x4  }
0xc: {  	s7 =	ssub.s32 $0x2, s7;
	s6 =	sshrl.u32 s6, $0x3;
	s26 =	sor.u32 s1, s13  }
0xd: {  	s28 =	sshrl.u32 s7, $0x1;
	s12 =	sshrl.u32 s12, $0x2;
	s8 =	sadd.s32 s6, s5  }
0xe: {  	s11 =	sadd.s32 $0x28000, s6;
	s14 =	smul.u32 $0x2800, s26;
	s13 =	ssub.s32 s7, s28  }
0xf: {  	s16 =	sadd.s32 s12, s2;
	s6 =	smov.u32 @p0 s11;
	s11 =	smul.u32 $0x500, s26  }
0x10: {  	s15 =	sadd.s32 s6, s5;
	s30 =	sshrl.u32 s14, $0x3;
	s5 =	sadd.s32 $0xE600, s8  }
0x11: {  	s6 =	sor.u32 $0x1C03, s29;
	s14 =	simm.s32 $0x3;
	s31 =	sadd.s32 $0x280, s30  }
0x12: {  	s7 =	sadd.s32 s9, s11;
	s8 =	sadd.s32 s10, s11;
	s11 =	smax.u32 s13, $0x1  }
0x13: {  	s12 =	sadd.s32 $0xAE600, s15;
	s13 =	sshrl.u32 s16, $0x3;
	s15 =	simm.s32 $0x1400  }
0x14: {  	s16 =	simm.s32 $0x80;
	s9 =	sadd.s32 s9, s31;
	s10 =	sadd.s32 s10, s31  }
.LBB2_1:
0x15: {  	[spmem:s13], [sflag:s6] =	dma.local [hbm:s5], $0x2800  }
0x16: {  	_ =	swait.ge [sflag:s14], $0x2800  }
0x17: {  	[sflag:s14] =	ssyncset.done $0x0  }
0x18: {  	[sflag:s14] =	ssyncadd.s32 $0xFFFFD800  }
0x19: {  	[bflag:$0x0] =	sbarrier.arrive $0xFFFF  }
0x1a: {  	[tilespmem:s3], [sflag:$0x3] =	stream.linear.gather [hbm4b:s7+s3], $0x1400, $0x38;
	[tilespmem:$0x1E800] =	vst v63  }
0x1b: {  	_ =	swait.ge [sflag:s14], $0x1400  }
0x1c: {  	[sflag:s14] =	ssyncset.done $0x0  }
0x1d: {  	[sflag:s14] =	ssyncadd.s32 $0xFFFFEC00  }
0x1e: {  	[tilespmem:s15], [sflag:$0x3] =	stream.linear.gather [hbm4b:s8+s3], $0x1400, $0x38;
	[tilespmem:$0x1E800] =	vst v63  }
0x1f: {  	_ =	swait.ge [sflag:s14], $0x1400  }
0x20: {  	[sflag:s14] =	ssyncset.done $0x0  }
0x21: {  	[sflag:s14] =	ssyncadd.s32 $0xFFFFEC00  }
0x22: {  	[tilespmem:s17], [sflag:$0x1] =	stream.indirect.gather [hbm4b:s4+s16], $0x80, s3, s16, $0xb8;
	[tilespmem:$0x1E800] =	vst v63  }
0x23: {  	s25 =	simm.s32 $0x80  }
0x24: {  	[tilespmem:s18], [sflag:$0x2] =	stream.indirect.gather [hbm4b:s4+s16], $0x80, s25, s16, $0xb8;
	[tilespmem:$0x1E800] =	vst v63  }
0x25: {  	_ =	swait.ge [sflag:s19], $0x4000  }
0x26: {  	[sflag:s19] =	ssyncset.done $0x0  }
0x27: {  	s29 =	simm.s32 $0x1400;
	[sflag:s19] =	ssyncadd.s32 $0xFFFFC000  }
0x28: {  	[spmem:s2] =	stream.indirect.scatter.add.f32 [tilespmem:s17], [sflag:$0x3], $0x80, s29, s16, $0xb8;
	[tilespmem:$0x1E800] =	vst v63  }
0x29: {  	_ =	swait.ge [sflag:s14], $0x4000  }
0x2a: {  	[sflag:s14] =	ssyncset.done $0x0  }
0x2b: {  	s30 =	simm.s32 $0x100;
	[sflag:s14] =	ssyncadd.s32 $0xFFFFC000  }
0x2c: {  	[tilespmem:s17], [sflag:$0x1] =	stream.indirect.gather [hbm4b:s4+s16], $0x80, s30, s16, $0xb8;
	[tilespmem:$0x1E800] =	vst v63  }
0x2d: {  	_ =	swait.ge [sflag:s20], $0x4000  }
0x2e: {  	[sflag:s20] =	ssyncset.done $0x0  }
0x2f: {  	s31 =	simm.s32 $0x1480;
	[sflag:s20] =	ssyncadd.s32 $0xFFFFC000  }
0x30: {  	[spmem:s2] =	stream.indirect.scatter.add.f32 [tilespmem:s18], [sflag:$0x3], $0x80, s31, s16, $0xb8;
	[tilespmem:$0x1E800] =	vst v63  }
0x31: {  	_ =	swait.ge [sflag:s14], $0x4000  }
0x32: {  	s26 =	simm.s32 $0x800;
	s25 =	simm.s32 $0x100;
	[sflag:s14] =	ssyncset.done $0x0  }
.LBB2_2:
0x33: {  	s28 =	sadd.s32 $0x80, s25  }
0x34: {  	[sflag:s14] =	ssyncadd.s32 $0xFFFFC000;
	s29 =	smov.u32 s26;
	s30 =	sadd.s32 $0x400, s26  }
0x35: {  	[tilespmem:s18], [sflag:$0x2] =	stream.indirect.gather [hbm4b:s4+s16], $0x80, s28, s16, $0xb8;
	[tilespmem:$0x1E800] =	vst v63  }
0x36: {  	p0 =	sne.s32 s26, $0x4800;
	_ =	swait.ge [sflag:s19], $0x4000  }
0x37: {  	[sflag:s19] =	ssyncset.done $0x0  }
0x38: {  	s26 =	sadd.s32 $0x1400, s25;
	[sflag:s19] =	ssyncadd.s32 $0xFFFFC000  }
0x39: {  	[spmem:s2] =	stream.indirect.scatter.add.f32 [tilespmem:s17], [sflag:$0x3], $0x80, s26, s16, $0xb8;
	[tilespmem:$0x1E800] =	vst v63  }
0x3a: {  	_ =	swait.ge [sflag:s14], $0x4000  }
0x3b: {  	[sflag:s14] =	ssyncset.done $0x0  }
0x3c: {  	s26 =	sadd.s32 $0x100, s25;
	[sflag:s14] =	ssyncadd.s32 $0xFFFFC000  }
0x3d: {  	[tilespmem:s17], [sflag:$0x1] =	stream.indirect.gather [hbm4b:s4+s16], $0x80, s26, s16, $0xb8;
	[tilespmem:$0x1E800] =	vst v63  }
0x3e: {  	_ =	swait.ge [sflag:s20], $0x4000  }
.Ltmp0:
0x3f: {  	[sflag:s20] =	ssyncset.done $0x0;
	(pc) =	sbr.rel @p0 .LBB2_2-.Ltmp0, $4  }
0x40: {  	s25 =	sadd.s32 $0x1480, s25;
	[sflag:s20] =	ssyncadd.s32 $0xFFFFC000  }
0x41: {  	[spmem:s2] =	stream.indirect.scatter.add.f32 [tilespmem:s18], [sflag:$0x3], $0x80, s25, s16, $0xb8;
	[tilespmem:$0x1E800] =	vst v63  }
0x42: {  	_ =	swait.ge [sflag:s14], $0x4000  }
0x43: {  	s26 =	smov.u32 s30;
	s25 =	sshra.s32 s29, $0x2;
	[sflag:s14] =	ssyncset.done $0x0  }
0x44: {  	s26 =	sadd.s32 $0x80, s25;
	[sflag:s14] =	ssyncadd.s32 $0xFFFFC000  }
0x45: {  	[tilespmem:s18], [sflag:$0x2] =	stream.indirect.gather [hbm4b:s4+s16], $0x80, s26, s16, $0xb8;
	[tilespmem:$0x1E800] =	vst v63  }
0x46: {  	_ =	swait.ge [sflag:s19], $0x4000  }
0x47: {  	[sflag:s19] =	ssyncset.done $0x0  }
0x48: {  	s29 =	sadd.s32 $0x1400, s25;
	[sflag:s19] =	ssyncadd.s32 $0xFFFFC000  }
0x49: {  	[spmem:s2] =	stream.indirect.scatter.add.f32 [tilespmem:s17], [sflag:$0x3], $0x80, s29, s16, $0xb8;
	[tilespmem:$0x1E800] =	vst v63  }
0x4a: {  	_ =	swait.ge [sflag:s14], $0x4000  }
0x4b: {  	[sflag:s14] =	ssyncset.done $0x0  }
0x4c: {  	s30 =	sadd.s32 $0x100, s25;
	[sflag:s14] =	ssyncadd.s32 $0xFFFFC000  }
0x4d: {  	[tilespmem:s17], [sflag:$0x1] =	stream.indirect.gather [hbm4b:s4+s16], $0x80, s30, s16, $0xb8;
	[tilespmem:$0x1E800] =	vst v63  }
0x4e: {  	_ =	swait.ge [sflag:s20], $0x4000  }
0x4f: {  	[sflag:s20] =	ssyncset.done $0x0  }
0x50: {  	s31 =	sadd.s32 $0x1480, s25;
	[sflag:s20] =	ssyncadd.s32 $0xFFFFC000  }
0x51: {  	[spmem:s2] =	stream.indirect.scatter.add.f32 [tilespmem:s18], [sflag:$0x3], $0x80, s31, s16, $0xb8;
	[tilespmem:$0x1E800] =	vst v63  }
0x52: {  	_ =	swait.ge [sflag:s14], $0x4000  }
0x53: {  	[sflag:s14] =	ssyncset.done $0x0  }
0x54: {  	[sflag:s14] =	ssyncadd.s32 $0xFFFFC000  }
0x55: {  	[tilespmem:s18], [sflag:$0x2] =	stream.indirect.gather [hbm4b:s4+s16], $0x80, s21, s16, $0xb8;
	[tilespmem:$0x1E800] =	vst v63  }
0x56: {  	_ =	swait.ge [sflag:s19], $0x4000  }
0x57: {  	[sflag:s19] =	ssyncset.done $0x0  }
0x58: {  	[sflag:s19] =	ssyncadd.s32 $0xFFFFC000  }
0x59: {  	[spmem:s2] =	stream.indirect.scatter.add.f32 [tilespmem:s17], [sflag:$0x3], $0x80, s22, s16, $0xb8;
	[tilespmem:$0x1E800] =	vst v63  }
0x5a: {  	_ =	swait.ge [sflag:s14], $0x4000  }
0x5b: {  	[sflag:s14] =	ssyncset.done $0x0  }
0x5c: {  	[sflag:s14] =	ssyncadd.s32 $0xFFFFC000  }
0x5d: {  	_ =	swait.ge [sflag:s20], $0x4000  }
0x5e: {  	[sflag:s20] =	ssyncset.done $0x0  }
0x5f: {  	[sflag:s20] =	ssyncadd.s32 $0xFFFFC000  }
0x60: {  	[spmem:s2] =	stream.indirect.scatter.add.f32 [tilespmem:s18], [sflag:$0x3], $0x80, s23, s16, $0xb8;
	[tilespmem:$0x1E800] =	vst v63  }
0x61: {  	_ =	swait.ge [sflag:s14], $0x4000  }
0x62: {  	[sflag:s14] =	ssyncset.done $0x0  }
0x63: {  	s26 =	simm.s32 $0x0;
	[sflag:s14] =	ssyncadd.s32 $0xFFFFC000  }
0x64: {  	[tilespmem:s26], [sflag:$0x3] =	stream.linear.gather [hbm4b:s9+s26], $0x1400, $0x38;
	[tilespmem:$0x1E800] =	vst v63  }
0x65: {  	_ =	swait.ge [sflag:s14], $0x1400  }
0x66: {  	[sflag:s14] =	ssyncset.done $0x0  }
0x67: {  	[sflag:s14] =	ssyncadd.s32 $0xFFFFEC00  }
0x68: {  	[tilespmem:s15], [sflag:$0x3] =	stream.linear.gather [hbm4b:s10+s26], $0x1400, $0x38;
	[tilespmem:$0x1E800] =	vst v63  }
0x69: {  	_ =	swait.ge [sflag:s14], $0x1400  }
0x6a: {  	[sflag:s14] =	ssyncset.done $0x0  }
0x6b: {  	[sflag:s14] =	ssyncadd.s32 $0xFFFFEC00  }
0x6c: {  	[tilespmem:s17], [sflag:$0x1] =	stream.indirect.gather [hbm4b:s4+s16], $0x80, s26, s16, $0xb8;
	[tilespmem:$0x1E800] =	vst v63  }
0x6d: {  	s28 =	simm.s32 $0x80  }
0x6e: {  	[tilespmem:s18], [sflag:$0x2] =	stream.indirect.gather [hbm4b:s4+s16], $0x80, s28, s16, $0xb8;
	[tilespmem:$0x1E800] =	vst v63  }
0x6f: {  	_ =	swait.ge [sflag:s19], $0x4000  }
0x70: {  	[sflag:s19] =	ssyncset.done $0x0  }
0x71: {  	s29 =	simm.s32 $0x1400;
	[sflag:s19] =	ssyncadd.s32 $0xFFFFC000  }
0x72: {  	[spmem:s2] =	stream.indirect.scatter.add.f32 [tilespmem:s17], [sflag:$0x3], $0x80, s29, s16, $0xb8;
	[tilespmem:$0x1E800] =	vst v63  }
0x73: {  	_ =	swait.ge [sflag:s14], $0x4000  }
0x74: {  	[sflag:s14] =	ssyncset.done $0x0  }
0x75: {  	s30 =	simm.s32 $0x100;
	[sflag:s14] =	ssyncadd.s32 $0xFFFFC000  }
0x76: {  	[tilespmem:s17], [sflag:$0x1] =	stream.indirect.gather [hbm4b:s4+s16], $0x80, s30, s16, $0xb8;
	[tilespmem:$0x1E800] =	vst v63  }
0x77: {  	_ =	swait.ge [sflag:s20], $0x4000  }
0x78: {  	[sflag:s20] =	ssyncset.done $0x0  }
0x79: {  	s31 =	simm.s32 $0x1480;
	[sflag:s20] =	ssyncadd.s32 $0xFFFFC000  }
0x7a: {  	[spmem:s2] =	stream.indirect.scatter.add.f32 [tilespmem:s18], [sflag:$0x3], $0x80, s31, s16, $0xb8;
	[tilespmem:$0x1E800] =	vst v63  }
0x7b: {  	_ =	swait.ge [sflag:s14], $0x4000  }
0x7c: {  	s25 =	simm.s32 $0x100;
	s26 =	simm.s32 $0x800;
	[sflag:s14] =	ssyncset.done $0x0  }
.LBB2_4:
0x7d: {  	s28 =	sadd.s32 $0x80, s25  }
0x7e: {  	[sflag:s14] =	ssyncadd.s32 $0xFFFFC000;
	s29 =	smov.u32 s26;
	s30 =	sadd.s32 $0x400, s26  }
0x7f: {  	[tilespmem:s18], [sflag:$0x2] =	stream.indirect.gather [hbm4b:s4+s16], $0x80, s28, s16, $0xb8;
	[tilespmem:$0x1E800] =	vst v63  }
0x80: {  	p0 =	sne.s32 s26, $0x4800;
	_ =	swait.ge [sflag:s19], $0x4000  }
0x81: {  	[sflag:s19] =	ssyncset.done $0x0  }
0x82: {  	s26 =	sadd.s32 $0x1400, s25;
	[sflag:s19] =	ssyncadd.s32 $0xFFFFC000  }
0x83: {  	[spmem:s2] =	stream.indirect.scatter.add.f32 [tilespmem:s17], [sflag:$0x3], $0x80, s26, s16, $0xb8;
	[tilespmem:$0x1E800] =	vst v63  }
0x84: {  	_ =	swait.ge [sflag:s14], $0x4000  }
0x85: {  	[sflag:s14] =	ssyncset.done $0x0  }
0x86: {  	s26 =	sadd.s32 $0x100, s25;
	[sflag:s14] =	ssyncadd.s32 $0xFFFFC000  }
0x87: {  	[tilespmem:s17], [sflag:$0x1] =	stream.indirect.gather [hbm4b:s4+s16], $0x80, s26, s16, $0xb8;
	[tilespmem:$0x1E800] =	vst v63  }
0x88: {  	_ =	swait.ge [sflag:s20], $0x4000  }
.Ltmp1:
0x89: {  	[sflag:s20] =	ssyncset.done $0x0;
	(pc) =	sbr.rel @p0 .LBB2_4-.Ltmp1, $4  }
0x8a: {  	s25 =	sadd.s32 $0x1480, s25;
	[sflag:s20] =	ssyncadd.s32 $0xFFFFC000  }
0x8b: {  	[spmem:s2] =	stream.indirect.scatter.add.f32 [tilespmem:s18], [sflag:$0x3], $0x80, s25, s16, $0xb8;
	[tilespmem:$0x1E800] =	vst v63  }
0x8c: {  	_ =	swait.ge [sflag:s14], $0x4000  }
0x8d: {  	s26 =	smov.u32 s30;
	s25 =	sshra.s32 s29, $0x2;
	[sflag:s14] =	ssyncset.done $0x0  }
0x8e: {  	s26 =	sadd.s32 $0x80, s25;
	[sflag:s14] =	ssyncadd.s32 $0xFFFFC000  }
0x8f: {  	[tilespmem:s18], [sflag:$0x2] =	stream.indirect.gather [hbm4b:s4+s16], $0x80, s26, s16, $0xb8;
	[tilespmem:$0x1E800] =	vst v63  }
0x90: {  	_ =	swait.ge [sflag:s19], $0x4000  }
0x91: {  	[sflag:s19] =	ssyncset.done $0x0  }
0x92: {  	s29 =	sadd.s32 $0x1400, s25;
	[sflag:s19] =	ssyncadd.s32 $0xFFFFC000  }
0x93: {  	[spmem:s2] =	stream.indirect.scatter.add.f32 [tilespmem:s17], [sflag:$0x3], $0x80, s29, s16, $0xb8;
	[tilespmem:$0x1E800] =	vst v63  }
0x94: {  	_ =	swait.ge [sflag:s14], $0x4000  }
0x95: {  	[sflag:s14] =	ssyncset.done $0x0  }
0x96: {  	s30 =	sadd.s32 $0x100, s25;
	[sflag:s14] =	ssyncadd.s32 $0xFFFFC000  }
0x97: {  	[tilespmem:s17], [sflag:$0x1] =	stream.indirect.gather [hbm4b:s4+s16], $0x80, s30, s16, $0xb8;
	[tilespmem:$0x1E800] =	vst v63  }
0x98: {  	_ =	swait.ge [sflag:s20], $0x4000  }
0x99: {  	[sflag:s20] =	ssyncset.done $0x0  }
0x9a: {  	s31 =	sadd.s32 $0x1480, s25;
	[sflag:s20] =	ssyncadd.s32 $0xFFFFC000  }
0x9b: {  	[spmem:s2] =	stream.indirect.scatter.add.f32 [tilespmem:s18], [sflag:$0x3], $0x80, s31, s16, $0xb8;
	[tilespmem:$0x1E800] =	vst v63  }
0x9c: {  	_ =	swait.ge [sflag:s14], $0x4000  }
0x9d: {  	[sflag:s14] =	ssyncset.done $0x0  }
0x9e: {  	[sflag:s14] =	ssyncadd.s32 $0xFFFFC000  }
0x9f: {  	[tilespmem:s18], [sflag:$0x2] =	stream.indirect.gather [hbm4b:s4+s16], $0x80, s21, s16, $0xb8;
	[tilespmem:$0x1E800] =	vst v63  }
0xa0: {  	_ =	swait.ge [sflag:s19], $0x4000  }
0xa1: {  	[sflag:s19] =	ssyncset.done $0x0  }
0xa2: {  	[sflag:s19] =	ssyncadd.s32 $0xFFFFC000  }
0xa3: {  	[spmem:s2] =	stream.indirect.scatter.add.f32 [tilespmem:s17], [sflag:$0x3], $0x80, s22, s16, $0xb8;
	[tilespmem:$0x1E800] =	vst v63  }
0xa4: {  	_ =	swait.ge [sflag:s14], $0x4000  }
0xa5: {  	[sflag:s14] =	ssyncset.done $0x0  }
0xa6: {  	[sflag:s14] =	ssyncadd.s32 $0xFFFFC000  }
0xa7: {  	_ =	swait.ge [sflag:s20], $0x4000  }
0xa8: {  	[sflag:s20] =	ssyncset.done $0x0  }
0xa9: {  	[sflag:s20] =	ssyncadd.s32 $0xFFFFC000  }
0xaa: {  	[spmem:s2] =	stream.indirect.scatter.add.f32 [tilespmem:s18], [sflag:$0x3], $0x80, s23, s16, $0xb8;
	[tilespmem:$0x1E800] =	vst v63  }
0xab: {  	_ =	swait.ge [sflag:s14], $0x4000  }
0xac: {  	s24 =	sadd.s32 $0x1, s24;
	[sflag:s14] =	ssyncset.done $0x0  }
0xad: {  	p0 =	sne.s32 s24, s11;
	[sflag:s14] =	ssyncadd.s32 $0xFFFFC000  }
.Ltmp2:
0xae: {  	[bflag:$0x0] =	sbarrier.arrive $0xFFFF;
	(pc) =	sbr.rel @p0 .LBB2_1-.Ltmp2, $4  }
0xaf: {  	[hbm:s12], [sflag:s6] =	dma.local [spmem:s13], $0x2800  }
0xb0: {  	_ =	swait.ge [sflag:s14], $0x2800  }
0xb1: {  	[sflag:s14] =	ssyncset.done $0x0  }
0xb2: {  	[sflag:s14] =	ssyncadd.s32 $0xFFFFD800  }
0xb3: {  	_ =	sfence.sel $0x180000  }
0xb4: {  	[bflag:$0x0] =	sbarrier.arrive $0xFFFF  }
0xb5: {  	p0 =	sne.s32 s1, $0x0;
	_ =	strace $0x9000004A  }
0xb6: {  	s0 =	sadd.s32 @!p0 $0x100000, s0;
	[bflag:$0x2] =	sbarrier.arrive $0xFFFF  }
0xb7: {  	[sflag:s0] =	ssyncadd.tile.s32 @!p0 $0x1;
	_ =	shalt  }
.Lfunc_end2:
_tile_overlayer_lowered:
.L_overlay_start_2:
0xb8: {  	(tag) =	ssettag $0x2  }
0xb9: {  	s0 =	rddreg [dreg:$0x0];
	s2 =	stileid.u32  }
0xba: {  	s1 =	rddreg [dreg:$0x1];
	p0 =	sne.s32 s2, $0x0  }
0xbb: {  	s3 =	rddreg [dreg:$0x2];
	[bflag:$0x3] =	sbarrier.arrive $0xFFFF;
	s2 =	simm.s32 @!p0 $0x1C03  }
0xbc: {  	[timem:s3], [sflag:s2] =	dma.local @!p0 [hbm:s0], s1  }
0xbd: {  	s0 =	simm.s32 @!p0 $0x3  }
0xbe: {  	_ =	swait.ge @!p0 [sflag:s0], s1  }
0xbf: {  	s1 =	ssub.s32 @!p0 $0x0, s1;
	[sflag:s0] =	ssyncset.done @!p0 $0x0  }
0xc0: {  	[sflag:s0] =	ssyncadd.s32 @!p0 s1  }
0xc1: {  	[bflag:$0x3] =	sbarrier.arrive $0xFFFF  }
0xc2: {  	_ =	shalt  }

// kernel: kernel.16.cloned.1.call-start
scs
__scs_entry_jumppad:
0x0: {  	(pc) =	sbr.rel $0x88, $3  }
0x1: {  	(tag) =	ssettag $0x0;
	lr =	simm.s32 $0x1  }
0x2: {  	[smem:$0x3F97] =	sst lr;
	_ =	strace $0xD0000000  }
0x3: {  	_ = 	snop  }
0x4: {  	_ = 	snop  }
0x5: {  	_ = 	snop  }
0x6: {  	_ = 	snop  }
0x7: {  	_ = 	snop  }
__scs_overlays_trampoline_lowered:
0x8: {  	[smem:$0x3FA6] =	sst s0  }
0x9: {  	[smem:$0x3FA7] =	sst s1  }
0xa: {  	[smem:$0x3FA8] =	sst s2  }
0xb: {  	[smem:$0x3FA9] =	sst s3  }
0xc: {  	[smem:$0x3FAA] =	sst s4  }
0xd: {  	[smem:$0x3FAB] =	sst s5  }
0xe: {  	[smem:$0x3FAC] =	sst s6  }
0xf: {  	[smem:$0x3FAD] =	sst s7  }
0x10: {  	[smem:$0x3FAE] =	sst s8  }
0x11: {  	[smem:$0x3FAF] =	sst s9;
	s0 =	simm.s32 @!p0 $0x0  }
0x12: {  	s1 =	sld [smem:$0x3F95];
	s0 =	simm.s32 @p0 $0x1  }
0x13: {  	[smem:$0x3FB0] =	sst s0;
	s0 =	simm.s32 @!p1 $0x0  }
0x14: {  	s2 =	sld [smem:$0x3F94];
	s0 =	simm.s32 @p1 $0x1  }
0x15: {  	[smem:$0x3FB1] =	sst s0;
	s0 =	simm.s32 @!p2 $0x0  }
0x16: {  	s3 =	sld [smem:$0x3FDB];
	s0 =	simm.s32 @p2 $0x1  }
0x17: {  	s4 =	simm.s32 $0x1BF5;
	[smem:$0x3FB3] =	sst s0  }
0x18: {  	s0 =	sld [smem:$0x3F96];
	_ =	swait.ge [sflag:s4], $0x0  }
0x19: {  	s7 =	sld [smem:$0x3F97]  }
0x1a: {  	s8 =	sadd.s32 $0xFFFFE003, lr  }
0x1b: {  	s9 =	sadd.s32 $0xFFFFFEF7, lr;
	s5 =	simm.s32 $0xFFFFFFFF;
	p2 =	slt.u32 s8, $0xFFFFF086  }
0x1c: {  	p1 =	slt.u32 s9, $0xF7A;
	s5 =	simm.s32 @!p2 $0x0  }
0x1d: {  	s5 =	simm.s32 @p1 $0x1;
	p0 =	seq.s32 s7, s2  }
0x1e: {  	s7 =	smul.u32 @!p0 $0xF7A, s2;
	p2 =	seq.s32 @!p0 s5, $0x0  }
0x1f: {  	s9 =	smul.u32 $0xF7A, s1;
	s8 =	simm.s32 @!p0 $0x1BF5;
	p2 =	por !p2, p0  }
0x20: {  	[sflag:s8] =	ssyncset.s32 @!p0 $0xFFFFF086;
	s6 =	sadd.s32 @!p0 s3, s7;
	s7 =	simm.s32 @!p0 $0x108  }
0x21: {  	s3 =	sadd.s32 s3, s9;
	s6 =	sadd.s32 @!p0 $0x88, s6;
	s7 =	simm.s32 @p2 $0x1082  }
0x22: {  	[simem:s7], [sflag:s8] =	dma.local @!p0 [hbm:s6], $0xF7A  }
0x23: {  	s9 =	sor.u32 $0xD0000000, s2;
	s6 =	simm.s32 $0x108;
	_ =	swait.ge @!p0 [sflag:s8], $0x0  }
0x24: {  	s3 =	sadd.s32 $0x88, s3;
	s6 =	simm.s32 @!p1 $0x1082;
	[sflag:s4] =	ssyncset.s32 $0xFFFFF086  }
0x25: {  	[simem:s6], [sflag:s4] =	dma.local [hbm:s3], $0xF7A  }
0x26: {  	[smem:$0x3F97] =	sst s1;
	(tag) =	ssettag s2;
	_ =	strace s9  }
0x27: {  	s1 =	sld [smem:$0x3FA7]  }
0x28: {  	s2 =	sld [smem:$0x3FA8]  }
0x29: {  	s4 =	sld [smem:$0x3FAA]  }
0x2a: {  	p0 =	seq.s32 s5, $0x0;
	s5 =	sld [smem:$0x3FAB]  }
0x2b: {  	s6 =	sld [smem:$0x3FAC]  }
0x2c: {  	s7 =	sld [smem:$0x3FAD]  }
0x2d: {  	s3 =	simm.s32 $0x108;
	s8 =	sld [smem:$0x3FAE]  }
0x2e: {  	s3 =	simm.s32 @!p0 $0x1082;
	s9 =	sld [smem:$0x3FAF]  }
0x2f: {  	lr =	sadd.s32 s0, s3;
	s0 =	sld [smem:$0x3FA6]  }
0x30: {  	s3 =	sld [smem:$0x3FA9]  }
0x31: {  	[smem:$0x3FB2] =	sst s10  }
0x32: {  	s10 =	sld [smem:$0x3FB0];
	_ =	sdelay $0x3  }
0x33: {  	p0 =	seq.s32 s10, $0x1;
	s10 =	sld [smem:$0x3FB2];
	_ =	sdelay $0x3  }
0x34: {  	[smem:$0x3FB2] =	sst s10  }
0x35: {  	s10 =	sld [smem:$0x3FB1];
	_ =	sdelay $0x3  }
0x36: {  	p1 =	seq.s32 s10, $0x1;
	s10 =	sld [smem:$0x3FB2];
	_ =	sdelay $0x3  }
0x37: {  	[smem:$0x3FB2] =	sst s10  }
0x38: {  	s10 =	sld [smem:$0x3FB3]  }
0x39: {  	_ = 	snop;
	(pc) =	sbr.ind lr, $3  }
0x3a: {  	_ = 	snop  }
0x3b: {  	_ = 	snop  }
0x3c: {  	p2 =	seq.s32 s10, $0x1;
	s10 =	sld [smem:$0x3FB2]  }
0x3d: {  	_ =	shalt  }
0x3e: {  	_ =	shalt  }
0x3f: {  	_ =	shalt  }
0x40: {  	_ =	shalt  }
0x41: {  	_ =	shalt  }
0x42: {  	_ =	shalt  }
0x43: {  	_ =	shalt  }
0x44: {  	_ =	shalt  }
0x45: {  	_ =	shalt  }
0x46: {  	_ =	shalt  }
0x47: {  	_ =	shalt  }
0x48: {  	_ =	shalt  }
0x49: {  	_ =	shalt  }
0x4a: {  	_ =	shalt  }
0x4b: {  	_ =	shalt  }
0x4c: {  	_ =	shalt  }
0x4d: {  	_ =	shalt  }
0x4e: {  	_ =	shalt  }
0x4f: {  	_ =	shalt  }
0x50: {  	_ =	shalt  }
0x51: {  	_ =	shalt  }
0x52: {  	_ =	shalt  }
0x53: {  	_ =	shalt  }
0x54: {  	_ =	shalt  }
0x55: {  	_ =	shalt  }
0x56: {  	_ =	shalt  }
0x57: {  	_ =	shalt  }
0x58: {  	_ =	shalt  }
0x59: {  	_ =	shalt  }
0x5a: {  	_ =	shalt  }
0x5b: {  	_ =	shalt  }
0x5c: {  	_ =	shalt  }
0x5d: {  	_ =	shalt  }
0x5e: {  	_ =	shalt  }
0x5f: {  	_ =	shalt  }
0x60: {  	_ =	shalt  }
0x61: {  	_ =	shalt  }
0x62: {  	_ =	shalt  }
0x63: {  	_ =	shalt  }
0x64: {  	_ =	shalt  }
0x65: {  	_ =	shalt  }
0x66: {  	_ =	shalt  }
0x67: {  	_ =	shalt  }
0x68: {  	_ =	shalt  }
0x69: {  	_ =	shalt  }
0x6a: {  	_ =	shalt  }
0x6b: {  	_ =	shalt  }
0x6c: {  	_ =	shalt  }
0x6d: {  	_ =	shalt  }
0x6e: {  	_ =	shalt  }
0x6f: {  	_ =	shalt  }
0x70: {  	_ =	shalt  }
0x71: {  	_ =	shalt  }
0x72: {  	_ =	shalt  }
0x73: {  	_ =	shalt  }
0x74: {  	_ =	shalt  }
0x75: {  	_ =	shalt  }
0x76: {  	_ =	shalt  }
0x77: {  	_ =	shalt  }
0x78: {  	_ =	shalt  }
0x79: {  	_ =	shalt  }
0x7a: {  	_ =	shalt  }
0x7b: {  	_ =	shalt  }
0x7c: {  	_ =	shalt  }
0x7d: {  	_ =	shalt  }
0x7e: {  	_ =	shalt  }
0x7f: {  	_ =	shalt  }
0x80: {  	_ =	shalt  }
0x81: {  	_ =	shalt  }
0x82: {  	_ =	shalt  }
0x83: {  	_ =	shalt  }
0x84: {  	_ =	shalt  }
0x85: {  	_ =	shalt  }
0x86: {  	_ =	shalt  }
0x87: {  	_ =	shalt  }
.Lfunc_end0:
.L_simem_size_0:
called_computation.2_lowered:
.L_overlay_start_0:
0x88: {  	s2 =	sld [smem:$0x3FD9]  }
0x89: {  	s3 =	sld [smem:$0x3FFE];
	_ =	sdelay $0x1  }
0x8a: {  	s1 =	srdreg.scid  }
0x8b: {  	s0 =	sand.u32 $0x1, s1  }
0x8c: {  	s17 =	sshll.u32 s0, $0xA;
	s2 =	sadd.s32 s3, s2  }
0x8d: {  	s2 =	sadd.s32 s2, s17  }
0x8e: {  	[smem:$0x3FBE] =	sst s2  }
0x8f: {  	_ = 	snop  }
0x90: {  	s2 =	sld [smem:$0x3FD0];
	(tm) =	ssettm $0x1  }
0x91: {  	s18 =	sld [smem:$0x3FFB];
	_ =	sdelay $0x3  }
0x92: {  	_ =	strace s18  }
0x93: {  	s3 =	sld [smem:$0x3FFC];
	_ =	sdelay $0x3  }
0x94: {  	_ =	strace s3  }
0x95: {  	s3 =	sld [smem:$0x3FFD];
	_ =	sdelay $0x3  }
0x96: {  	_ =	strace s3  }
0x97: {  	_ =	strace $0x8FFFFFFF  }
0x98: {  	s19 =	sld [smem:$0x3FDB];
	_ =	sdelay $0x1  }
0x99: {  	s4 =	simm.s32 $_scs_section_size  }
0x9a: {  	s5 =	simm.s32 $_size__tile_overlayer_lowered;
	s6 =	simm.s32 $_tile_overlayer_lowered  }
0x9b: {  	s22 =	simm.s32 $0x1BFF;
	s21 =	sshll.u32 s6, $0x1;
	s3 =	sadd.s32 s4, s19  }
0x9c: {  	s7 =	simm.s32 $0x0;
	s20 =	sshll.u32 s5, $0x1;
	s5 =	sadd.s32 s21, s3  }
0x9d: {  	[timem:s7], [sflag:s22] =	dma.local [hbm:s5], s20  }
0x9e: {  	_ =	swait.ge [sflag:s22], s20  }
0x9f: {  	s4 =	ssub.s32 $0x0, s20;
	[sflag:s22] =	ssyncset.done $0x0  }
0xa0: {  	[sflag:s22] =	ssyncadd.s32 s4;
	_ =	sdelay $0x1  }
0xa1: {  	s23 =	simm.s32 $0x1B8B  }
0xa2: {  	_ =	swait.ge [sflag:s23], $0x1  }
0xa3: {  	[sflag:s23] =	ssyncset.done $0x0  }
0xa4: {  	s25 =	simm.s32 $0x1B8E;
	s24 =	sld [smem:$0x3FFE];
	[sflag:s23] =	ssyncadd.s32 $0xFFFFFFFF  }
0xa5: {  	s26 =	simm.s32 $execute0_lowered;
	[smem:$0x3FD2] =	sst s25  }
0xa6: {  	s5 =	sshll.u32 s26, $0x1;
	_ =	strace $0x8000004C;
	[dreg:$0x1] =	wrdreg $0xFFFFFFFF  }
0xa7: {  	s28 =	simm.s32 $_size_execute0_lowered;
	s3 =	sadd.s32 s3, s5;
	[dreg:$0x0] =	wrdreg $0x0  }
0xa8: {  	s5 =	sshll.u32 s28, $0x1;
	[dreg:$0x2] =	wrdreg s3  }
0xa9: {  	[dreg:$0x3] =	wrdreg s5  }
0xaa: {  	[dreg:$0x4] =	wrdreg $0xC0  }
0xab: {  	_ =	task [dreg:s7], $0x5FFFF  }
0xac: {  	[dreg:$0x1] =	wrdreg $0xFFFFFFFF  }
0xad: {  	[dreg:$0x0] =	wrdreg $0x60  }
0xae: {  	[dreg:$0x2] =	wrdreg s24  }
0xaf: {  	[dreg:$0x3] =	wrdreg s2  }
0xb0: {  	[dreg:$0x4] =	wrdreg $0xA8000  }
0xb1: {  	[dreg:$0x5] =	wrdreg $0x9  }
0xb2: {  	_ =	task.clear_ibuf [dreg:s7], $0x6FFFF;
	_ =	strace $0x9000004C  }
0xb3: {  	s29 =	simm.s32 $0x9;
	_ =	strace $0x8000004E  }
0xb4: {  	_ =	swait.ge [sflag:s29], $0x1  }
0xb5: {  	[sflag:s29] =	ssyncadd.s32 $0xFFFFFFFF  }
0xb6: {  	_ =	strace $0x9000004E  }
0xb7: {  	_ =	sfence  }
0xb8: {  	s30 =	sld [smem:$0x0];
	_ =	sdelay $0x2  }
0xb9: {  	s31 =	sshll.u32 s1, $0xD;
	s1 =	sshrl.u32 s1, $0x2  }
0xba: {  	s3 =	sand.u32 $0x4000, s31;
	s1 =	sadd.s32 s1, s30  }
0xbb: {  	s0 =	sor.u32 s3, s0;
	s1 =	sshll.u32 s1, $0x11  }
0xbc: {  	s0 =	sor.u32 s1, s0  }
0xbd: {  	s0 =	sadd.s32 $0x8F2B, s0  }
0xbe: {  	[sflag:s0] =	ssyncadd.remote.s32 $0x1  }
0xbf: {  	_ =	sfence.sel $0xFFFF  }
0xc0: {  	[dreg:$0x0] =	wrdreg $0xFFFFFFFF;
	(pc) =	sbr.abs _section_cstart, $3  }
0xc1: {  	[dreg:$0x1] =	wrdreg $0xFFFFFFFF  }
0xc2: {  	_ =	task.clear_ibuf [dreg:s7], $0x2FFFF;
	_ =	strace $0x9FFFFFFF  }
0xc3: {  	(tm) =	ssettm $0x7FFFFFFF  }
tec
execute0_lowered:
.L_overlay_start_1:
0x0: {  	(tag) =	ssettag $0x1  }
0x1: {  	s5 =	rddreg [dreg:$0x0]  }
0x2: {  	s10 =	rddreg [dreg:$0x1]  }
0x3: {  	s2 =	rddreg [dreg:$0x2]  }
0x4: {  	s0 =	rddreg [dreg:$0x3]  }
0x5: {  	s3 =	simm.s32 $0x0;
	s1 =	stileid.u32;
	s7 =	srdreg.scid  }
0x6: {  	s17 =	simm.s32 $0x2800;
	s18 =	simm.s32 $0x6800;
	s19 =	simm.s32 $0x1  }
0x7: {  	s20 =	simm.s32 $0x2;
	s21 =	simm.s32 $0x1380;
	s22 =	simm.s32 $0x2700  }
0x8: {  	s23 =	simm.s32 $0x2780;
	s24 =	simm.s32 $0x0;
	[smem:$0x7FF] =	sst s3  }
0x9: {  	s6 =	smul.u32 $0x14000, s1;
	s4 =	sadd.s32 $0x5E600, s5;
	s7 =	sand.u32 $0x1, s7  }
0xa: {  	s9 =	sadd.s32 $0x3E00, s5;
	s12 =	smul.u32 $0x50000, s1;
	s29 =	sshll.u32 s1, $0x6  }
0xb: {  	_ =	strace $0x8000004D;
	p0 =	seq.s32 s7, $0x1;
	s13 =	sshll.u32 s7, $0x4  }
0xc: {  	s7 =	ssub.s32 $0x2, s7;
	s6 =	sshrl.u32 s6, $0x3;
	s26 =	sor.u32 s1, s13  }
0xd: {  	s28 =	sshrl.u32 s7, $0x1;
	s12 =	sshrl.u32 s12, $0x2;
	s8 =	sadd.s32 s6, s5  }
0xe: {  	s11 =	sadd.s32 $0x28000, s6;
	s14 =	smul.u32 $0x2800, s26;
	s13 =	ssub.s32 s7, s28  }
0xf: {  	s16 =	sadd.s32 s12, s2;
	s6 =	smov.u32 @p0 s11;
	s11 =	smul.u32 $0x500, s26  }
0x10: {  	s15 =	sadd.s32 s6, s5;
	s30 =	sshrl.u32 s14, $0x3;
	s5 =	sadd.s32 $0xE600, s8  }
0x11: {  	s6 =	sor.u32 $0x1C03, s29;
	s14 =	simm.s32 $0x3;
	s31 =	sadd.s32 $0x280, s30  }
0x12: {  	s7 =	sadd.s32 s9, s11;
	s8 =	sadd.s32 s10, s11;
	s11 =	smax.u32 s13, $0x1  }
0x13: {  	s12 =	sadd.s32 $0xD6600, s15;
	s13 =	sshrl.u32 s16, $0x3;
	s15 =	simm.s32 $0x1400  }
0x14: {  	s16 =	simm.s32 $0x80;
	s9 =	sadd.s32 s9, s31;
	s10 =	sadd.s32 s10, s31  }
.LBB2_1:
0x15: {  	[spmem:s13], [sflag:s6] =	dma.local [hbm:s5], $0x2800  }
0x16: {  	_ =	swait.ge [sflag:s14], $0x2800  }
0x17: {  	[sflag:s14] =	ssyncset.done $0x0  }
0x18: {  	[sflag:s14] =	ssyncadd.s32 $0xFFFFD800  }
0x19: {  	[bflag:$0x0] =	sbarrier.arrive $0xFFFF  }
0x1a: {  	[tilespmem:s3], [sflag:$0x3] =	stream.linear.gather [hbm4b:s7+s3], $0x1400, $0x38;
	[tilespmem:$0x1E800] =	vst v63  }
0x1b: {  	_ =	swait.ge [sflag:s14], $0x1400  }
0x1c: {  	[sflag:s14] =	ssyncset.done $0x0  }
0x1d: {  	[sflag:s14] =	ssyncadd.s32 $0xFFFFEC00  }
0x1e: {  	[tilespmem:s15], [sflag:$0x3] =	stream.linear.gather [hbm4b:s8+s3], $0x1400, $0x38;
	[tilespmem:$0x1E800] =	vst v63  }
0x1f: {  	_ =	swait.ge [sflag:s14], $0x1400  }
0x20: {  	[sflag:s14] =	ssyncset.done $0x0  }
0x21: {  	[sflag:s14] =	ssyncadd.s32 $0xFFFFEC00  }
0x22: {  	[tilespmem:s17], [sflag:$0x1] =	stream.indirect.gather [hbm4b:s4+s16], $0x80, s3, s16, $0xb8;
	[tilespmem:$0x1E800] =	vst v63  }
0x23: {  	s25 =	simm.s32 $0x80  }
0x24: {  	[tilespmem:s18], [sflag:$0x2] =	stream.indirect.gather [hbm4b:s4+s16], $0x80, s25, s16, $0xb8;
	[tilespmem:$0x1E800] =	vst v63  }
0x25: {  	_ =	swait.ge [sflag:s19], $0x4000  }
0x26: {  	[sflag:s19] =	ssyncset.done $0x0  }
0x27: {  	s29 =	simm.s32 $0x1400;
	[sflag:s19] =	ssyncadd.s32 $0xFFFFC000  }
0x28: {  	[spmem:s2] =	stream.indirect.scatter.add.f32 [tilespmem:s17], [sflag:$0x3], $0x80, s29, s16, $0xb8;
	[tilespmem:$0x1E800] =	vst v63  }
0x29: {  	_ =	swait.ge [sflag:s14], $0x4000  }
0x2a: {  	[sflag:s14] =	ssyncset.done $0x0  }
0x2b: {  	s30 =	simm.s32 $0x100;
	[sflag:s14] =	ssyncadd.s32 $0xFFFFC000  }
0x2c: {  	[tilespmem:s17], [sflag:$0x1] =	stream.indirect.gather [hbm4b:s4+s16], $0x80, s30, s16, $0xb8;
	[tilespmem:$0x1E800] =	vst v63  }
0x2d: {  	_ =	swait.ge [sflag:s20], $0x4000  }
0x2e: {  	[sflag:s20] =	ssyncset.done $0x0  }
0x2f: {  	s31 =	simm.s32 $0x1480;
	[sflag:s20] =	ssyncadd.s32 $0xFFFFC000  }
0x30: {  	[spmem:s2] =	stream.indirect.scatter.add.f32 [tilespmem:s18], [sflag:$0x3], $0x80, s31, s16, $0xb8;
	[tilespmem:$0x1E800] =	vst v63  }
0x31: {  	_ =	swait.ge [sflag:s14], $0x4000  }
0x32: {  	s26 =	simm.s32 $0x800;
	s25 =	simm.s32 $0x100;
	[sflag:s14] =	ssyncset.done $0x0  }
.LBB2_2:
0x33: {  	s28 =	sadd.s32 $0x80, s25  }
0x34: {  	[sflag:s14] =	ssyncadd.s32 $0xFFFFC000;
	s29 =	smov.u32 s26;
	s30 =	sadd.s32 $0x400, s26  }
0x35: {  	[tilespmem:s18], [sflag:$0x2] =	stream.indirect.gather [hbm4b:s4+s16], $0x80, s28, s16, $0xb8;
	[tilespmem:$0x1E800] =	vst v63  }
0x36: {  	p0 =	sne.s32 s26, $0x4800;
	_ =	swait.ge [sflag:s19], $0x4000  }
0x37: {  	[sflag:s19] =	ssyncset.done $0x0  }
0x38: {  	s26 =	sadd.s32 $0x1400, s25;
	[sflag:s19] =	ssyncadd.s32 $0xFFFFC000  }
0x39: {  	[spmem:s2] =	stream.indirect.scatter.add.f32 [tilespmem:s17], [sflag:$0x3], $0x80, s26, s16, $0xb8;
	[tilespmem:$0x1E800] =	vst v63  }
0x3a: {  	_ =	swait.ge [sflag:s14], $0x4000  }
0x3b: {  	[sflag:s14] =	ssyncset.done $0x0  }
0x3c: {  	s26 =	sadd.s32 $0x100, s25;
	[sflag:s14] =	ssyncadd.s32 $0xFFFFC000  }
0x3d: {  	[tilespmem:s17], [sflag:$0x1] =	stream.indirect.gather [hbm4b:s4+s16], $0x80, s26, s16, $0xb8;
	[tilespmem:$0x1E800] =	vst v63  }
0x3e: {  	_ =	swait.ge [sflag:s20], $0x4000  }
.Ltmp0:
0x3f: {  	[sflag:s20] =	ssyncset.done $0x0;
	(pc) =	sbr.rel @p0 .LBB2_2-.Ltmp0, $4  }
0x40: {  	s25 =	sadd.s32 $0x1480, s25;
	[sflag:s20] =	ssyncadd.s32 $0xFFFFC000  }
0x41: {  	[spmem:s2] =	stream.indirect.scatter.add.f32 [tilespmem:s18], [sflag:$0x3], $0x80, s25, s16, $0xb8;
	[tilespmem:$0x1E800] =	vst v63  }
0x42: {  	_ =	swait.ge [sflag:s14], $0x4000  }
0x43: {  	s26 =	smov.u32 s30;
	s25 =	sshra.s32 s29, $0x2;
	[sflag:s14] =	ssyncset.done $0x0  }
0x44: {  	s26 =	sadd.s32 $0x80, s25;
	[sflag:s14] =	ssyncadd.s32 $0xFFFFC000  }
0x45: {  	[tilespmem:s18], [sflag:$0x2] =	stream.indirect.gather [hbm4b:s4+s16], $0x80, s26, s16, $0xb8;
	[tilespmem:$0x1E800] =	vst v63  }
0x46: {  	_ =	swait.ge [sflag:s19], $0x4000  }
0x47: {  	[sflag:s19] =	ssyncset.done $0x0  }
0x48: {  	s29 =	sadd.s32 $0x1400, s25;
	[sflag:s19] =	ssyncadd.s32 $0xFFFFC000  }
0x49: {  	[spmem:s2] =	stream.indirect.scatter.add.f32 [tilespmem:s17], [sflag:$0x3], $0x80, s29, s16, $0xb8;
	[tilespmem:$0x1E800] =	vst v63  }
0x4a: {  	_ =	swait.ge [sflag:s14], $0x4000  }
0x4b: {  	[sflag:s14] =	ssyncset.done $0x0  }
0x4c: {  	s30 =	sadd.s32 $0x100, s25;
	[sflag:s14] =	ssyncadd.s32 $0xFFFFC000  }
0x4d: {  	[tilespmem:s17], [sflag:$0x1] =	stream.indirect.gather [hbm4b:s4+s16], $0x80, s30, s16, $0xb8;
	[tilespmem:$0x1E800] =	vst v63  }
0x4e: {  	_ =	swait.ge [sflag:s20], $0x4000  }
0x4f: {  	[sflag:s20] =	ssyncset.done $0x0  }
0x50: {  	s31 =	sadd.s32 $0x1480, s25;
	[sflag:s20] =	ssyncadd.s32 $0xFFFFC000  }
0x51: {  	[spmem:s2] =	stream.indirect.scatter.add.f32 [tilespmem:s18], [sflag:$0x3], $0x80, s31, s16, $0xb8;
	[tilespmem:$0x1E800] =	vst v63  }
0x52: {  	_ =	swait.ge [sflag:s14], $0x4000  }
0x53: {  	[sflag:s14] =	ssyncset.done $0x0  }
0x54: {  	[sflag:s14] =	ssyncadd.s32 $0xFFFFC000  }
0x55: {  	[tilespmem:s18], [sflag:$0x2] =	stream.indirect.gather [hbm4b:s4+s16], $0x80, s21, s16, $0xb8;
	[tilespmem:$0x1E800] =	vst v63  }
0x56: {  	_ =	swait.ge [sflag:s19], $0x4000  }
0x57: {  	[sflag:s19] =	ssyncset.done $0x0  }
0x58: {  	[sflag:s19] =	ssyncadd.s32 $0xFFFFC000  }
0x59: {  	[spmem:s2] =	stream.indirect.scatter.add.f32 [tilespmem:s17], [sflag:$0x3], $0x80, s22, s16, $0xb8;
	[tilespmem:$0x1E800] =	vst v63  }
0x5a: {  	_ =	swait.ge [sflag:s14], $0x4000  }
0x5b: {  	[sflag:s14] =	ssyncset.done $0x0  }
0x5c: {  	[sflag:s14] =	ssyncadd.s32 $0xFFFFC000  }
0x5d: {  	_ =	swait.ge [sflag:s20], $0x4000  }
0x5e: {  	[sflag:s20] =	ssyncset.done $0x0  }
0x5f: {  	[sflag:s20] =	ssyncadd.s32 $0xFFFFC000  }
0x60: {  	[spmem:s2] =	stream.indirect.scatter.add.f32 [tilespmem:s18], [sflag:$0x3], $0x80, s23, s16, $0xb8;
	[tilespmem:$0x1E800] =	vst v63  }
0x61: {  	_ =	swait.ge [sflag:s14], $0x4000  }
0x62: {  	[sflag:s14] =	ssyncset.done $0x0  }
0x63: {  	s26 =	simm.s32 $0x0;
	[sflag:s14] =	ssyncadd.s32 $0xFFFFC000  }
0x64: {  	[tilespmem:s26], [sflag:$0x3] =	stream.linear.gather [hbm4b:s9+s26], $0x1400, $0x38;
	[tilespmem:$0x1E800] =	vst v63  }
0x65: {  	_ =	swait.ge [sflag:s14], $0x1400  }
0x66: {  	[sflag:s14] =	ssyncset.done $0x0  }
0x67: {  	[sflag:s14] =	ssyncadd.s32 $0xFFFFEC00  }
0x68: {  	[tilespmem:s15], [sflag:$0x3] =	stream.linear.gather [hbm4b:s10+s26], $0x1400, $0x38;
	[tilespmem:$0x1E800] =	vst v63  }
0x69: {  	_ =	swait.ge [sflag:s14], $0x1400  }
0x6a: {  	[sflag:s14] =	ssyncset.done $0x0  }
0x6b: {  	[sflag:s14] =	ssyncadd.s32 $0xFFFFEC00  }
0x6c: {  	[tilespmem:s17], [sflag:$0x1] =	stream.indirect.gather [hbm4b:s4+s16], $0x80, s26, s16, $0xb8;
	[tilespmem:$0x1E800] =	vst v63  }
0x6d: {  	s28 =	simm.s32 $0x80  }
0x6e: {  	[tilespmem:s18], [sflag:$0x2] =	stream.indirect.gather [hbm4b:s4+s16], $0x80, s28, s16, $0xb8;
	[tilespmem:$0x1E800] =	vst v63  }
0x6f: {  	_ =	swait.ge [sflag:s19], $0x4000  }
0x70: {  	[sflag:s19] =	ssyncset.done $0x0  }
0x71: {  	s29 =	simm.s32 $0x1400;
	[sflag:s19] =	ssyncadd.s32 $0xFFFFC000  }
0x72: {  	[spmem:s2] =	stream.indirect.scatter.add.f32 [tilespmem:s17], [sflag:$0x3], $0x80, s29, s16, $0xb8;
	[tilespmem:$0x1E800] =	vst v63  }
0x73: {  	_ =	swait.ge [sflag:s14], $0x4000  }
0x74: {  	[sflag:s14] =	ssyncset.done $0x0  }
0x75: {  	s30 =	simm.s32 $0x100;
	[sflag:s14] =	ssyncadd.s32 $0xFFFFC000  }
0x76: {  	[tilespmem:s17], [sflag:$0x1] =	stream.indirect.gather [hbm4b:s4+s16], $0x80, s30, s16, $0xb8;
	[tilespmem:$0x1E800] =	vst v63  }
0x77: {  	_ =	swait.ge [sflag:s20], $0x4000  }
0x78: {  	[sflag:s20] =	ssyncset.done $0x0  }
0x79: {  	s31 =	simm.s32 $0x1480;
	[sflag:s20] =	ssyncadd.s32 $0xFFFFC000  }
0x7a: {  	[spmem:s2] =	stream.indirect.scatter.add.f32 [tilespmem:s18], [sflag:$0x3], $0x80, s31, s16, $0xb8;
	[tilespmem:$0x1E800] =	vst v63  }
0x7b: {  	_ =	swait.ge [sflag:s14], $0x4000  }
0x7c: {  	s25 =	simm.s32 $0x100;
	s26 =	simm.s32 $0x800;
	[sflag:s14] =	ssyncset.done $0x0  }
.LBB2_4:
0x7d: {  	s28 =	sadd.s32 $0x80, s25  }
0x7e: {  	[sflag:s14] =	ssyncadd.s32 $0xFFFFC000;
	s29 =	smov.u32 s26;
	s30 =	sadd.s32 $0x400, s26  }
0x7f: {  	[tilespmem:s18], [sflag:$0x2] =	stream.indirect.gather [hbm4b:s4+s16], $0x80, s28, s16, $0xb8;
	[tilespmem:$0x1E800] =	vst v63  }
0x80: {  	p0 =	sne.s32 s26, $0x4800;
	_ =	swait.ge [sflag:s19], $0x4000  }
0x81: {  	[sflag:s19] =	ssyncset.done $0x0  }
0x82: {  	s26 =	sadd.s32 $0x1400, s25;
	[sflag:s19] =	ssyncadd.s32 $0xFFFFC000  }
0x83: {  	[spmem:s2] =	stream.indirect.scatter.add.f32 [tilespmem:s17], [sflag:$0x3], $0x80, s26, s16, $0xb8;
	[tilespmem:$0x1E800] =	vst v63  }
0x84: {  	_ =	swait.ge [sflag:s14], $0x4000  }
0x85: {  	[sflag:s14] =	ssyncset.done $0x0  }
0x86: {  	s26 =	sadd.s32 $0x100, s25;
	[sflag:s14] =	ssyncadd.s32 $0xFFFFC000  }
0x87: {  	[tilespmem:s17], [sflag:$0x1] =	stream.indirect.gather [hbm4b:s4+s16], $0x80, s26, s16, $0xb8;
	[tilespmem:$0x1E800] =	vst v63  }
0x88: {  	_ =	swait.ge [sflag:s20], $0x4000  }
.Ltmp1:
0x89: {  	[sflag:s20] =	ssyncset.done $0x0;
	(pc) =	sbr.rel @p0 .LBB2_4-.Ltmp1, $4  }
0x8a: {  	s25 =	sadd.s32 $0x1480, s25;
	[sflag:s20] =	ssyncadd.s32 $0xFFFFC000  }
0x8b: {  	[spmem:s2] =	stream.indirect.scatter.add.f32 [tilespmem:s18], [sflag:$0x3], $0x80, s25, s16, $0xb8;
	[tilespmem:$0x1E800] =	vst v63  }
0x8c: {  	_ =	swait.ge [sflag:s14], $0x4000  }
0x8d: {  	s26 =	smov.u32 s30;
	s25 =	sshra.s32 s29, $0x2;
	[sflag:s14] =	ssyncset.done $0x0  }
0x8e: {  	s26 =	sadd.s32 $0x80, s25;
	[sflag:s14] =	ssyncadd.s32 $0xFFFFC000  }
0x8f: {  	[tilespmem:s18], [sflag:$0x2] =	stream.indirect.gather [hbm4b:s4+s16], $0x80, s26, s16, $0xb8;
	[tilespmem:$0x1E800] =	vst v63  }
0x90: {  	_ =	swait.ge [sflag:s19], $0x4000  }
0x91: {  	[sflag:s19] =	ssyncset.done $0x0  }
0x92: {  	s29 =	sadd.s32 $0x1400, s25;
	[sflag:s19] =	ssyncadd.s32 $0xFFFFC000  }
0x93: {  	[spmem:s2] =	stream.indirect.scatter.add.f32 [tilespmem:s17], [sflag:$0x3], $0x80, s29, s16, $0xb8;
	[tilespmem:$0x1E800] =	vst v63  }
0x94: {  	_ =	swait.ge [sflag:s14], $0x4000  }
0x95: {  	[sflag:s14] =	ssyncset.done $0x0  }
0x96: {  	s30 =	sadd.s32 $0x100, s25;
	[sflag:s14] =	ssyncadd.s32 $0xFFFFC000  }
0x97: {  	[tilespmem:s17], [sflag:$0x1] =	stream.indirect.gather [hbm4b:s4+s16], $0x80, s30, s16, $0xb8;
	[tilespmem:$0x1E800] =	vst v63  }
0x98: {  	_ =	swait.ge [sflag:s20], $0x4000  }
0x99: {  	[sflag:s20] =	ssyncset.done $0x0  }
0x9a: {  	s31 =	sadd.s32 $0x1480, s25;
	[sflag:s20] =	ssyncadd.s32 $0xFFFFC000  }
0x9b: {  	[spmem:s2] =	stream.indirect.scatter.add.f32 [tilespmem:s18], [sflag:$0x3], $0x80, s31, s16, $0xb8;
	[tilespmem:$0x1E800] =	vst v63  }
0x9c: {  	_ =	swait.ge [sflag:s14], $0x4000  }
0x9d: {  	[sflag:s14] =	ssyncset.done $0x0  }
0x9e: {  	[sflag:s14] =	ssyncadd.s32 $0xFFFFC000  }
0x9f: {  	[tilespmem:s18], [sflag:$0x2] =	stream.indirect.gather [hbm4b:s4+s16], $0x80, s21, s16, $0xb8;
	[tilespmem:$0x1E800] =	vst v63  }
0xa0: {  	_ =	swait.ge [sflag:s19], $0x4000  }
0xa1: {  	[sflag:s19] =	ssyncset.done $0x0  }
0xa2: {  	[sflag:s19] =	ssyncadd.s32 $0xFFFFC000  }
0xa3: {  	[spmem:s2] =	stream.indirect.scatter.add.f32 [tilespmem:s17], [sflag:$0x3], $0x80, s22, s16, $0xb8;
	[tilespmem:$0x1E800] =	vst v63  }
0xa4: {  	_ =	swait.ge [sflag:s14], $0x4000  }
0xa5: {  	[sflag:s14] =	ssyncset.done $0x0  }
0xa6: {  	[sflag:s14] =	ssyncadd.s32 $0xFFFFC000  }
0xa7: {  	_ =	swait.ge [sflag:s20], $0x4000  }
0xa8: {  	[sflag:s20] =	ssyncset.done $0x0  }
0xa9: {  	[sflag:s20] =	ssyncadd.s32 $0xFFFFC000  }
0xaa: {  	[spmem:s2] =	stream.indirect.scatter.add.f32 [tilespmem:s18], [sflag:$0x3], $0x80, s23, s16, $0xb8;
	[tilespmem:$0x1E800] =	vst v63  }
0xab: {  	_ =	swait.ge [sflag:s14], $0x4000  }
0xac: {  	s24 =	sadd.s32 $0x1, s24;
	[sflag:s14] =	ssyncset.done $0x0  }
0xad: {  	p0 =	sne.s32 s24, s11;
	[sflag:s14] =	ssyncadd.s32 $0xFFFFC000  }
.Ltmp2:
0xae: {  	[bflag:$0x0] =	sbarrier.arrive $0xFFFF;
	(pc) =	sbr.rel @p0 .LBB2_1-.Ltmp2, $4  }
0xaf: {  	[hbm:s12], [sflag:s6] =	dma.local [spmem:s13], $0x2800  }
0xb0: {  	_ =	swait.ge [sflag:s14], $0x2800  }
0xb1: {  	[sflag:s14] =	ssyncset.done $0x0  }
0xb2: {  	[sflag:s14] =	ssyncadd.s32 $0xFFFFD800  }
0xb3: {  	_ =	sfence.sel $0x180000  }
0xb4: {  	[bflag:$0x0] =	sbarrier.arrive $0xFFFF  }
0xb5: {  	p0 =	sne.s32 s1, $0x0;
	_ =	strace $0x9000004D  }
0xb6: {  	s0 =	sadd.s32 @!p0 $0x100000, s0;
	[bflag:$0x2] =	sbarrier.arrive $0xFFFF  }
0xb7: {  	[sflag:s0] =	ssyncadd.tile.s32 @!p0 $0x1;
	_ =	shalt  }
.Lfunc_end2:
_tile_overlayer_lowered:
.L_overlay_start_2:
0xb8: {  	(tag) =	ssettag $0x2  }
0xb9: {  	s0 =	rddreg [dreg:$0x0];
	s2 =	stileid.u32  }
0xba: {  	s1 =	rddreg [dreg:$0x1];
	p0 =	sne.s32 s2, $0x0  }
0xbb: {  	s3 =	rddreg [dreg:$0x2];
	[bflag:$0x3] =	sbarrier.arrive $0xFFFF;
	s2 =	simm.s32 @!p0 $0x1C03  }
0xbc: {  	[timem:s3], [sflag:s2] =	dma.local @!p0 [hbm:s0], s1  }
0xbd: {  	s0 =	simm.s32 @!p0 $0x3  }
0xbe: {  	_ =	swait.ge @!p0 [sflag:s0], s1  }
0xbf: {  	s1 =	ssub.s32 @!p0 $0x0, s1;
	[sflag:s0] =	ssyncset.done @!p0 $0x0  }
0xc0: {  	[sflag:s0] =	ssyncadd.s32 @!p0 s1  }
0xc1: {  	[bflag:$0x3] =	sbarrier.arrive $0xFFFF  }
0xc2: {  	_ =	shalt  }

// kernel: kernel.19.cloned.1.call-start
scs
__scs_entry_jumppad:
0x0: {  	(pc) =	sbr.rel $0x88, $3  }
0x1: {  	(tag) =	ssettag $0x0;
	lr =	simm.s32 $0x1  }
0x2: {  	[smem:$0x3F97] =	sst lr;
	_ =	strace $0xD0000000  }
0x3: {  	_ = 	snop  }
0x4: {  	_ = 	snop  }
0x5: {  	_ = 	snop  }
0x6: {  	_ = 	snop  }
0x7: {  	_ = 	snop  }
__scs_overlays_trampoline_lowered:
0x8: {  	[smem:$0x3FA6] =	sst s0  }
0x9: {  	[smem:$0x3FA7] =	sst s1  }
0xa: {  	[smem:$0x3FA8] =	sst s2  }
0xb: {  	[smem:$0x3FA9] =	sst s3  }
0xc: {  	[smem:$0x3FAA] =	sst s4  }
0xd: {  	[smem:$0x3FAB] =	sst s5  }
0xe: {  	[smem:$0x3FAC] =	sst s6  }
0xf: {  	[smem:$0x3FAD] =	sst s7  }
0x10: {  	[smem:$0x3FAE] =	sst s8  }
0x11: {  	[smem:$0x3FAF] =	sst s9;
	s0 =	simm.s32 @!p0 $0x0  }
0x12: {  	s1 =	sld [smem:$0x3F95];
	s0 =	simm.s32 @p0 $0x1  }
0x13: {  	[smem:$0x3FB0] =	sst s0;
	s0 =	simm.s32 @!p1 $0x0  }
0x14: {  	s2 =	sld [smem:$0x3F94];
	s0 =	simm.s32 @p1 $0x1  }
0x15: {  	[smem:$0x3FB1] =	sst s0;
	s0 =	simm.s32 @!p2 $0x0  }
0x16: {  	s3 =	sld [smem:$0x3FDB];
	s0 =	simm.s32 @p2 $0x1  }
0x17: {  	s4 =	simm.s32 $0x1BF5;
	[smem:$0x3FB3] =	sst s0  }
0x18: {  	s0 =	sld [smem:$0x3F96];
	_ =	swait.ge [sflag:s4], $0x0  }
0x19: {  	s7 =	sld [smem:$0x3F97]  }
0x1a: {  	s8 =	sadd.s32 $0xFFFFE003, lr  }
0x1b: {  	s9 =	sadd.s32 $0xFFFFFEF7, lr;
	s5 =	simm.s32 $0xFFFFFFFF;
	p2 =	slt.u32 s8, $0xFFFFF086  }
0x1c: {  	p1 =	slt.u32 s9, $0xF7A;
	s5 =	simm.s32 @!p2 $0x0  }
0x1d: {  	s5 =	simm.s32 @p1 $0x1;
	p0 =	seq.s32 s7, s2  }
0x1e: {  	s7 =	smul.u32 @!p0 $0xF7A, s2;
	p2 =	seq.s32 @!p0 s5, $0x0  }
0x1f: {  	s9 =	smul.u32 $0xF7A, s1;
	s8 =	simm.s32 @!p0 $0x1BF5;
	p2 =	por !p2, p0  }
0x20: {  	[sflag:s8] =	ssyncset.s32 @!p0 $0xFFFFF086;
	s6 =	sadd.s32 @!p0 s3, s7;
	s7 =	simm.s32 @!p0 $0x108  }
0x21: {  	s3 =	sadd.s32 s3, s9;
	s6 =	sadd.s32 @!p0 $0x88, s6;
	s7 =	simm.s32 @p2 $0x1082  }
0x22: {  	[simem:s7], [sflag:s8] =	dma.local @!p0 [hbm:s6], $0xF7A  }
0x23: {  	s9 =	sor.u32 $0xD0000000, s2;
	s6 =	simm.s32 $0x108;
	_ =	swait.ge @!p0 [sflag:s8], $0x0  }
0x24: {  	s3 =	sadd.s32 $0x88, s3;
	s6 =	simm.s32 @!p1 $0x1082;
	[sflag:s4] =	ssyncset.s32 $0xFFFFF086  }
0x25: {  	[simem:s6], [sflag:s4] =	dma.local [hbm:s3], $0xF7A  }
0x26: {  	[smem:$0x3F97] =	sst s1;
	(tag) =	ssettag s2;
	_ =	strace s9  }
0x27: {  	s1 =	sld [smem:$0x3FA7]  }
0x28: {  	s2 =	sld [smem:$0x3FA8]  }
0x29: {  	s4 =	sld [smem:$0x3FAA]  }
0x2a: {  	p0 =	seq.s32 s5, $0x0;
	s5 =	sld [smem:$0x3FAB]  }
0x2b: {  	s6 =	sld [smem:$0x3FAC]  }
0x2c: {  	s7 =	sld [smem:$0x3FAD]  }
0x2d: {  	s3 =	simm.s32 $0x108;
	s8 =	sld [smem:$0x3FAE]  }
0x2e: {  	s3 =	simm.s32 @!p0 $0x1082;
	s9 =	sld [smem:$0x3FAF]  }
0x2f: {  	lr =	sadd.s32 s0, s3;
	s0 =	sld [smem:$0x3FA6]  }
0x30: {  	s3 =	sld [smem:$0x3FA9]  }
0x31: {  	[smem:$0x3FB2] =	sst s10  }
0x32: {  	s10 =	sld [smem:$0x3FB0];
	_ =	sdelay $0x3  }
0x33: {  	p0 =	seq.s32 s10, $0x1;
	s10 =	sld [smem:$0x3FB2];
	_ =	sdelay $0x3  }
0x34: {  	[smem:$0x3FB2] =	sst s10  }
0x35: {  	s10 =	sld [smem:$0x3FB1];
	_ =	sdelay $0x3  }
0x36: {  	p1 =	seq.s32 s10, $0x1;
	s10 =	sld [smem:$0x3FB2];
	_ =	sdelay $0x3  }
0x37: {  	[smem:$0x3FB2] =	sst s10  }
0x38: {  	s10 =	sld [smem:$0x3FB3]  }
0x39: {  	_ = 	snop;
	(pc) =	sbr.ind lr, $3  }
0x3a: {  	_ = 	snop  }
0x3b: {  	_ = 	snop  }
0x3c: {  	p2 =	seq.s32 s10, $0x1;
	s10 =	sld [smem:$0x3FB2]  }
0x3d: {  	_ =	shalt  }
0x3e: {  	_ =	shalt  }
0x3f: {  	_ =	shalt  }
0x40: {  	_ =	shalt  }
0x41: {  	_ =	shalt  }
0x42: {  	_ =	shalt  }
0x43: {  	_ =	shalt  }
0x44: {  	_ =	shalt  }
0x45: {  	_ =	shalt  }
0x46: {  	_ =	shalt  }
0x47: {  	_ =	shalt  }
0x48: {  	_ =	shalt  }
0x49: {  	_ =	shalt  }
0x4a: {  	_ =	shalt  }
0x4b: {  	_ =	shalt  }
0x4c: {  	_ =	shalt  }
0x4d: {  	_ =	shalt  }
0x4e: {  	_ =	shalt  }
0x4f: {  	_ =	shalt  }
0x50: {  	_ =	shalt  }
0x51: {  	_ =	shalt  }
0x52: {  	_ =	shalt  }
0x53: {  	_ =	shalt  }
0x54: {  	_ =	shalt  }
0x55: {  	_ =	shalt  }
0x56: {  	_ =	shalt  }
0x57: {  	_ =	shalt  }
0x58: {  	_ =	shalt  }
0x59: {  	_ =	shalt  }
0x5a: {  	_ =	shalt  }
0x5b: {  	_ =	shalt  }
0x5c: {  	_ =	shalt  }
0x5d: {  	_ =	shalt  }
0x5e: {  	_ =	shalt  }
0x5f: {  	_ =	shalt  }
0x60: {  	_ =	shalt  }
0x61: {  	_ =	shalt  }
0x62: {  	_ =	shalt  }
0x63: {  	_ =	shalt  }
0x64: {  	_ =	shalt  }
0x65: {  	_ =	shalt  }
0x66: {  	_ =	shalt  }
0x67: {  	_ =	shalt  }
0x68: {  	_ =	shalt  }
0x69: {  	_ =	shalt  }
0x6a: {  	_ =	shalt  }
0x6b: {  	_ =	shalt  }
0x6c: {  	_ =	shalt  }
0x6d: {  	_ =	shalt  }
0x6e: {  	_ =	shalt  }
0x6f: {  	_ =	shalt  }
0x70: {  	_ =	shalt  }
0x71: {  	_ =	shalt  }
0x72: {  	_ =	shalt  }
0x73: {  	_ =	shalt  }
0x74: {  	_ =	shalt  }
0x75: {  	_ =	shalt  }
0x76: {  	_ =	shalt  }
0x77: {  	_ =	shalt  }
0x78: {  	_ =	shalt  }
0x79: {  	_ =	shalt  }
0x7a: {  	_ =	shalt  }
0x7b: {  	_ =	shalt  }
0x7c: {  	_ =	shalt  }
0x7d: {  	_ =	shalt  }
0x7e: {  	_ =	shalt  }
0x7f: {  	_ =	shalt  }
0x80: {  	_ =	shalt  }
0x81: {  	_ =	shalt  }
0x82: {  	_ =	shalt  }
0x83: {  	_ =	shalt  }
0x84: {  	_ =	shalt  }
0x85: {  	_ =	shalt  }
0x86: {  	_ =	shalt  }
0x87: {  	_ =	shalt  }
.Lfunc_end0:
.L_simem_size_0:
called_computation.3_lowered:
.L_overlay_start_0:
0x88: {  	s2 =	sld [smem:$0x3FD9]  }
0x89: {  	s3 =	sld [smem:$0x3FFE];
	_ =	sdelay $0x1  }
0x8a: {  	s1 =	srdreg.scid  }
0x8b: {  	s0 =	sand.u32 $0x1, s1  }
0x8c: {  	s17 =	sshll.u32 s0, $0xA;
	s2 =	sadd.s32 s3, s2  }
0x8d: {  	s2 =	sadd.s32 s2, s17  }
0x8e: {  	[smem:$0x3FBE] =	sst s2  }
0x8f: {  	_ = 	snop  }
0x90: {  	s2 =	sld [smem:$0x3FD0];
	(tm) =	ssettm $0x1  }
0x91: {  	s18 =	sld [smem:$0x3FFB];
	_ =	sdelay $0x3  }
0x92: {  	_ =	strace s18  }
0x93: {  	s3 =	sld [smem:$0x3FFC];
	_ =	sdelay $0x3  }
0x94: {  	_ =	strace s3  }
0x95: {  	s3 =	sld [smem:$0x3FFD];
	_ =	sdelay $0x3  }
0x96: {  	_ =	strace s3  }
0x97: {  	_ =	strace $0x8FFFFFFF  }
0x98: {  	s19 =	sld [smem:$0x3FDB];
	_ =	sdelay $0x1  }
0x99: {  	s4 =	simm.s32 $_scs_section_size  }
0x9a: {  	s5 =	simm.s32 $_size__tile_overlayer_lowered;
	s6 =	simm.s32 $_tile_overlayer_lowered  }
0x9b: {  	s22 =	simm.s32 $0x1BFF;
	s21 =	sshll.u32 s6, $0x1;
	s3 =	sadd.s32 s4, s19  }
0x9c: {  	s7 =	simm.s32 $0x0;
	s20 =	sshll.u32 s5, $0x1;
	s5 =	sadd.s32 s21, s3  }
0x9d: {  	[timem:s7], [sflag:s22] =	dma.local [hbm:s5], s20  }
0x9e: {  	_ =	swait.ge [sflag:s22], s20  }
0x9f: {  	s4 =	ssub.s32 $0x0, s20;
	[sflag:s22] =	ssyncset.done $0x0  }
0xa0: {  	[sflag:s22] =	ssyncadd.s32 s4;
	_ =	sdelay $0x1  }
0xa1: {  	s23 =	simm.s32 $0x1B8B  }
0xa2: {  	_ =	swait.ge [sflag:s23], $0x1  }
0xa3: {  	[sflag:s23] =	ssyncset.done $0x0  }
0xa4: {  	s25 =	simm.s32 $0x1B8E;
	s24 =	sld [smem:$0x3FFE];
	[sflag:s23] =	ssyncadd.s32 $0xFFFFFFFF  }
0xa5: {  	s26 =	simm.s32 $execute0_lowered;
	[smem:$0x3FD2] =	sst s25  }
0xa6: {  	s5 =	sshll.u32 s26, $0x1;
	_ =	strace $0x8000004F;
	[dreg:$0x1] =	wrdreg $0xFFFFFFFF  }
0xa7: {  	s28 =	simm.s32 $_size_execute0_lowered;
	s3 =	sadd.s32 s3, s5;
	[dreg:$0x0] =	wrdreg $0x0  }
0xa8: {  	s5 =	sshll.u32 s28, $0x1;
	[dreg:$0x2] =	wrdreg s3  }
0xa9: {  	[dreg:$0x3] =	wrdreg s5  }
0xaa: {  	[dreg:$0x4] =	wrdreg $0xC0  }
0xab: {  	_ =	task [dreg:s7], $0x5FFFF  }
0xac: {  	[dreg:$0x1] =	wrdreg $0xFFFFFFFF  }
0xad: {  	[dreg:$0x0] =	wrdreg $0x60  }
0xae: {  	[dreg:$0x2] =	wrdreg s24  }
0xaf: {  	[dreg:$0x3] =	wrdreg s2  }
0xb0: {  	[dreg:$0x4] =	wrdreg $0xA8000  }
0xb1: {  	[dreg:$0x5] =	wrdreg $0x9  }
0xb2: {  	_ =	task.clear_ibuf [dreg:s7], $0x6FFFF;
	_ =	strace $0x9000004F  }
0xb3: {  	s29 =	simm.s32 $0x9;
	_ =	strace $0x80000051  }
0xb4: {  	_ =	swait.ge [sflag:s29], $0x1  }
0xb5: {  	[sflag:s29] =	ssyncadd.s32 $0xFFFFFFFF  }
0xb6: {  	_ =	strace $0x90000051  }
0xb7: {  	_ =	sfence  }
0xb8: {  	s30 =	sld [smem:$0x0];
	_ =	sdelay $0x2  }
0xb9: {  	s31 =	sshll.u32 s1, $0xD;
	s1 =	sshrl.u32 s1, $0x2  }
0xba: {  	s3 =	sand.u32 $0x4000, s31;
	s1 =	sadd.s32 s1, s30  }
0xbb: {  	s0 =	sor.u32 s3, s0;
	s1 =	sshll.u32 s1, $0x11  }
0xbc: {  	s0 =	sor.u32 s1, s0  }
0xbd: {  	s0 =	sadd.s32 $0x8F2B, s0  }
0xbe: {  	[sflag:s0] =	ssyncadd.remote.s32 $0x1  }
0xbf: {  	_ =	sfence.sel $0xFFFF  }
0xc0: {  	[dreg:$0x0] =	wrdreg $0xFFFFFFFF;
	(pc) =	sbr.abs _section_cstart, $3  }
0xc1: {  	[dreg:$0x1] =	wrdreg $0xFFFFFFFF  }
0xc2: {  	_ =	task.clear_ibuf [dreg:s7], $0x2FFFF;
	_ =	strace $0x9FFFFFFF  }
0xc3: {  	(tm) =	ssettm $0x7FFFFFFF  }
tec
execute0_lowered:
.L_overlay_start_1:
0x0: {  	(tag) =	ssettag $0x1  }
0x1: {  	s5 =	rddreg [dreg:$0x0]  }
0x2: {  	s10 =	rddreg [dreg:$0x1]  }
0x3: {  	s2 =	rddreg [dreg:$0x2]  }
0x4: {  	s0 =	rddreg [dreg:$0x3]  }
0x5: {  	s3 =	simm.s32 $0x0;
	s1 =	stileid.u32;
	s7 =	srdreg.scid  }
0x6: {  	s17 =	simm.s32 $0x2800;
	s18 =	simm.s32 $0x6800;
	s19 =	simm.s32 $0x1  }
0x7: {  	s20 =	simm.s32 $0x2;
	s21 =	simm.s32 $0x1380;
	s22 =	simm.s32 $0x2700  }
0x8: {  	s23 =	simm.s32 $0x2780;
	s24 =	simm.s32 $0x0;
	[smem:$0x7FF] =	sst s3  }
0x9: {  	s6 =	smul.u32 $0x14000, s1;
	s4 =	sadd.s32 $0x36600, s5;
	s7 =	sand.u32 $0x1, s7  }
0xa: {  	s9 =	sadd.s32 $0x3E00, s5;
	s12 =	smul.u32 $0x50000, s1;
	s29 =	sshll.u32 s1, $0x6  }
0xb: {  	_ =	strace $0x80000050;
	p0 =	seq.s32 s7, $0x1;
	s13 =	sshll.u32 s7, $0x4  }
0xc: {  	s7 =	ssub.s32 $0x2, s7;
	s6 =	sshrl.u32 s6, $0x3;
	s26 =	sor.u32 s1, s13  }
0xd: {  	s28 =	sshrl.u32 s7, $0x1;
	s12 =	sshrl.u32 s12, $0x2;
	s8 =	sadd.s32 s6, s5  }
0xe: {  	s11 =	sadd.s32 $0x28000, s6;
	s14 =	smul.u32 $0x2800, s26;
	s13 =	ssub.s32 s7, s28  }
0xf: {  	s16 =	sadd.s32 s12, s2;
	s6 =	smov.u32 @p0 s11;
	s11 =	smul.u32 $0x500, s26  }
0x10: {  	s15 =	sadd.s32 s6, s5;
	s30 =	sshrl.u32 s14, $0x3;
	s5 =	sadd.s32 $0xE600, s8  }
0x11: {  	s6 =	sor.u32 $0x1C03, s29;
	s14 =	simm.s32 $0x3;
	s31 =	sadd.s32 $0x280, s30  }
0x12: {  	s7 =	sadd.s32 s9, s11;
	s8 =	sadd.s32 s10, s11;
	s11 =	smax.u32 s13, $0x1  }
0x13: {  	s12 =	sadd.s32 $0xAE600, s15;
	s13 =	sshrl.u32 s16, $0x3;
	s15 =	simm.s32 $0x1400  }
0x14: {  	s16 =	simm.s32 $0x80;
	s9 =	sadd.s32 s9, s31;
	s10 =	sadd.s32 s10, s31  }
.LBB2_1:
0x15: {  	[spmem:s13], [sflag:s6] =	dma.local [hbm:s5], $0x2800  }
0x16: {  	_ =	swait.ge [sflag:s14], $0x2800  }
0x17: {  	[sflag:s14] =	ssyncset.done $0x0  }
0x18: {  	[sflag:s14] =	ssyncadd.s32 $0xFFFFD800  }
0x19: {  	[bflag:$0x0] =	sbarrier.arrive $0xFFFF  }
0x1a: {  	[tilespmem:s3], [sflag:$0x3] =	stream.linear.gather [hbm4b:s7+s3], $0x1400, $0x38;
	[tilespmem:$0x1E800] =	vst v63  }
0x1b: {  	_ =	swait.ge [sflag:s14], $0x1400  }
0x1c: {  	[sflag:s14] =	ssyncset.done $0x0  }
0x1d: {  	[sflag:s14] =	ssyncadd.s32 $0xFFFFEC00  }
0x1e: {  	[tilespmem:s15], [sflag:$0x3] =	stream.linear.gather [hbm4b:s8+s3], $0x1400, $0x38;
	[tilespmem:$0x1E800] =	vst v63  }
0x1f: {  	_ =	swait.ge [sflag:s14], $0x1400  }
0x20: {  	[sflag:s14] =	ssyncset.done $0x0  }
0x21: {  	[sflag:s14] =	ssyncadd.s32 $0xFFFFEC00  }
0x22: {  	[tilespmem:s17], [sflag:$0x1] =	stream.indirect.gather [hbm4b:s4+s16], $0x80, s3, s16, $0xb8;
	[tilespmem:$0x1E800] =	vst v63  }
0x23: {  	s25 =	simm.s32 $0x80  }
0x24: {  	[tilespmem:s18], [sflag:$0x2] =	stream.indirect.gather [hbm4b:s4+s16], $0x80, s25, s16, $0xb8;
	[tilespmem:$0x1E800] =	vst v63  }
0x25: {  	_ =	swait.ge [sflag:s19], $0x4000  }
0x26: {  	[sflag:s19] =	ssyncset.done $0x0  }
0x27: {  	s29 =	simm.s32 $0x1400;
	[sflag:s19] =	ssyncadd.s32 $0xFFFFC000  }
0x28: {  	[spmem:s2] =	stream.indirect.scatter.add.f32 [tilespmem:s17], [sflag:$0x3], $0x80, s29, s16, $0xb8;
	[tilespmem:$0x1E800] =	vst v63  }
0x29: {  	_ =	swait.ge [sflag:s14], $0x4000  }
0x2a: {  	[sflag:s14] =	ssyncset.done $0x0  }
0x2b: {  	s30 =	simm.s32 $0x100;
	[sflag:s14] =	ssyncadd.s32 $0xFFFFC000  }
0x2c: {  	[tilespmem:s17], [sflag:$0x1] =	stream.indirect.gather [hbm4b:s4+s16], $0x80, s30, s16, $0xb8;
	[tilespmem:$0x1E800] =	vst v63  }
0x2d: {  	_ =	swait.ge [sflag:s20], $0x4000  }
0x2e: {  	[sflag:s20] =	ssyncset.done $0x0  }
0x2f: {  	s31 =	simm.s32 $0x1480;
	[sflag:s20] =	ssyncadd.s32 $0xFFFFC000  }
0x30: {  	[spmem:s2] =	stream.indirect.scatter.add.f32 [tilespmem:s18], [sflag:$0x3], $0x80, s31, s16, $0xb8;
	[tilespmem:$0x1E800] =	vst v63  }
0x31: {  	_ =	swait.ge [sflag:s14], $0x4000  }
0x32: {  	s26 =	simm.s32 $0x800;
	s25 =	simm.s32 $0x100;
	[sflag:s14] =	ssyncset.done $0x0  }
.LBB2_2:
0x33: {  	s28 =	sadd.s32 $0x80, s25  }
0x34: {  	[sflag:s14] =	ssyncadd.s32 $0xFFFFC000;
	s29 =	smov.u32 s26;
	s30 =	sadd.s32 $0x400, s26  }
0x35: {  	[tilespmem:s18], [sflag:$0x2] =	stream.indirect.gather [hbm4b:s4+s16], $0x80, s28, s16, $0xb8;
	[tilespmem:$0x1E800] =	vst v63  }
0x36: {  	p0 =	sne.s32 s26, $0x4800;
	_ =	swait.ge [sflag:s19], $0x4000  }
0x37: {  	[sflag:s19] =	ssyncset.done $0x0  }
0x38: {  	s26 =	sadd.s32 $0x1400, s25;
	[sflag:s19] =	ssyncadd.s32 $0xFFFFC000  }
0x39: {  	[spmem:s2] =	stream.indirect.scatter.add.f32 [tilespmem:s17], [sflag:$0x3], $0x80, s26, s16, $0xb8;
	[tilespmem:$0x1E800] =	vst v63  }
0x3a: {  	_ =	swait.ge [sflag:s14], $0x4000  }
0x3b: {  	[sflag:s14] =	ssyncset.done $0x0  }
0x3c: {  	s26 =	sadd.s32 $0x100, s25;
	[sflag:s14] =	ssyncadd.s32 $0xFFFFC000  }
0x3d: {  	[tilespmem:s17], [sflag:$0x1] =	stream.indirect.gather [hbm4b:s4+s16], $0x80, s26, s16, $0xb8;
	[tilespmem:$0x1E800] =	vst v63  }
0x3e: {  	_ =	swait.ge [sflag:s20], $0x4000  }
.Ltmp0:
0x3f: {  	[sflag:s20] =	ssyncset.done $0x0;
	(pc) =	sbr.rel @p0 .LBB2_2-.Ltmp0, $4  }
0x40: {  	s25 =	sadd.s32 $0x1480, s25;
	[sflag:s20] =	ssyncadd.s32 $0xFFFFC000  }
0x41: {  	[spmem:s2] =	stream.indirect.scatter.add.f32 [tilespmem:s18], [sflag:$0x3], $0x80, s25, s16, $0xb8;
	[tilespmem:$0x1E800] =	vst v63  }
0x42: {  	_ =	swait.ge [sflag:s14], $0x4000  }
0x43: {  	s26 =	smov.u32 s30;
	s25 =	sshra.s32 s29, $0x2;
	[sflag:s14] =	ssyncset.done $0x0  }
0x44: {  	s26 =	sadd.s32 $0x80, s25;
	[sflag:s14] =	ssyncadd.s32 $0xFFFFC000  }
0x45: {  	[tilespmem:s18], [sflag:$0x2] =	stream.indirect.gather [hbm4b:s4+s16], $0x80, s26, s16, $0xb8;
	[tilespmem:$0x1E800] =	vst v63  }
0x46: {  	_ =	swait.ge [sflag:s19], $0x4000  }
0x47: {  	[sflag:s19] =	ssyncset.done $0x0  }
0x48: {  	s29 =	sadd.s32 $0x1400, s25;
	[sflag:s19] =	ssyncadd.s32 $0xFFFFC000  }
0x49: {  	[spmem:s2] =	stream.indirect.scatter.add.f32 [tilespmem:s17], [sflag:$0x3], $0x80, s29, s16, $0xb8;
	[tilespmem:$0x1E800] =	vst v63  }
0x4a: {  	_ =	swait.ge [sflag:s14], $0x4000  }
0x4b: {  	[sflag:s14] =	ssyncset.done $0x0  }
0x4c: {  	s30 =	sadd.s32 $0x100, s25;
	[sflag:s14] =	ssyncadd.s32 $0xFFFFC000  }
0x4d: {  	[tilespmem:s17], [sflag:$0x1] =	stream.indirect.gather [hbm4b:s4+s16], $0x80, s30, s16, $0xb8;
	[tilespmem:$0x1E800] =	vst v63  }
0x4e: {  	_ =	swait.ge [sflag:s20], $0x4000  }
0x4f: {  	[sflag:s20] =	ssyncset.done $0x0  }
0x50: {  	s31 =	sadd.s32 $0x1480, s25;
	[sflag:s20] =	ssyncadd.s32 $0xFFFFC000  }
0x51: {  	[spmem:s2] =	stream.indirect.scatter.add.f32 [tilespmem:s18], [sflag:$0x3], $0x80, s31, s16, $0xb8;
	[tilespmem:$0x1E800] =	vst v63  }
0x52: {  	_ =	swait.ge [sflag:s14], $0x4000  }
0x53: {  	[sflag:s14] =	ssyncset.done $0x0  }
0x54: {  	[sflag:s14] =	ssyncadd.s32 $0xFFFFC000  }
0x55: {  	[tilespmem:s18], [sflag:$0x2] =	stream.indirect.gather [hbm4b:s4+s16], $0x80, s21, s16, $0xb8;
	[tilespmem:$0x1E800] =	vst v63  }
0x56: {  	_ =	swait.ge [sflag:s19], $0x4000  }
0x57: {  	[sflag:s19] =	ssyncset.done $0x0  }
0x58: {  	[sflag:s19] =	ssyncadd.s32 $0xFFFFC000  }
0x59: {  	[spmem:s2] =	stream.indirect.scatter.add.f32 [tilespmem:s17], [sflag:$0x3], $0x80, s22, s16, $0xb8;
	[tilespmem:$0x1E800] =	vst v63  }
0x5a: {  	_ =	swait.ge [sflag:s14], $0x4000  }
0x5b: {  	[sflag:s14] =	ssyncset.done $0x0  }
0x5c: {  	[sflag:s14] =	ssyncadd.s32 $0xFFFFC000  }
0x5d: {  	_ =	swait.ge [sflag:s20], $0x4000  }
0x5e: {  	[sflag:s20] =	ssyncset.done $0x0  }
0x5f: {  	[sflag:s20] =	ssyncadd.s32 $0xFFFFC000  }
0x60: {  	[spmem:s2] =	stream.indirect.scatter.add.f32 [tilespmem:s18], [sflag:$0x3], $0x80, s23, s16, $0xb8;
	[tilespmem:$0x1E800] =	vst v63  }
0x61: {  	_ =	swait.ge [sflag:s14], $0x4000  }
0x62: {  	[sflag:s14] =	ssyncset.done $0x0  }
0x63: {  	s26 =	simm.s32 $0x0;
	[sflag:s14] =	ssyncadd.s32 $0xFFFFC000  }
0x64: {  	[tilespmem:s26], [sflag:$0x3] =	stream.linear.gather [hbm4b:s9+s26], $0x1400, $0x38;
	[tilespmem:$0x1E800] =	vst v63  }
0x65: {  	_ =	swait.ge [sflag:s14], $0x1400  }
0x66: {  	[sflag:s14] =	ssyncset.done $0x0  }
0x67: {  	[sflag:s14] =	ssyncadd.s32 $0xFFFFEC00  }
0x68: {  	[tilespmem:s15], [sflag:$0x3] =	stream.linear.gather [hbm4b:s10+s26], $0x1400, $0x38;
	[tilespmem:$0x1E800] =	vst v63  }
0x69: {  	_ =	swait.ge [sflag:s14], $0x1400  }
0x6a: {  	[sflag:s14] =	ssyncset.done $0x0  }
0x6b: {  	[sflag:s14] =	ssyncadd.s32 $0xFFFFEC00  }
0x6c: {  	[tilespmem:s17], [sflag:$0x1] =	stream.indirect.gather [hbm4b:s4+s16], $0x80, s26, s16, $0xb8;
	[tilespmem:$0x1E800] =	vst v63  }
0x6d: {  	s28 =	simm.s32 $0x80  }
0x6e: {  	[tilespmem:s18], [sflag:$0x2] =	stream.indirect.gather [hbm4b:s4+s16], $0x80, s28, s16, $0xb8;
	[tilespmem:$0x1E800] =	vst v63  }
0x6f: {  	_ =	swait.ge [sflag:s19], $0x4000  }
0x70: {  	[sflag:s19] =	ssyncset.done $0x0  }
0x71: {  	s29 =	simm.s32 $0x1400;
	[sflag:s19] =	ssyncadd.s32 $0xFFFFC000  }
0x72: {  	[spmem:s2] =	stream.indirect.scatter.add.f32 [tilespmem:s17], [sflag:$0x3], $0x80, s29, s16, $0xb8;
	[tilespmem:$0x1E800] =	vst v63  }
0x73: {  	_ =	swait.ge [sflag:s14], $0x4000  }
0x74: {  	[sflag:s14] =	ssyncset.done $0x0  }
0x75: {  	s30 =	simm.s32 $0x100;
	[sflag:s14] =	ssyncadd.s32 $0xFFFFC000  }
0x76: {  	[tilespmem:s17], [sflag:$0x1] =	stream.indirect.gather [hbm4b:s4+s16], $0x80, s30, s16, $0xb8;
	[tilespmem:$0x1E800] =	vst v63  }
0x77: {  	_ =	swait.ge [sflag:s20], $0x4000  }
0x78: {  	[sflag:s20] =	ssyncset.done $0x0  }
0x79: {  	s31 =	simm.s32 $0x1480;
	[sflag:s20] =	ssyncadd.s32 $0xFFFFC000  }
0x7a: {  	[spmem:s2] =	stream.indirect.scatter.add.f32 [tilespmem:s18], [sflag:$0x3], $0x80, s31, s16, $0xb8;
	[tilespmem:$0x1E800] =	vst v63  }
0x7b: {  	_ =	swait.ge [sflag:s14], $0x4000  }
0x7c: {  	s25 =	simm.s32 $0x100;
	s26 =	simm.s32 $0x800;
	[sflag:s14] =	ssyncset.done $0x0  }
.LBB2_4:
0x7d: {  	s28 =	sadd.s32 $0x80, s25  }
0x7e: {  	[sflag:s14] =	ssyncadd.s32 $0xFFFFC000;
	s29 =	smov.u32 s26;
	s30 =	sadd.s32 $0x400, s26  }
0x7f: {  	[tilespmem:s18], [sflag:$0x2] =	stream.indirect.gather [hbm4b:s4+s16], $0x80, s28, s16, $0xb8;
	[tilespmem:$0x1E800] =	vst v63  }
0x80: {  	p0 =	sne.s32 s26, $0x4800;
	_ =	swait.ge [sflag:s19], $0x4000  }
0x81: {  	[sflag:s19] =	ssyncset.done $0x0  }
0x82: {  	s26 =	sadd.s32 $0x1400, s25;
	[sflag:s19] =	ssyncadd.s32 $0xFFFFC000  }
0x83: {  	[spmem:s2] =	stream.indirect.scatter.add.f32 [tilespmem:s17], [sflag:$0x3], $0x80, s26, s16, $0xb8;
	[tilespmem:$0x1E800] =	vst v63  }
0x84: {  	_ =	swait.ge [sflag:s14], $0x4000  }
0x85: {  	[sflag:s14] =	ssyncset.done $0x0  }
0x86: {  	s26 =	sadd.s32 $0x100, s25;
	[sflag:s14] =	ssyncadd.s32 $0xFFFFC000  }
0x87: {  	[tilespmem:s17], [sflag:$0x1] =	stream.indirect.gather [hbm4b:s4+s16], $0x80, s26, s16, $0xb8;
	[tilespmem:$0x1E800] =	vst v63  }
0x88: {  	_ =	swait.ge [sflag:s20], $0x4000  }
.Ltmp1:
0x89: {  	[sflag:s20] =	ssyncset.done $0x0;
	(pc) =	sbr.rel @p0 .LBB2_4-.Ltmp1, $4  }
0x8a: {  	s25 =	sadd.s32 $0x1480, s25;
	[sflag:s20] =	ssyncadd.s32 $0xFFFFC000  }
0x8b: {  	[spmem:s2] =	stream.indirect.scatter.add.f32 [tilespmem:s18], [sflag:$0x3], $0x80, s25, s16, $0xb8;
	[tilespmem:$0x1E800] =	vst v63  }
0x8c: {  	_ =	swait.ge [sflag:s14], $0x4000  }
0x8d: {  	s26 =	smov.u32 s30;
	s25 =	sshra.s32 s29, $0x2;
	[sflag:s14] =	ssyncset.done $0x0  }
0x8e: {  	s26 =	sadd.s32 $0x80, s25;
	[sflag:s14] =	ssyncadd.s32 $0xFFFFC000  }
0x8f: {  	[tilespmem:s18], [sflag:$0x2] =	stream.indirect.gather [hbm4b:s4+s16], $0x80, s26, s16, $0xb8;
	[tilespmem:$0x1E800] =	vst v63  }
0x90: {  	_ =	swait.ge [sflag:s19], $0x4000  }
0x91: {  	[sflag:s19] =	ssyncset.done $0x0  }
0x92: {  	s29 =	sadd.s32 $0x1400, s25;
	[sflag:s19] =	ssyncadd.s32 $0xFFFFC000  }
0x93: {  	[spmem:s2] =	stream.indirect.scatter.add.f32 [tilespmem:s17], [sflag:$0x3], $0x80, s29, s16, $0xb8;
	[tilespmem:$0x1E800] =	vst v63  }
0x94: {  	_ =	swait.ge [sflag:s14], $0x4000  }
0x95: {  	[sflag:s14] =	ssyncset.done $0x0  }
0x96: {  	s30 =	sadd.s32 $0x100, s25;
	[sflag:s14] =	ssyncadd.s32 $0xFFFFC000  }
0x97: {  	[tilespmem:s17], [sflag:$0x1] =	stream.indirect.gather [hbm4b:s4+s16], $0x80, s30, s16, $0xb8;
	[tilespmem:$0x1E800] =	vst v63  }
0x98: {  	_ =	swait.ge [sflag:s20], $0x4000  }
0x99: {  	[sflag:s20] =	ssyncset.done $0x0  }
0x9a: {  	s31 =	sadd.s32 $0x1480, s25;
	[sflag:s20] =	ssyncadd.s32 $0xFFFFC000  }
0x9b: {  	[spmem:s2] =	stream.indirect.scatter.add.f32 [tilespmem:s18], [sflag:$0x3], $0x80, s31, s16, $0xb8;
	[tilespmem:$0x1E800] =	vst v63  }
0x9c: {  	_ =	swait.ge [sflag:s14], $0x4000  }
0x9d: {  	[sflag:s14] =	ssyncset.done $0x0  }
0x9e: {  	[sflag:s14] =	ssyncadd.s32 $0xFFFFC000  }
0x9f: {  	[tilespmem:s18], [sflag:$0x2] =	stream.indirect.gather [hbm4b:s4+s16], $0x80, s21, s16, $0xb8;
	[tilespmem:$0x1E800] =	vst v63  }
0xa0: {  	_ =	swait.ge [sflag:s19], $0x4000  }
0xa1: {  	[sflag:s19] =	ssyncset.done $0x0  }
0xa2: {  	[sflag:s19] =	ssyncadd.s32 $0xFFFFC000  }
0xa3: {  	[spmem:s2] =	stream.indirect.scatter.add.f32 [tilespmem:s17], [sflag:$0x3], $0x80, s22, s16, $0xb8;
	[tilespmem:$0x1E800] =	vst v63  }
0xa4: {  	_ =	swait.ge [sflag:s14], $0x4000  }
0xa5: {  	[sflag:s14] =	ssyncset.done $0x0  }
0xa6: {  	[sflag:s14] =	ssyncadd.s32 $0xFFFFC000  }
0xa7: {  	_ =	swait.ge [sflag:s20], $0x4000  }
0xa8: {  	[sflag:s20] =	ssyncset.done $0x0  }
0xa9: {  	[sflag:s20] =	ssyncadd.s32 $0xFFFFC000  }
0xaa: {  	[spmem:s2] =	stream.indirect.scatter.add.f32 [tilespmem:s18], [sflag:$0x3], $0x80, s23, s16, $0xb8;
	[tilespmem:$0x1E800] =	vst v63  }
0xab: {  	_ =	swait.ge [sflag:s14], $0x4000  }
0xac: {  	s24 =	sadd.s32 $0x1, s24;
	[sflag:s14] =	ssyncset.done $0x0  }
0xad: {  	p0 =	sne.s32 s24, s11;
	[sflag:s14] =	ssyncadd.s32 $0xFFFFC000  }
.Ltmp2:
0xae: {  	[bflag:$0x0] =	sbarrier.arrive $0xFFFF;
	(pc) =	sbr.rel @p0 .LBB2_1-.Ltmp2, $4  }
0xaf: {  	[hbm:s12], [sflag:s6] =	dma.local [spmem:s13], $0x2800  }
0xb0: {  	_ =	swait.ge [sflag:s14], $0x2800  }
0xb1: {  	[sflag:s14] =	ssyncset.done $0x0  }
0xb2: {  	[sflag:s14] =	ssyncadd.s32 $0xFFFFD800  }
0xb3: {  	_ =	sfence.sel $0x180000  }
0xb4: {  	[bflag:$0x0] =	sbarrier.arrive $0xFFFF  }
0xb5: {  	p0 =	sne.s32 s1, $0x0;
	_ =	strace $0x90000050  }
0xb6: {  	s0 =	sadd.s32 @!p0 $0x100000, s0;
	[bflag:$0x2] =	sbarrier.arrive $0xFFFF  }
0xb7: {  	[sflag:s0] =	ssyncadd.tile.s32 @!p0 $0x1;
	_ =	shalt  }
.Lfunc_end2:
_tile_overlayer_lowered:
.L_overlay_start_2:
0xb8: {  	(tag) =	ssettag $0x2  }
0xb9: {  	s0 =	rddreg [dreg:$0x0];
	s2 =	stileid.u32  }
0xba: {  	s1 =	rddreg [dreg:$0x1];
	p0 =	sne.s32 s2, $0x0  }
0xbb: {  	s3 =	rddreg [dreg:$0x2];
	[bflag:$0x3] =	sbarrier.arrive $0xFFFF;
	s2 =	simm.s32 @!p0 $0x1C03  }
0xbc: {  	[timem:s3], [sflag:s2] =	dma.local @!p0 [hbm:s0], s1  }
0xbd: {  	s0 =	simm.s32 @!p0 $0x3  }
0xbe: {  	_ =	swait.ge @!p0 [sflag:s0], s1  }
0xbf: {  	s1 =	ssub.s32 @!p0 $0x0, s1;
	[sflag:s0] =	ssyncset.done @!p0 $0x0  }
0xc0: {  	[sflag:s0] =	ssyncadd.s32 @!p0 s1  }
0xc1: {  	[bflag:$0x3] =	sbarrier.arrive $0xFFFF  }
0xc2: {  	_ =	shalt  }

</sc_bundles>
